<compile_context>
chip_gen: v7x
topology: tpu7x:2x2x1
jax: 0.10.2.dev20260603
libtpu: 0.0.44.dev20260713+nightly
codegen_flags: <defaults>
</compile_context>

<pallas_src>
import functools

import jax
import jax.numpy as jnp
from jax import lax
from jax.experimental import pallas as pl
from jax.experimental.pallas import tpu as pltpu
from jax.experimental.pallas import tpu_sc as plsc

_NC = 2
_NS = 16
_NW = _NC * _NS
_CHUNK = 512
_NBUF = 4
_LAG = 2
_HP = 32


def _sc_mesh():
    return plsc.VectorSubcoreMesh(core_axis_name="c", subcore_axis_name="s")


def _degrees(dst3, ones_l, zeros_n, np_, nch):
    rpt = np_ // _NS

    @functools.partial(
        pl.kernel,
        out_type=[jax.ShapeDtypeStruct((np_,), jnp.float32),
                  jax.ShapeDtypeStruct((np_,), jnp.float32)],
        mesh=_sc_mesh(),
        scratch_types=[
            pltpu.VMEM((nch, _CHUNK), jnp.int32),
            pltpu.VMEM((_CHUNK,), jnp.float32),
            pltpu.VMEM_SHARED((np_,), jnp.float32),
            pltpu.SemaphoreType.DMA,
        ],
        compiler_params=pltpu.CompilerParams(use_tc_tiling_on_sc=False),
    )
    def k(dst_hbm, ones_hbm, z_hbm, out0, out1, dst_v, ones_v, acc_sh, sem):
        c = lax.axis_index("c")
        s = lax.axis_index("s")
        wid = c * _NS + s
        base = s * rpt
        pltpu.sync_copy(z_hbm.at[pl.ds(base, rpt)], acc_sh.at[pl.ds(base, rpt)])
        pltpu.sync_copy(dst_hbm.at[wid], dst_v)
        pltpu.sync_copy(ones_hbm, ones_v)
        plsc.subcore_barrier()

        def body(j, carry):
            pltpu.async_copy(ones_v, acc_sh.at[dst_v.at[j]], sem, add=True)
            return carry

        lax.fori_loop(0, nch, body, 0)

        def drain(j, carry):
            pltpu.make_async_copy(ones_v, acc_sh.at[dst_v.at[0]], sem).wait()
            return carry

        lax.fori_loop(0, nch, drain, 0)
        plsc.subcore_barrier()

        @pl.when(c == 0)
        def _():
            pltpu.sync_copy(acc_sh.at[pl.ds(base, rpt)], out0.at[pl.ds(base, rpt)])

        @pl.when(c == 1)
        def _():
            pltpu.sync_copy(acc_sh.at[pl.ds(base, rpt)], out1.at[pl.ds(base, rpt)])

    return k(dst3, ones_l, zeros_n)


def _scatter_rows(src3, dst3, g, zeros_rows, np_, nch):
    rpt = np_ // _NS

    @functools.partial(
        pl.kernel,
        out_type=[jax.ShapeDtypeStruct((np_, _HP), jnp.float32),
                  jax.ShapeDtypeStruct((np_, _HP), jnp.float32)],
        mesh=_sc_mesh(),
        scratch_types=[
            pltpu.VMEM((nch, _CHUNK), jnp.int32),
            pltpu.VMEM((nch, _CHUNK), jnp.int32),
            pltpu.VMEM((_NBUF, _CHUNK, _HP), jnp.float32),
            pltpu.VMEM_SHARED((np_, _HP), jnp.float32),
            pltpu.SemaphoreType.DMA((_NBUF,)),
            pltpu.SemaphoreType.DMA((_NBUF,)),
        ],
        compiler_params=pltpu.CompilerParams(use_tc_tiling_on_sc=False),
    )
    def k(src_hbm, dst_hbm, g_hbm, z_hbm, out0, out1,
          src_v, dst_v, rows_v, acc_sh, gsem, ssem):
        c = lax.axis_index("c")
        s = lax.axis_index("s")
        wid = c * _NS + s
        base = s * rpt

        @pl.when(c == 0)
        def _():
            pltpu.sync_copy(g_hbm.at[pl.ds(base, rpt)], acc_sh.at[pl.ds(base, rpt)])

        @pl.when(c == 1)
        def _():
            pltpu.sync_copy(z_hbm.at[pl.ds(base, rpt)], acc_sh.at[pl.ds(base, rpt)])

        pltpu.sync_copy(src_hbm.at[wid], src_v)
        pltpu.sync_copy(dst_hbm.at[wid], dst_v)
        plsc.subcore_barrier()

        def body(j, carry):
            b = lax.rem(j, _NBUF)

            @pl.when(j < nch)
            def _():
                @pl.when(j >= _NBUF)
                def _():
                    pltpu.make_async_copy(
                        rows_v.at[b], acc_sh.at[dst_v.at[j - _NBUF]],
                        ssem.at[b]).wait()
                pltpu.async_copy(g_hbm.at[src_v.at[j]], rows_v.at[b],
                                 gsem.at[b])

            i = j - _LAG

            @pl.when((i >= 0) & (i < nch))
            def _():
                bi = lax.rem(i + _NBUF, _NBUF)
                pltpu.make_async_copy(g_hbm.at[src_v.at[i]], rows_v.at[bi],
                                      gsem.at[bi]).wait()
                pltpu.async_copy(rows_v.at[bi], acc_sh.at[dst_v.at[i]],
                                 ssem.at[bi], add=True)

            return carry

        lax.fori_loop(0, nch + _LAG, body, 0)
        for b in range(_NBUF):
            pltpu.make_async_copy(rows_v.at[b], acc_sh.at[dst_v.at[0]],
                                  ssem.at[b]).wait()
        plsc.subcore_barrier()

        @pl.when(c == 0)
        def _():
            pltpu.sync_copy(acc_sh.at[pl.ds(base, rpt)], out0.at[pl.ds(base, rpt)])

        @pl.when(c == 1)
        def _():
            pltpu.sync_copy(acc_sh.at[pl.ds(base, rpt)], out1.at[pl.ds(base, rpt)])

    return k(src3, dst3, g, zeros_rows)




def _tc_matmul0(xt, w0t):
    np_ = xt.shape[1]
    hp = w0t.shape[0]

    def body(x_ref, w_ref, h_ref):
        h_ref[...] = jnp.dot(w_ref[...], x_ref[...],
                             preferred_element_type=jnp.float32)

    return pl.pallas_call(
        body,
        out_shape=jax.ShapeDtypeStruct((hp, np_), jnp.float32),
    )(xt, w0t)


def _tc_prep(h0t, d0, d1):

    def body(h_ref, d0_ref, d1_ref, g_ref, dinv_ref):
        dinv = lax.rsqrt(d0_ref[...] + d1_ref[...] + 1.0)
        g_ref[...] = h_ref[...] * dinv
        dinv_ref[...] = dinv

    return pl.pallas_call(
        body,
        out_shape=[
            jax.ShapeDtypeStruct(h0t.shape, jnp.float32),
            jax.ShapeDtypeStruct(d0.shape, jnp.float32),
        ],
    )(h0t, d0, d1)


def _tc_mid(p0t, p1t, dinvt, bt, wt):

    def body(p0_ref, p1_ref, dinv_ref, b_ref, w_ref, g_ref):
        dinv = dinv_ref[...]
        h = jnp.maximum((p0_ref[...] + p1_ref[...]) * dinv + b_ref[...], 0.0)
        g_ref[...] = jnp.dot(w_ref[...], h,
                             preferred_element_type=jnp.float32) * dinv

    return pl.pallas_call(
        body,
        out_shape=jax.ShapeDtypeStruct(p0t.shape, jnp.float32),
    )(p0t, p1t, dinvt, bt, wt)


def _tc_final(p0t, p1t, dinvt, b3t, wlt, blt):
    np_ = p0t.shape[1]
    n_cls = wlt.shape[0]

    def body(p0_ref, p1_ref, dinv_ref, b_ref, w_ref, bl_ref, o_ref):
        h = (p0_ref[...] + p1_ref[...]) * dinv_ref[...] + b_ref[...]
        o_ref[...] = jnp.dot(w_ref[...], h,
                             preferred_element_type=jnp.float32) + bl_ref[...]

    return pl.pallas_call(
        body,
        out_shape=jax.ShapeDtypeStruct((n_cls, np_), jnp.float32),
    )(p0t, p1t, dinvt, b3t, wlt, blt)


def kernel(x, edge_index, batch, W0, b0, W1, b1, W2, b2, W3, b3, Wl, bl):
    n, f_in = x.shape
    e = edge_index.shape[1]
    h = W0.shape[1]

    np_ = ((n + 2047) // 2048) * 2048
    n_pad_rows = np_ - n

    slab = _NW * _CHUNK
    ep = ((e + slab - 1) // slab) * slab
    nch = ep // slab
    pad = ep - e
    pad_idx = n + (jnp.arange(pad, dtype=jnp.int32) % n_pad_rows)
    src3 = jnp.concatenate([edge_index[0], pad_idx]).reshape(_NW, nch, _CHUNK)
    dst3 = jnp.concatenate([edge_index[1], pad_idx]).reshape(_NW, nch, _CHUNK)

    zeros_rows = jnp.zeros((np_, _HP), jnp.float32)
    zeros_n = jnp.zeros((np_,), jnp.float32)
    ones_l = jnp.ones((_CHUNK,), jnp.float32)

    xt = jnp.pad(x, ((0, np_ - n), (0, 0))).T
    w0t = jnp.pad(W0, ((0, 0), (0, _HP - h))).T
    w1t = jnp.pad(W1, ((0, _HP - h), (0, _HP - h))).T
    w2t = jnp.pad(W2, ((0, _HP - h), (0, _HP - h))).T
    w3t = jnp.pad(W3, ((0, _HP - h), (0, _HP - h))).T
    wlt = jnp.pad(Wl, ((0, _HP - h), (0, 0))).T
    b0t = jnp.pad(b0, (0, _HP - h))[:, None]
    b1t = jnp.pad(b1, (0, _HP - h))[:, None]
    b2t = jnp.pad(b2, (0, _HP - h))[:, None]
    b3t = jnp.pad(b3, (0, _HP - h))[:, None]
    blt = bl[:, None]

    h0t = _tc_matmul0(xt, w0t)
    d0, d1 = _degrees(dst3, ones_l, zeros_n, np_, nch)
    gt, dinvt = _tc_prep(h0t, d0[None, :], d1[None, :])

    for bt, wt in ((b0t, w1t), (b1t, w2t), (b2t, w3t)):
        p0, p1 = _scatter_rows(src3, dst3, gt.T, zeros_rows, np_, nch)
        gt = _tc_mid(p0.T, p1.T, dinvt, bt, wt)

    p0, p1 = _scatter_rows(src3, dst3, gt.T, zeros_rows, np_, nch)
    out = _tc_final(p0.T, p1.T, dinvt, b3t, wlt, blt)
    return out.T[:n]

# --- scband reference (transcript-rebuilt; emitter-appended) ---
"""Pipeline reference for scband-mutag-gcn-26371099198070 (READ-ONLY COPY).

The authoritative reference and input builder live on the scoring server;
editing this copy changes nothing except your own understanding.
"""

import jax, jax.numpy as jnp
import numpy as np

N = 10000
E = 320000
F_IN = 128
H = 30
C = 2
B = 64


def setup_inputs(seed: int = 0) -> dict:
    key = jax.random.key(seed)
    ks = jax.random.split(key, 14)
    x = jax.random.normal(ks[0], (N, F_IN), dtype=jnp.float32)
    edge_index = jax.random.randint(ks[1], (2, E), 0, N, dtype=jnp.int32)
    batch = jnp.sort(jax.random.randint(ks[2], (N,), 0, B, dtype=jnp.int32))
    def glorot(k, fan_in, fan_out):
        s = float(np.sqrt(6.0 / (fan_in + fan_out)))
        return jax.random.uniform(k, (fan_in, fan_out), jnp.float32, -s, s)
    W0 = glorot(ks[3], F_IN, H); b0 = jnp.zeros((H,), jnp.float32)
    W1 = glorot(ks[4], H, H); b1 = jnp.zeros((H,), jnp.float32)
    W2 = glorot(ks[5], H, H); b2 = jnp.zeros((H,), jnp.float32)
    W3 = glorot(ks[6], H, H); b3 = jnp.zeros((H,), jnp.float32)
    Wl = glorot(ks[7], H, C); bl = jnp.zeros((C,), jnp.float32)
    return {"x": x, "edge_index": edge_index, "batch": batch,
            "W0": W0, "b0": b0, "W1": W1, "b1": b1,
            "W2": W2, "b2": b2, "W3": W3, "b3": b3,
            "Wl": Wl, "bl": bl}


def gcn_conv(x, src, dst, W, b, n_nodes):
    # PyG GCNConv: x' = D^{-1/2} (A + I) D^{-1/2} X W + b
    h = x @ W
    loop = jnp.arange(n_nodes, dtype=src.dtype)
    s = jnp.concatenate([src, loop])
    d = jnp.concatenate([dst, loop])
    deg = jax.ops.segment_sum(jnp.ones(d.shape[0], dtype=h.dtype), d, num_segments=n_nodes)
    dinv = jnp.where(deg > 0, 1.0 / jnp.sqrt(deg), 0.0)
    norm = dinv[s] * dinv[d]
    msg = norm[:, None] * h[s]
    out = jax.ops.segment_sum(msg, d, num_segments=n_nodes)
    return out + b


def global_mean_pool(x, batch, num_graphs):
    s = jax.ops.segment_sum(x, batch, num_segments=num_graphs)
    cnt = jax.ops.segment_sum(jnp.ones(x.shape[0], dtype=x.dtype), batch, num_segments=num_graphs)
    return s / jnp.clip(cnt, 1.0)[:, None]


def reference(x, edge_index, batch, W0, b0, W1, b1, W2, b2, W3, b3, Wl, bl):
    src, dst = edge_index[0], edge_index[1]
    h = gcn_conv(x, src, dst, W0, b0, N)
    h = jax.nn.relu(h)
    _ = global_mean_pool(h, batch, B)
    h = gcn_conv(h, src, dst, W1, b1, N)
    h = jax.nn.relu(h)
    _ = global_mean_pool(h, batch, B)
    h = gcn_conv(h, src, dst, W2, b2, N)
    h = jax.nn.relu(h)
    _ = global_mean_pool(h, batch, B)
    h = gcn_conv(h, src, dst, W3, b3, N)
    _ = global_mean_pool(h, batch, B)
    out = h @ Wl + bl
    return out

if __name__ == "__main__":
    import jax
    _d = setup_inputs()
    print(jax.jit(kernel)(*tuple(_d.values())))

</pallas_src>

<mosaic_0001>
#map = affine_map<(d0, d1) -> (0, 0, 0)>
#map1 = affine_map<(d0, d1) -> (0)>
module attributes {stable_mosaic.version = 14 : i64} {
  func.func @k(%arg0: i32, %arg1: i32, %arg2: memref<32x20x512xi32, #tpu.memory_space<hbm>>, %arg3: memref<512xf32, #tpu.memory_space<hbm>>, %arg4: memref<10240xf32, #tpu.memory_space<hbm>>, %arg5: memref<10240xf32, #tpu.memory_space<hbm>>, %arg6: memref<10240xf32, #tpu.memory_space<hbm>>, %arg7: memref<20x512xi32, #tpu.memory_space<vmem>>, %arg8: memref<512xf32, #tpu.memory_space<vmem>>, %arg9: memref<10240xf32, #tpu.memory_space<vmem_shared>>, %arg10: memref<!tpu.dma_semaphore, #tpu.memory_space<semaphore_mem>>) attributes {dimension_semantics = [#tpu.dimension_semantics<core_parallel>, #tpu.dimension_semantics<subcore_parallel>], iteration_bounds = array<i64: 2, 16>, scalar_prefetch = 0 : i64, scratch_operands = 4 : i64, tpu.core_type = #tpu.core_type<sc_vector_subcore>, window_params = [{transform_indices = #map}, {transform_indices = #map1}, {transform_indices = #map1}, {transform_indices = #map1}, {transform_indices = #map1}]} {
    %mul3A = arith.constant 16 : i32
    %mul3A_0 = arith.muli %arg0, %mul3A : i32
    %add3A = arith.addi %mul3A_0, %arg1 : i32
    %mul3A_1 = arith.constant 640 : i32
    %mul3A_2 = arith.muli %arg1, %mul3A_1 : i32
    "tpu.region"() ({
      %run_scoped3A = tpu.sem_alloc : memref<!tpu.dma_semaphore, #tpu.memory_space<semaphore_mem>>
      %dma_start3A = tpu.memref_slice %arg9[%mul3A_2] : memref<10240xf32, #tpu.memory_space<vmem_shared>> -> memref<640xf32, #tpu.memory_space<vmem_shared>>
      %dma_start3A_22 = tpu.memref_slice %arg4[%mul3A_2] : memref<10240xf32, #tpu.memory_space<hbm>> -> memref<640xf32, #tpu.memory_space<hbm>>
      tpu.enqueue_dma source(%dma_start3A_22 : memref<640xf32, #tpu.memory_space<hbm>>) target(%dma_start3A : memref<640xf32, #tpu.memory_space<vmem_shared>>) target_semaphore(%run_scoped3A : memref<!tpu.dma_semaphore, #tpu.memory_space<semaphore_mem>>)
      %dma_wait3A = tpu.memref_slice %arg9[%mul3A_2] : memref<10240xf32, #tpu.memory_space<vmem_shared>> -> memref<640xf32, #tpu.memory_space<vmem_shared>>
      %dma_wait3A_23 = tpu.memref_slice %arg4[%mul3A_2] : memref<10240xf32, #tpu.memory_space<hbm>> -> memref<640xf32, #tpu.memory_space<hbm>>
      tpu.wait_dma2 semaphore(%run_scoped3A : memref<!tpu.dma_semaphore, #tpu.memory_space<semaphore_mem>>) src(%dma_wait3A_23 : memref<640xf32, #tpu.memory_space<hbm>>) dst(%dma_wait3A : memref<640xf32, #tpu.memory_space<vmem_shared>>)
      tpu.yield
    }) : () -> ()
    "tpu.region"() ({
      %run_scoped3A = tpu.sem_alloc : memref<!tpu.dma_semaphore, #tpu.memory_space<semaphore_mem>>
      %dma_start3A = arith.constant 0 : i32
      %dma_start3A_22 = arith.constant 0 : i32
      %dma_start3A_23 = tpu.memref_slice %arg2[%add3A, %dma_start3A, %dma_start3A_22] : memref<32x20x512xi32, #tpu.memory_space<hbm>> -> memref<1x20x512xi32, #tpu.memory_space<hbm>>
      %dma_start3A_24 = tpu.memref_squeeze %dma_start3A_23 : memref<1x20x512xi32, #tpu.memory_space<hbm>> -> memref<20x512xi32, #tpu.memory_space<hbm>>
      %dma_start3A_25 = arith.constant 0 : i32
      %dma_start3A_26 = arith.constant 0 : i32
      %dma_start3A_27 = tpu.memref_slice %arg2[%add3A, %dma_start3A_25, %dma_start3A_26] : memref<32x20x512xi32, #tpu.memory_space<hbm>> -> memref<1x20x512xi32, #tpu.memory_space<hbm>>
      %dma_start3A_28 = tpu.memref_squeeze %dma_start3A_27 : memref<1x20x512xi32, #tpu.memory_space<hbm>> -> memref<20x512xi32, #tpu.memory_space<hbm>>
      tpu.enqueue_dma source(%dma_start3A_28 : memref<20x512xi32, #tpu.memory_space<hbm>>) target(%arg7 : memref<20x512xi32, #tpu.memory_space<vmem>>) target_semaphore(%run_scoped3A : memref<!tpu.dma_semaphore, #tpu.memory_space<semaphore_mem>>)
      %dma_wait3A = arith.constant 0 : i32
      %dma_wait3A_29 = arith.constant 0 : i32
      %dma_wait3A_30 = tpu.memref_slice %arg2[%add3A, %dma_wait3A, %dma_wait3A_29] : memref<32x20x512xi32, #tpu.memory_space<hbm>> -> memref<1x20x512xi32, #tpu.memory_space<hbm>>
      %dma_wait3A_31 = tpu.memref_squeeze %dma_wait3A_30 : memref<1x20x512xi32, #tpu.memory_space<hbm>> -> memref<20x512xi32, #tpu.memory_space<hbm>>
      %dma_wait3A_32 = arith.constant 0 : i32
      %dma_wait3A_33 = arith.constant 0 : i32
      %dma_wait3A_34 = tpu.memref_slice %arg2[%add3A, %dma_wait3A_32, %dma_wait3A_33] : memref<32x20x512xi32, #tpu.memory_space<hbm>> -> memref<1x20x512xi32, #tpu.memory_space<hbm>>
      %dma_wait3A_35 = tpu.memref_squeeze %dma_wait3A_34 : memref<1x20x512xi32, #tpu.memory_space<hbm>> -> memref<20x512xi32, #tpu.memory_space<hbm>>
      tpu.wait_dma2 semaphore(%run_scoped3A : memref<!tpu.dma_semaphore, #tpu.memory_space<semaphore_mem>>) src(%dma_wait3A_35 : memref<20x512xi32, #tpu.memory_space<hbm>>) dst(%arg7 : memref<20x512xi32, #tpu.memory_space<vmem>>)
      tpu.yield
    }) : () -> ()
    "tpu.region"() ({
      %run_scoped3A = tpu.sem_alloc : memref<!tpu.dma_semaphore, #tpu.memory_space<semaphore_mem>>
      tpu.enqueue_dma source(%arg3 : memref<512xf32, #tpu.memory_space<hbm>>) target(%arg8 : memref<512xf32, #tpu.memory_space<vmem>>) target_semaphore(%run_scoped3A : memref<!tpu.dma_semaphore, #tpu.memory_space<semaphore_mem>>)
      tpu.wait_dma2 semaphore(%run_scoped3A : memref<!tpu.dma_semaphore, #tpu.memory_space<semaphore_mem>>) src(%arg3 : memref<512xf32, #tpu.memory_space<hbm>>) dst(%arg8 : memref<512xf32, #tpu.memory_space<vmem>>)
      tpu.yield
    }) : () -> ()
    %barrier3A = arith.constant 0 : index
    tpu.barrier barrier_id(%barrier3A)
    %scan3A = arith.constant 0 : i32
    %scan3A_3 = arith.constant 0 : i32
    %scan3A_4 = arith.constant 20 : i32
    %scan3A_5 = arith.addi %scan3A_3, %scan3A_4 : i32
    %scan3A_6 = arith.constant 1 : i32
    scf.for %scan3A_22 = %scan3A_3 to %scan3A_5 step %scan3A_6  : i32 {
      %dma_start3A = arith.constant 0 : i32
      %dma_start3A_23 = tpu.memref_slice %arg7[%scan3A_22, %dma_start3A] : memref<20x512xi32, #tpu.memory_space<vmem>> -> memref<1x512xi32, #tpu.memory_space<vmem>>
      %dma_start3A_24 = tpu.memref_squeeze %dma_start3A_23 : memref<1x512xi32, #tpu.memory_space<vmem>> -> memref<512xi32, #tpu.memory_space<vmem>>
      %dma_start3A_25 = arith.constant 0 : i32
      %dma_start3A_26 = tpu.memref_slice %arg9[%dma_start3A_25] : memref<10240xf32, #tpu.memory_space<vmem_shared>> -> memref<10240xf32, #tpu.memory_space<vmem_shared>>
      tpu.enqueue_indirect_dma source(%arg8 : memref<512xf32, #tpu.memory_space<vmem>>) target(%dma_start3A_26 : memref<10240xf32, #tpu.memory_space<vmem_shared>>) offsets(%dma_start3A_24 : memref<512xi32, #tpu.memory_space<vmem>>) semaphore(%arg10 : memref<!tpu.dma_semaphore, #tpu.memory_space<semaphore_mem>>) {add = true}
    }
    %scan3A_7 = arith.constant 20 : i32
    %scan3A_8 = arith.constant 0 : i32
    %scan3A_9 = arith.constant 0 : i32
    %scan3A_10 = arith.constant 20 : i32
    %scan3A_11 = arith.addi %scan3A_9, %scan3A_10 : i32
    %scan3A_12 = arith.constant 1 : i32
    scf.for %scan3A_22 = %scan3A_9 to %scan3A_11 step %scan3A_12  : i32 {
      %dma_wait3A = arith.constant 0 : i32
      %dma_wait3A_23 = arith.constant 0 : i32
      %dma_wait3A_24 = tpu.memref_slice %arg7[%dma_wait3A, %dma_wait3A_23] : memref<20x512xi32, #tpu.memory_space<vmem>> -> memref<1x512xi32, #tpu.memory_space<vmem>>
      %dma_wait3A_25 = tpu.memref_squeeze %dma_wait3A_24 : memref<1x512xi32, #tpu.memory_space<vmem>> -> memref<512xi32, #tpu.memory_space<vmem>>
      %dma_wait3A_26 = arith.constant 0 : i32
      %dma_wait3A_27 = tpu.memref_slice %arg9[%dma_wait3A_26] : memref<10240xf32, #tpu.memory_space<vmem_shared>> -> memref<10240xf32, #tpu.memory_space<vmem_shared>>
      tpu.wait_indirect_dma semaphore(%arg10 : memref<!tpu.dma_semaphore, #tpu.memory_space<semaphore_mem>>) src(%arg8 : memref<512xf32, #tpu.memory_space<vmem>>) dst(%dma_wait3A_27 : memref<10240xf32, #tpu.memory_space<vmem_shared>>)
    }
    %scan3A_13 = arith.constant 20 : i32
    %barrier3A_14 = arith.constant 0 : index
    tpu.barrier barrier_id(%barrier3A_14)
    %eq3A = arith.constant 0 : i32
    %eq3A_15 = arith.cmpi eq, %arg0, %eq3A : i32
    %convert_element_type3A = arith.extui %eq3A_15 : i1 to i32
    %cond3A = arith.constant 0 : i32
    %cond3A_16 = arith.cmpi ne, %convert_element_type3A, %cond3A : i32
    scf.if %cond3A_16 {
      "tpu.region"() ({
        %run_scoped3A = tpu.sem_alloc : memref<!tpu.dma_semaphore, #tpu.memory_space<semaphore_mem>>
        %dma_start3A = tpu.memref_slice %arg5[%mul3A_2] : memref<10240xf32, #tpu.memory_space<hbm>> -> memref<640xf32, #tpu.memory_space<hbm>>
        %dma_start3A_22 = tpu.memref_slice %arg9[%mul3A_2] : memref<10240xf32, #tpu.memory_space<vmem_shared>> -> memref<640xf32, #tpu.memory_space<vmem_shared>>
        tpu.enqueue_dma source(%dma_start3A_22 : memref<640xf32, #tpu.memory_space<vmem_shared>>) target(%dma_start3A : memref<640xf32, #tpu.memory_space<hbm>>) target_semaphore(%run_scoped3A : memref<!tpu.dma_semaphore, #tpu.memory_space<semaphore_mem>>)
        %dma_wait3A = tpu.memref_slice %arg5[%mul3A_2] : memref<10240xf32, #tpu.memory_space<hbm>> -> memref<640xf32, #tpu.memory_space<hbm>>
        %dma_wait3A_23 = tpu.memref_slice %arg9[%mul3A_2] : memref<10240xf32, #tpu.memory_space<vmem_shared>> -> memref<640xf32, #tpu.memory_space<vmem_shared>>
        tpu.wait_dma2 semaphore(%run_scoped3A : memref<!tpu.dma_semaphore, #tpu.memory_space<semaphore_mem>>) src(%dma_wait3A_23 : memref<640xf32, #tpu.memory_space<vmem_shared>>) dst(%dma_wait3A : memref<640xf32, #tpu.memory_space<hbm>>)
        tpu.yield
      }) : () -> ()
    } else {
    }
    %eq3A_17 = arith.constant 1 : i32
    %eq3A_18 = arith.cmpi eq, %arg0, %eq3A_17 : i32
    %convert_element_type3A_19 = arith.extui %eq3A_18 : i1 to i32
    %cond3A_20 = arith.constant 0 : i32
    %cond3A_21 = arith.cmpi ne, %convert_element_type3A_19, %cond3A_20 : i32
    scf.if %cond3A_21 {
      "tpu.region"() ({
        %run_scoped3A = tpu.sem_alloc : memref<!tpu.dma_semaphore, #tpu.memory_space<semaphore_mem>>
        %dma_start3A = tpu.memref_slice %arg6[%mul3A_2] : memref<10240xf32, #tpu.memory_space<hbm>> -> memref<640xf32, #tpu.memory_space<hbm>>
        %dma_start3A_22 = tpu.memref_slice %arg9[%mul3A_2] : memref<10240xf32, #tpu.memory_space<vmem_shared>> -> memref<640xf32, #tpu.memory_space<vmem_shared>>
        tpu.enqueue_dma source(%dma_start3A_22 : memref<640xf32, #tpu.memory_space<vmem_shared>>) target(%dma_start3A : memref<640xf32, #tpu.memory_space<hbm>>) target_semaphore(%run_scoped3A : memref<!tpu.dma_semaphore, #tpu.memory_space<semaphore_mem>>)
        %dma_wait3A = tpu.memref_slice %arg6[%mul3A_2] : memref<10240xf32, #tpu.memory_space<hbm>> -> memref<640xf32, #tpu.memory_space<hbm>>
        %dma_wait3A_23 = tpu.memref_slice %arg9[%mul3A_2] : memref<10240xf32, #tpu.memory_space<vmem_shared>> -> memref<640xf32, #tpu.memory_space<vmem_shared>>
        tpu.wait_dma2 semaphore(%run_scoped3A : memref<!tpu.dma_semaphore, #tpu.memory_space<semaphore_mem>>) src(%dma_wait3A_23 : memref<640xf32, #tpu.memory_space<vmem_shared>>) dst(%dma_wait3A : memref<640xf32, #tpu.memory_space<hbm>>)
        tpu.yield
      }) : () -> ()
    } else {
    }
    return
  }
}

#map = affine_map<(d0, d1) -> (0, 0, 0)>
#map1 = affine_map<(d0, d1) -> (0, 0)>
module attributes {stable_mosaic.version = 14 : i64} {
  func.func @k(%arg0: i32, %arg1: i32, %arg2: memref<32x20x512xi32, #tpu.memory_space<hbm>>, %arg3: memref<32x20x512xi32, #tpu.memory_space<hbm>>, %arg4: memref<10240x32xf32, #tpu.memory_space<hbm>>, %arg5: memref<10240x32xf32, #tpu.memory_space<hbm>>, %arg6: memref<10240x32xf32, #tpu.memory_space<hbm>>, %arg7: memref<10240x32xf32, #tpu.memory_space<hbm>>, %arg8: memref<20x512xi32, #tpu.memory_space<vmem>>, %arg9: memref<20x512xi32, #tpu.memory_space<vmem>>, %arg10: memref<4x512x32xf32, #tpu.memory_space<vmem>>, %arg11: memref<10240x32xf32, #tpu.memory_space<vmem_shared>>, %arg12: memref<4x!tpu.dma_semaphore, #tpu.memory_space<semaphore_mem>>, %arg13: memref<4x!tpu.dma_semaphore, #tpu.memory_space<semaphore_mem>>) attributes {dimension_semantics = [#tpu.dimension_semantics<core_parallel>, #tpu.dimension_semantics<subcore_parallel>], iteration_bounds = array<i64: 2, 16>, scalar_prefetch = 0 : i64, scratch_operands = 6 : i64, tpu.core_type = #tpu.core_type<sc_vector_subcore>, window_params = [{transform_indices = #map}, {transform_indices = #map}, {transform_indices = #map1}, {transform_indices = #map1}, {transform_indices = #map1}, {transform_indices = #map1}]} {
    %mul3A = arith.constant 16 : i32
    %mul3A_0 = arith.muli %arg0, %mul3A : i32
    %add3A = arith.addi %mul3A_0, %arg1 : i32
    %mul3A_1 = arith.constant 640 : i32
    %mul3A_2 = arith.muli %arg1, %mul3A_1 : i32
    %eq3A = arith.constant 0 : i32
    %eq3A_3 = arith.cmpi eq, %arg0, %eq3A : i32
    %convert_element_type3A = arith.extui %eq3A_3 : i1 to i32
    %cond3A = arith.constant 0 : i32
    %cond3A_4 = arith.cmpi ne, %convert_element_type3A, %cond3A : i32
    scf.if %cond3A_4 {
      "tpu.region"() ({
        %run_scoped3A = tpu.sem_alloc : memref<!tpu.dma_semaphore, #tpu.memory_space<semaphore_mem>>
        %dma_start3A = arith.constant 0 : i32
        %dma_start3A_85 = tpu.memref_slice %arg11[%mul3A_2, %dma_start3A] : memref<10240x32xf32, #tpu.memory_space<vmem_shared>> -> memref<640x32xf32, #tpu.memory_space<vmem_shared>>
        %dma_start3A_86 = arith.constant 0 : i32
        %dma_start3A_87 = tpu.memref_slice %arg4[%mul3A_2, %dma_start3A_86] : memref<10240x32xf32, #tpu.memory_space<hbm>> -> memref<640x32xf32, #tpu.memory_space<hbm>>
        tpu.enqueue_dma source(%dma_start3A_87 : memref<640x32xf32, #tpu.memory_space<hbm>>) target(%dma_start3A_85 : memref<640x32xf32, #tpu.memory_space<vmem_shared>>) target_semaphore(%run_scoped3A : memref<!tpu.dma_semaphore, #tpu.memory_space<semaphore_mem>>)
        %dma_wait3A_88 = arith.constant 0 : i32
        %dma_wait3A_89 = tpu.memref_slice %arg11[%mul3A_2, %dma_wait3A_88] : memref<10240x32xf32, #tpu.memory_space<vmem_shared>> -> memref<640x32xf32, #tpu.memory_space<vmem_shared>>
        %dma_wait3A_90 = arith.constant 0 : i32
        %dma_wait3A_91 = tpu.memref_slice %arg4[%mul3A_2, %dma_wait3A_90] : memref<10240x32xf32, #tpu.memory_space<hbm>> -> memref<640x32xf32, #tpu.memory_space<hbm>>
        tpu.wait_dma2 semaphore(%run_scoped3A : memref<!tpu.dma_semaphore, #tpu.memory_space<semaphore_mem>>) src(%dma_wait3A_91 : memref<640x32xf32, #tpu.memory_space<hbm>>) dst(%dma_wait3A_89 : memref<640x32xf32, #tpu.memory_space<vmem_shared>>)
        tpu.yield
      }) : () -> ()
    } else {
    }
    %eq3A_5 = arith.constant 1 : i32
    %eq3A_6 = arith.cmpi eq, %arg0, %eq3A_5 : i32
    %convert_element_type3A_7 = arith.extui %eq3A_6 : i1 to i32
    %cond3A_8 = arith.constant 0 : i32
    %cond3A_9 = arith.cmpi ne, %convert_element_type3A_7, %cond3A_8 : i32
    scf.if %cond3A_9 {
      "tpu.region"() ({
        %run_scoped3A = tpu.sem_alloc : memref<!tpu.dma_semaphore, #tpu.memory_space<semaphore_mem>>
        %dma_start3A = arith.constant 0 : i32
        %dma_start3A_85 = tpu.memref_slice %arg11[%mul3A_2, %dma_start3A] : memref<10240x32xf32, #tpu.memory_space<vmem_shared>> -> memref<640x32xf32, #tpu.memory_space<vmem_shared>>
        %dma_start3A_86 = arith.constant 0 : i32
        %dma_start3A_87 = tpu.memref_slice %arg5[%mul3A_2, %dma_start3A_86] : memref<10240x32xf32, #tpu.memory_space<hbm>> -> memref<640x32xf32, #tpu.memory_space<hbm>>
        tpu.enqueue_dma source(%dma_start3A_87 : memref<640x32xf32, #tpu.memory_space<hbm>>) target(%dma_start3A_85 : memref<640x32xf32, #tpu.memory_space<vmem_shared>>) target_semaphore(%run_scoped3A : memref<!tpu.dma_semaphore, #tpu.memory_space<semaphore_mem>>)
        %dma_wait3A_88 = arith.constant 0 : i32
        %dma_wait3A_89 = tpu.memref_slice %arg11[%mul3A_2, %dma_wait3A_88] : memref<10240x32xf32, #tpu.memory_space<vmem_shared>> -> memref<640x32xf32, #tpu.memory_space<vmem_shared>>
        %dma_wait3A_90 = arith.constant 0 : i32
        %dma_wait3A_91 = tpu.memref_slice %arg5[%mul3A_2, %dma_wait3A_90] : memref<10240x32xf32, #tpu.memory_space<hbm>> -> memref<640x32xf32, #tpu.memory_space<hbm>>
        tpu.wait_dma2 semaphore(%run_scoped3A : memref<!tpu.dma_semaphore, #tpu.memory_space<semaphore_mem>>) src(%dma_wait3A_91 : memref<640x32xf32, #tpu.memory_space<hbm>>) dst(%dma_wait3A_89 : memref<640x32xf32, #tpu.memory_space<vmem_shared>>)
        tpu.yield
      }) : () -> ()
    } else {
    }
    "tpu.region"() ({
      %run_scoped3A = tpu.sem_alloc : memref<!tpu.dma_semaphore, #tpu.memory_space<semaphore_mem>>
      %dma_start3A = arith.constant 0 : i32
      %dma_start3A_85 = arith.constant 0 : i32
      %dma_start3A_86 = tpu.memref_slice %arg2[%add3A, %dma_start3A, %dma_start3A_85] : memref<32x20x512xi32, #tpu.memory_space<hbm>> -> memref<1x20x512xi32, #tpu.memory_space<hbm>>
      %dma_start3A_87 = tpu.memref_squeeze %dma_start3A_86 : memref<1x20x512xi32, #tpu.memory_space<hbm>> -> memref<20x512xi32, #tpu.memory_space<hbm>>
      %dma_start3A_88 = arith.constant 0 : i32
      %dma_start3A_89 = arith.constant 0 : i32
      %dma_start3A_90 = tpu.memref_slice %arg2[%add3A, %dma_start3A_88, %dma_start3A_89] : memref<32x20x512xi32, #tpu.memory_space<hbm>> -> memref<1x20x512xi32, #tpu.memory_space<hbm>>
      %dma_start3A_91 = tpu.memref_squeeze %dma_start3A_90 : memref<1x20x512xi32, #tpu.memory_space<hbm>> -> memref<20x512xi32, #tpu.memory_space<hbm>>
      tpu.enqueue_dma source(%dma_start3A_91 : memref<20x512xi32, #tpu.memory_space<hbm>>) target(%arg8 : memref<20x512xi32, #tpu.memory_space<vmem>>) target_semaphore(%run_scoped3A : memref<!tpu.dma_semaphore, #tpu.memory_space<semaphore_mem>>)
      %dma_wait3A_92 = arith.constant 0 : i32
      %dma_wait3A_93 = arith.constant 0 : i32
      %dma_wait3A_94 = tpu.memref_slice %arg2[%add3A, %dma_wait3A_92, %dma_wait3A_93] : memref<32x20x512xi32, #tpu.memory_space<hbm>> -> memref<1x20x512xi32, #tpu.memory_space<hbm>>
      %dma_wait3A_95 = tpu.memref_squeeze %dma_wait3A_94 : memref<1x20x512xi32, #tpu.memory_space<hbm>> -> memref<20x512xi32, #tpu.memory_space<hbm>>
      %dma_wait3A_96 = arith.constant 0 : i32
      %dma_wait3A_97 = arith.constant 0 : i32
      %dma_wait3A_98 = tpu.memref_slice %arg2[%add3A, %dma_wait3A_96, %dma_wait3A_97] : memref<32x20x512xi32, #tpu.memory_space<hbm>> -> memref<1x20x512xi32, #tpu.memory_space<hbm>>
      %dma_wait3A_99 = tpu.memref_squeeze %dma_wait3A_98 : memref<1x20x512xi32, #tpu.memory_space<hbm>> -> memref<20x512xi32, #tpu.memory_space<hbm>>
      tpu.wait_dma2 semaphore(%run_scoped3A : memref<!tpu.dma_semaphore, #tpu.memory_space<semaphore_mem>>) src(%dma_wait3A_99 : memref<20x512xi32, #tpu.memory_space<hbm>>) dst(%arg8 : memref<20x512xi32, #tpu.memory_space<vmem>>)
      tpu.yield
    }) : () -> ()
    "tpu.region"() ({
      %run_scoped3A = tpu.sem_alloc : memref<!tpu.dma_semaphore, #tpu.memory_space<semaphore_mem>>
      %dma_start3A = arith.constant 0 : i32
      %dma_start3A_85 = arith.constant 0 : i32
      %dma_start3A_86 = tpu.memref_slice %arg3[%add3A, %dma_start3A, %dma_start3A_85] : memref<32x20x512xi32, #tpu.memory_space<hbm>> -> memref<1x20x512xi32, #tpu.memory_space<hbm>>
      %dma_start3A_87 = tpu.memref_squeeze %dma_start3A_86 : memref<1x20x512xi32, #tpu.memory_space<hbm>> -> memref<20x512xi32, #tpu.memory_space<hbm>>
      %dma_start3A_88 = arith.constant 0 : i32
      %dma_start3A_89 = arith.constant 0 : i32
      %dma_start3A_90 = tpu.memref_slice %arg3[%add3A, %dma_start3A_88, %dma_start3A_89] : memref<32x20x512xi32, #tpu.memory_space<hbm>> -> memref<1x20x512xi32, #tpu.memory_space<hbm>>
      %dma_start3A_91 = tpu.memref_squeeze %dma_start3A_90 : memref<1x20x512xi32, #tpu.memory_space<hbm>> -> memref<20x512xi32, #tpu.memory_space<hbm>>
      tpu.enqueue_dma source(%dma_start3A_91 : memref<20x512xi32, #tpu.memory_space<hbm>>) target(%arg9 : memref<20x512xi32, #tpu.memory_space<vmem>>) target_semaphore(%run_scoped3A : memref<!tpu.dma_semaphore, #tpu.memory_space<semaphore_mem>>)
      %dma_wait3A_92 = arith.constant 0 : i32
      %dma_wait3A_93 = arith.constant 0 : i32
      %dma_wait3A_94 = tpu.memref_slice %arg3[%add3A, %dma_wait3A_92, %dma_wait3A_93] : memref<32x20x512xi32, #tpu.memory_space<hbm>> -> memref<1x20x512xi32, #tpu.memory_space<hbm>>
      %dma_wait3A_95 = tpu.memref_squeeze %dma_wait3A_94 : memref<1x20x512xi32, #tpu.memory_space<hbm>> -> memref<20x512xi32, #tpu.memory_space<hbm>>
      %dma_wait3A_96 = arith.constant 0 : i32
      %dma_wait3A_97 = arith.constant 0 : i32
      %dma_wait3A_98 = tpu.memref_slice %arg3[%add3A, %dma_wait3A_96, %dma_wait3A_97] : memref<32x20x512xi32, #tpu.memory_space<hbm>> -> memref<1x20x512xi32, #tpu.memory_space<hbm>>
      %dma_wait3A_99 = tpu.memref_squeeze %dma_wait3A_98 : memref<1x20x512xi32, #tpu.memory_space<hbm>> -> memref<20x512xi32, #tpu.memory_space<hbm>>
      tpu.wait_dma2 semaphore(%run_scoped3A : memref<!tpu.dma_semaphore, #tpu.memory_space<semaphore_mem>>) src(%dma_wait3A_99 : memref<20x512xi32, #tpu.memory_space<hbm>>) dst(%arg9 : memref<20x512xi32, #tpu.memory_space<vmem>>)
      tpu.yield
    }) : () -> ()
    %barrier3A = arith.constant 0 : index
    tpu.barrier barrier_id(%barrier3A)
    %scan3A = arith.constant 0 : i32
    %scan3A_10 = arith.constant 0 : i32
    %scan3A_11 = arith.constant 22 : i32
    %scan3A_12 = arith.addi %scan3A_10, %scan3A_11 : i32
    %scan3A_13 = arith.constant 1 : i32
    scf.for %scan3A_85 = %scan3A_10 to %scan3A_12 step %scan3A_13  : i32 {
      %rem3A = arith.constant 4 : i32
      %rem3A_86 = arith.remsi %scan3A_85, %rem3A : i32
      %lt3A = arith.constant 20 : i32
      %lt3A_87 = arith.cmpi slt, %scan3A_85, %lt3A : i32
      %convert_element_type3A_88 = arith.extui %lt3A_87 : i1 to i32
      %cond3A_89 = arith.constant 0 : i32
      %cond3A_90 = arith.cmpi ne, %convert_element_type3A_88, %cond3A_89 : i32
      scf.if %cond3A_90 {
        %ge3A_98 = arith.constant 4 : i32
        %ge3A_99 = arith.cmpi sge, %scan3A_85, %ge3A_98 : i32
        %convert_element_type3A_100 = arith.extui %ge3A_99 : i1 to i32
        %cond3A_101 = arith.constant 0 : i32
        %cond3A_102 = arith.cmpi ne, %convert_element_type3A_100, %cond3A_101 : i32
        scf.if %cond3A_102 {
          %sub3A_114 = arith.constant 4 : i32
          %sub3A_115 = arith.subi %scan3A_85, %sub3A_114 : i32
          %dma_wait3A_116 = arith.constant 0 : i32
          %dma_wait3A_117 = arith.constant 0 : i32
          %dma_wait3A_118 = tpu.memref_slice %arg10[%rem3A_86, %dma_wait3A_116, %dma_wait3A_117] : memref<4x512x32xf32, #tpu.memory_space<vmem>> -> memref<1x512x32xf32, #tpu.memory_space<vmem>>
          %dma_wait3A_119 = tpu.memref_squeeze %dma_wait3A_118 : memref<1x512x32xf32, #tpu.memory_space<vmem>> -> memref<512x32xf32, #tpu.memory_space<vmem>>
          %dma_wait3A_120 = arith.constant 0 : i32
          %dma_wait3A_121 = tpu.memref_slice %arg9[%sub3A_115, %dma_wait3A_120] : memref<20x512xi32, #tpu.memory_space<vmem>> -> memref<1x512xi32, #tpu.memory_space<vmem>>
          %dma_wait3A_122 = tpu.memref_squeeze %dma_wait3A_121 : memref<1x512xi32, #tpu.memory_space<vmem>> -> memref<512xi32, #tpu.memory_space<vmem>>
          %dma_wait3A_123 = arith.constant 0 : i32
          %dma_wait3A_124 = arith.constant 0 : i32
          %dma_wait3A_125 = tpu.memref_slice %arg11[%dma_wait3A_123, %dma_wait3A_124] : memref<10240x32xf32, #tpu.memory_space<vmem_shared>> -> memref<10240x32xf32, #tpu.memory_space<vmem_shared>>
          %dma_wait3A_126 = tpu.memref_slice %arg13[%rem3A_86] : memref<4x!tpu.dma_semaphore, #tpu.memory_space<semaphore_mem>> -> memref<1x!tpu.dma_semaphore, #tpu.memory_space<semaphore_mem>>
          %dma_wait3A_127 = tpu.memref_squeeze %dma_wait3A_126 : memref<1x!tpu.dma_semaphore, #tpu.memory_space<semaphore_mem>> -> memref<!tpu.dma_semaphore, #tpu.memory_space<semaphore_mem>>
          tpu.wait_indirect_dma semaphore(%dma_wait3A_127 : memref<!tpu.dma_semaphore, #tpu.memory_space<semaphore_mem>>) src(%dma_wait3A_119 : memref<512x32xf32, #tpu.memory_space<vmem>>) dst(%dma_wait3A_125 : memref<10240x32xf32, #tpu.memory_space<vmem_shared>>)
        } else {
        }
        %dma_start3A = arith.constant 0 : i32
        %dma_start3A_103 = arith.constant 0 : i32
        %dma_start3A_104 = tpu.memref_slice %arg10[%rem3A_86, %dma_start3A, %dma_start3A_103] : memref<4x512x32xf32, #tpu.memory_space<vmem>> -> memref<1x512x32xf32, #tpu.memory_space<vmem>>
        %dma_start3A_105 = tpu.memref_squeeze %dma_start3A_104 : memref<1x512x32xf32, #tpu.memory_space<vmem>> -> memref<512x32xf32, #tpu.memory_space<vmem>>
        %dma_start3A_106 = arith.constant 0 : i32
        %dma_start3A_107 = tpu.memref_slice %arg8[%scan3A_85, %dma_start3A_106] : memref<20x512xi32, #tpu.memory_space<vmem>> -> memref<1x512xi32, #tpu.memory_space<vmem>>
        %dma_start3A_108 = tpu.memref_squeeze %dma_start3A_107 : memref<1x512xi32, #tpu.memory_space<vmem>> -> memref<512xi32, #tpu.memory_space<vmem>>
        %dma_start3A_109 = arith.constant 0 : i32
        %dma_start3A_110 = arith.constant 0 : i32
        %dma_start3A_111 = tpu.memref_slice %arg4[%dma_start3A_109, %dma_start3A_110] : memref<10240x32xf32, #tpu.memory_space<hbm>> -> memref<10240x32xf32, #tpu.memory_space<hbm>>
        %dma_start3A_112 = tpu.memref_slice %arg12[%rem3A_86] : memref<4x!tpu.dma_semaphore, #tpu.memory_space<semaphore_mem>> -> memref<1x!tpu.dma_semaphore, #tpu.memory_space<semaphore_mem>>
        %dma_start3A_113 = tpu.memref_squeeze %dma_start3A_112 : memref<1x!tpu.dma_semaphore, #tpu.memory_space<semaphore_mem>> -> memref<!tpu.dma_semaphore, #tpu.memory_space<semaphore_mem>>
        tpu.enqueue_indirect_dma source(%dma_start3A_111 : memref<10240x32xf32, #tpu.memory_space<hbm>>) target(%dma_start3A_105 : memref<512x32xf32, #tpu.memory_space<vmem>>) offsets(%dma_start3A_108 : memref<512xi32, #tpu.memory_space<vmem>>) semaphore(%dma_start3A_113 : memref<!tpu.dma_semaphore, #tpu.memory_space<semaphore_mem>>)
      } else {
      }
      %sub3A = arith.constant 2 : i32
      %sub3A_91 = arith.subi %scan3A_85, %sub3A : i32
      %ge3A = arith.constant 0 : i32
      %ge3A_92 = arith.cmpi sge, %sub3A_91, %ge3A : i32
      %lt3A_93 = arith.constant 20 : i32
      %lt3A_94 = arith.cmpi slt, %sub3A_91, %lt3A_93 : i32
      %and3A = arith.andi %ge3A_92, %lt3A_94 : i1
      %convert_element_type3A_95 = arith.extui %and3A : i1 to i32
      %cond3A_96 = arith.constant 0 : i32
      %cond3A_97 = arith.cmpi ne, %convert_element_type3A_95, %cond3A_96 : i32
      scf.if %cond3A_97 {
        %add3A_98 = arith.constant 4 : i32
        %add3A_99 = arith.addi %sub3A_91, %add3A_98 : i32
        %rem3A_100 = arith.constant 4 : i32
        %rem3A_101 = arith.remsi %add3A_99, %rem3A_100 : i32
        %dma_wait3A_102 = arith.constant 0 : i32
        %dma_wait3A_103 = arith.constant 0 : i32
        %dma_wait3A_104 = tpu.memref_slice %arg10[%rem3A_101, %dma_wait3A_102, %dma_wait3A_103] : memref<4x512x32xf32, #tpu.memory_space<vmem>> -> memref<1x512x32xf32, #tpu.memory_space<vmem>>
        %dma_wait3A_105 = tpu.memref_squeeze %dma_wait3A_104 : memref<1x512x32xf32, #tpu.memory_space<vmem>> -> memref<512x32xf32, #tpu.memory_space<vmem>>
        %dma_wait3A_106 = arith.constant 0 : i32
        %dma_wait3A_107 = tpu.memref_slice %arg8[%sub3A_91, %dma_wait3A_106] : memref<20x512xi32, #tpu.memory_space<vmem>> -> memref<1x512xi32, #tpu.memory_space<vmem>>
        %dma_wait3A_108 = tpu.memref_squeeze %dma_wait3A_107 : memref<1x512xi32, #tpu.memory_space<vmem>> -> memref<512xi32, #tpu.memory_space<vmem>>
        %dma_wait3A_109 = arith.constant 0 : i32
        %dma_wait3A_110 = arith.constant 0 : i32
        %dma_wait3A_111 = tpu.memref_slice %arg4[%dma_wait3A_109, %dma_wait3A_110] : memref<10240x32xf32, #tpu.memory_space<hbm>> -> memref<10240x32xf32, #tpu.memory_space<hbm>>
        %dma_wait3A_112 = tpu.memref_slice %arg12[%rem3A_101] : memref<4x!tpu.dma_semaphore, #tpu.memory_space<semaphore_mem>> -> memref<1x!tpu.dma_semaphore, #tpu.memory_space<semaphore_mem>>
        %dma_wait3A_113 = tpu.memref_squeeze %dma_wait3A_112 : memref<1x!tpu.dma_semaphore, #tpu.memory_space<semaphore_mem>> -> memref<!tpu.dma_semaphore, #tpu.memory_space<semaphore_mem>>
        tpu.wait_indirect_dma semaphore(%dma_wait3A_113 : memref<!tpu.dma_semaphore, #tpu.memory_space<semaphore_mem>>) src(%dma_wait3A_111 : memref<10240x32xf32, #tpu.memory_space<hbm>>) dst(%dma_wait3A_105 : memref<512x32xf32, #tpu.memory_space<vmem>>)
        %dma_start3A = arith.constant 0 : i32
        %dma_start3A_114 = arith.constant 0 : i32
        %dma_start3A_115 = tpu.memref_slice %arg10[%rem3A_101, %dma_start3A, %dma_start3A_114] : memref<4x512x32xf32, #tpu.memory_space<vmem>> -> memref<1x512x32xf32, #tpu.memory_space<vmem>>
        %dma_start3A_116 = tpu.memref_squeeze %dma_start3A_115 : memref<1x512x32xf32, #tpu.memory_space<vmem>> -> memref<512x32xf32, #tpu.memory_space<vmem>>
        %dma_start3A_117 = arith.constant 0 : i32
        %dma_start3A_118 = tpu.memref_slice %arg9[%sub3A_91, %dma_start3A_117] : memref<20x512xi32, #tpu.memory_space<vmem>> -> memref<1x512xi32, #tpu.memory_space<vmem>>
        %dma_start3A_119 = tpu.memref_squeeze %dma_start3A_118 : memref<1x512xi32, #tpu.memory_space<vmem>> -> memref<512xi32, #tpu.memory_space<vmem>>
        %dma_start3A_120 = arith.constant 0 : i32
        %dma_start3A_121 = arith.constant 0 : i32
        %dma_start3A_122 = tpu.memref_slice %arg11[%dma_start3A_120, %dma_start3A_121] : memref<10240x32xf32, #tpu.memory_space<vmem_shared>> -> memref<10240x32xf32, #tpu.memory_space<vmem_shared>>
        %dma_start3A_123 = tpu.memref_slice %arg13[%rem3A_101] : memref<4x!tpu.dma_semaphore, #tpu.memory_space<semaphore_mem>> -> memref<1x!tpu.dma_semaphore, #tpu.memory_space<semaphore_mem>>
        %dma_start3A_124 = tpu.memref_squeeze %dma_start3A_123 : memref<1x!tpu.dma_semaphore, #tpu.memory_space<semaphore_mem>> -> memref<!tpu.dma_semaphore, #tpu.memory_space<semaphore_mem>>
        tpu.enqueue_indirect_dma source(%dma_start3A_116 : memref<512x32xf32, #tpu.memory_space<vmem>>) target(%dma_start3A_122 : memref<10240x32xf32, #tpu.memory_space<vmem_shared>>) offsets(%dma_start3A_119 : memref<512xi32, #tpu.memory_space<vmem>>) semaphore(%dma_start3A_124 : memref<!tpu.dma_semaphore, #tpu.memory_space<semaphore_mem>>) {add = true}
      } else {
      }
    }
    %scan3A_14 = arith.constant 22 : i32
    %dma_wait3A = arith.constant 0 : i32
    %dma_wait3A_15 = arith.constant 0 : i32
    %dma_wait3A_16 = arith.constant 0 : i32
    %dma_wait3A_17 = arith.constant 0 : i32
    %dma_wait3A_18 = arith.constant 0 : i32
    %dma_wait3A_19 = tpu.memref_slice %arg10[%dma_wait3A, %dma_wait3A_17, %dma_wait3A_18] : memref<4x512x32xf32, #tpu.memory_space<vmem>> -> memref<1x512x32xf32, #tpu.memory_space<vmem>>
    %dma_wait3A_20 = tpu.memref_squeeze %dma_wait3A_19 : memref<1x512x32xf32, #tpu.memory_space<vmem>> -> memref<512x32xf32, #tpu.memory_space<vmem>>
    %dma_wait3A_21 = arith.constant 0 : i32
    %dma_wait3A_22 = tpu.memref_slice %arg9[%dma_wait3A_15, %dma_wait3A_21] : memref<20x512xi32, #tpu.memory_space<vmem>> -> memref<1x512xi32, #tpu.memory_space<vmem>>
    %dma_wait3A_23 = tpu.memref_squeeze %dma_wait3A_22 : memref<1x512xi32, #tpu.memory_space<vmem>> -> memref<512xi32, #tpu.memory_space<vmem>>
    %dma_wait3A_24 = arith.constant 0 : i32
    %dma_wait3A_25 = arith.constant 0 : i32
    %dma_wait3A_26 = tpu.memref_slice %arg11[%dma_wait3A_24, %dma_wait3A_25] : memref<10240x32xf32, #tpu.memory_space<vmem_shared>> -> memref<10240x32xf32, #tpu.memory_space<vmem_shared>>
    %dma_wait3A_27 = tpu.memref_slice %arg13[%dma_wait3A_16] : memref<4x!tpu.dma_semaphore, #tpu.memory_space<semaphore_mem>> -> memref<1x!tpu.dma_semaphore, #tpu.memory_space<semaphore_mem>>
    %dma_wait3A_28 = tpu.memref_squeeze %dma_wait3A_27 : memref<1x!tpu.dma_semaphore, #tpu.memory_space<semaphore_mem>> -> memref<!tpu.dma_semaphore, #tpu.memory_space<semaphore_mem>>
    tpu.wait_indirect_dma semaphore(%dma_wait3A_28 : memref<!tpu.dma_semaphore, #tpu.memory_space<semaphore_mem>>) src(%dma_wait3A_20 : memref<512x32xf32, #tpu.memory_space<vmem>>) dst(%dma_wait3A_26 : memref<10240x32xf32, #tpu.memory_space<vmem_shared>>)
    %dma_wait3A_29 = arith.constant 1 : i32
    %dma_wait3A_30 = arith.constant 0 : i32
    %dma_wait3A_31 = arith.constant 1 : i32
    %dma_wait3A_32 = arith.constant 0 : i32
    %dma_wait3A_33 = arith.constant 0 : i32
    %dma_wait3A_34 = tpu.memref_slice %arg10[%dma_wait3A_29, %dma_wait3A_32, %dma_wait3A_33] : memref<4x512x32xf32, #tpu.memory_space<vmem>> -> memref<1x512x32xf32, #tpu.memory_space<vmem>>
    %dma_wait3A_35 = tpu.memref_squeeze %dma_wait3A_34 : memref<1x512x32xf32, #tpu.memory_space<vmem>> -> memref<512x32xf32, #tpu.memory_space<vmem>>
    %dma_wait3A_36 = arith.constant 0 : i32
    %dma_wait3A_37 = tpu.memref_slice %arg9[%dma_wait3A_30, %dma_wait3A_36] : memref<20x512xi32, #tpu.memory_space<vmem>> -> memref<1x512xi32, #tpu.memory_space<vmem>>
    %dma_wait3A_38 = tpu.memref_squeeze %dma_wait3A_37 : memref<1x512xi32, #tpu.memory_space<vmem>> -> memref<512xi32, #tpu.memory_space<vmem>>
    %dma_wait3A_39 = arith.constant 0 : i32
    %dma_wait3A_40 = arith.constant 0 : i32
    %dma_wait3A_41 = tpu.memref_slice %arg11[%dma_wait3A_39, %dma_wait3A_40] : memref<10240x32xf32, #tpu.memory_space<vmem_shared>> -> memref<10240x32xf32, #tpu.memory_space<vmem_shared>>
    %dma_wait3A_42 = tpu.memref_slice %arg13[%dma_wait3A_31] : memref<4x!tpu.dma_semaphore, #tpu.memory_space<semaphore_mem>> -> memref<1x!tpu.dma_semaphore, #tpu.memory_space<semaphore_mem>>
    %dma_wait3A_43 = tpu.memref_squeeze %dma_wait3A_42 : memref<1x!tpu.dma_semaphore, #tpu.memory_space<semaphore_mem>> -> memref<!tpu.dma_semaphore, #tpu.memory_space<semaphore_mem>>
    tpu.wait_indirect_dma semaphore(%dma_wait3A_43 : memref<!tpu.dma_semaphore, #tpu.memory_space<semaphore_mem>>) src(%dma_wait3A_35 : memref<512x32xf32, #tpu.memory_space<vmem>>) dst(%dma_wait3A_41 : memref<10240x32xf32, #tpu.memory_space<vmem_shared>>)
    %dma_wait3A_44 = arith.constant 2 : i32
    %dma_wait3A_45 = arith.constant 0 : i32
    %dma_wait3A_46 = arith.constant 2 : i32
    %dma_wait3A_47 = arith.constant 0 : i32
    %dma_wait3A_48 = arith.constant 0 : i32
    %dma_wait3A_49 = tpu.memref_slice %arg10[%dma_wait3A_44, %dma_wait3A_47, %dma_wait3A_48] : memref<4x512x32xf32, #tpu.memory_space<vmem>> -> memref<1x512x32xf32, #tpu.memory_space<vmem>>
    %dma_wait3A_50 = tpu.memref_squeeze %dma_wait3A_49 : memref<1x512x32xf32, #tpu.memory_space<vmem>> -> memref<512x32xf32, #tpu.memory_space<vmem>>
    %dma_wait3A_51 = arith.constant 0 : i32
    %dma_wait3A_52 = tpu.memref_slice %arg9[%dma_wait3A_45, %dma_wait3A_51] : memref<20x512xi32, #tpu.memory_space<vmem>> -> memref<1x512xi32, #tpu.memory_space<vmem>>
    %dma_wait3A_53 = tpu.memref_squeeze %dma_wait3A_52 : memref<1x512xi32, #tpu.memory_space<vmem>> -> memref<512xi32, #tpu.memory_space<vmem>>
    %dma_wait3A_54 = arith.constant 0 : i32
    %dma_wait3A_55 = arith.constant 0 : i32
    %dma_wait3A_56 = tpu.memref_slice %arg11[%dma_wait3A_54, %dma_wait3A_55] : memref<10240x32xf32, #tpu.memory_space<vmem_shared>> -> memref<10240x32xf32, #tpu.memory_space<vmem_shared>>
    %dma_wait3A_57 = tpu.memref_slice %arg13[%dma_wait3A_46] : memref<4x!tpu.dma_semaphore, #tpu.memory_space<semaphore_mem>> -> memref<1x!tpu.dma_semaphore, #tpu.memory_space<semaphore_mem>>
    %dma_wait3A_58 = tpu.memref_squeeze %dma_wait3A_57 : memref<1x!tpu.dma_semaphore, #tpu.memory_space<semaphore_mem>> -> memref<!tpu.dma_semaphore, #tpu.memory_space<semaphore_mem>>
    tpu.wait_indirect_dma semaphore(%dma_wait3A_58 : memref<!tpu.dma_semaphore, #tpu.memory_space<semaphore_mem>>) src(%dma_wait3A_50 : memref<512x32xf32, #tpu.memory_space<vmem>>) dst(%dma_wait3A_56 : memref<10240x32xf32, #tpu.memory_space<vmem_shared>>)
    %dma_wait3A_59 = arith.constant 3 : i32
    %dma_wait3A_60 = arith.constant 0 : i32
    %dma_wait3A_61 = arith.constant 3 : i32
    %dma_wait3A_62 = arith.constant 0 : i32
    %dma_wait3A_63 = arith.constant 0 : i32
    %dma_wait3A_64 = tpu.memref_slice %arg10[%dma_wait3A_59, %dma_wait3A_62, %dma_wait3A_63] : memref<4x512x32xf32, #tpu.memory_space<vmem>> -> memref<1x512x32xf32, #tpu.memory_space<vmem>>
    %dma_wait3A_65 = tpu.memref_squeeze %dma_wait3A_64 : memref<1x512x32xf32, #tpu.memory_space<vmem>> -> memref<512x32xf32, #tpu.memory_space<vmem>>
    %dma_wait3A_66 = arith.constant 0 : i32
    %dma_wait3A_67 = tpu.memref_slice %arg9[%dma_wait3A_60, %dma_wait3A_66] : memref<20x512xi32, #tpu.memory_space<vmem>> -> memref<1x512xi32, #tpu.memory_space<vmem>>
    %dma_wait3A_68 = tpu.memref_squeeze %dma_wait3A_67 : memref<1x512xi32, #tpu.memory_space<vmem>> -> memref<512xi32, #tpu.memory_space<vmem>>
    %dma_wait3A_69 = arith.constant 0 : i32
    %dma_wait3A_70 = arith.constant 0 : i32
    %dma_wait3A_71 = tpu.memref_slice %arg11[%dma_wait3A_69, %dma_wait3A_70] : memref<10240x32xf32, #tpu.memory_space<vmem_shared>> -> memref<10240x32xf32, #tpu.memory_space<vmem_shared>>
    %dma_wait3A_72 = tpu.memref_slice %arg13[%dma_wait3A_61] : memref<4x!tpu.dma_semaphore, #tpu.memory_space<semaphore_mem>> -> memref<1x!tpu.dma_semaphore, #tpu.memory_space<semaphore_mem>>
    %dma_wait3A_73 = tpu.memref_squeeze %dma_wait3A_72 : memref<1x!tpu.dma_semaphore, #tpu.memory_space<semaphore_mem>> -> memref<!tpu.dma_semaphore, #tpu.memory_space<semaphore_mem>>
    tpu.wait_indirect_dma semaphore(%dma_wait3A_73 : memref<!tpu.dma_semaphore, #tpu.memory_space<semaphore_mem>>) src(%dma_wait3A_65 : memref<512x32xf32, #tpu.memory_space<vmem>>) dst(%dma_wait3A_71 : memref<10240x32xf32, #tpu.memory_space<vmem_shared>>)
    %barrier3A_74 = arith.constant 0 : index
    tpu.barrier barrier_id(%barrier3A_74)
    %eq3A_75 = arith.constant 0 : i32
    %eq3A_76 = arith.cmpi eq, %arg0, %eq3A_75 : i32
    %convert_element_type3A_77 = arith.extui %eq3A_76 : i1 to i32
    %cond3A_78 = arith.constant 0 : i32
    %cond3A_79 = arith.cmpi ne, %convert_element_type3A_77, %cond3A_78 : i32
    scf.if %cond3A_79 {
      "tpu.region"() ({
        %run_scoped3A = tpu.sem_alloc : memref<!tpu.dma_semaphore, #tpu.memory_space<semaphore_mem>>
        %dma_start3A = arith.constant 0 : i32
        %dma_start3A_85 = tpu.memref_slice %arg6[%mul3A_2, %dma_start3A] : memref<10240x32xf32, #tpu.memory_space<hbm>> -> memref<640x32xf32, #tpu.memory_space<hbm>>
        %dma_start3A_86 = arith.constant 0 : i32
        %dma_start3A_87 = tpu.memref_slice %arg11[%mul3A_2, %dma_start3A_86] : memref<10240x32xf32, #tpu.memory_space<vmem_shared>> -> memref<640x32xf32, #tpu.memory_space<vmem_shared>>
        tpu.enqueue_dma source(%dma_start3A_87 : memref<640x32xf32, #tpu.memory_space<vmem_shared>>) target(%dma_start3A_85 : memref<640x32xf32, #tpu.memory_space<hbm>>) target_semaphore(%run_scoped3A : memref<!tpu.dma_semaphore, #tpu.memory_space<semaphore_mem>>)
        %dma_wait3A_88 = arith.constant 0 : i32
        %dma_wait3A_89 = tpu.memref_slice %arg6[%mul3A_2, %dma_wait3A_88] : memref<10240x32xf32, #tpu.memory_space<hbm>> -> memref<640x32xf32, #tpu.memory_space<hbm>>
        %dma_wait3A_90 = arith.constant 0 : i32
        %dma_wait3A_91 = tpu.memref_slice %arg11[%mul3A_2, %dma_wait3A_90] : memref<10240x32xf32, #tpu.memory_space<vmem_shared>> -> memref<640x32xf32, #tpu.memory_space<vmem_shared>>
        tpu.wait_dma2 semaphore(%run_scoped3A : memref<!tpu.dma_semaphore, #tpu.memory_space<semaphore_mem>>) src(%dma_wait3A_91 : memref<640x32xf32, #tpu.memory_space<vmem_shared>>) dst(%dma_wait3A_89 : memref<640x32xf32, #tpu.memory_space<hbm>>)
        tpu.yield
      }) : () -> ()
    } else {
    }
    %eq3A_80 = arith.constant 1 : i32
    %eq3A_81 = arith.cmpi eq, %arg0, %eq3A_80 : i32
    %convert_element_type3A_82 = arith.extui %eq3A_81 : i1 to i32
    %cond3A_83 = arith.constant 0 : i32
    %cond3A_84 = arith.cmpi ne, %convert_element_type3A_82, %cond3A_83 : i32
    scf.if %cond3A_84 {
      "tpu.region"() ({
        %run_scoped3A = tpu.sem_alloc : memref<!tpu.dma_semaphore, #tpu.memory_space<semaphore_mem>>
        %dma_start3A = arith.constant 0 : i32
        %dma_start3A_85 = tpu.memref_slice %arg7[%mul3A_2, %dma_start3A] : memref<10240x32xf32, #tpu.memory_space<hbm>> -> memref<640x32xf32, #tpu.memory_space<hbm>>
        %dma_start3A_86 = arith.constant 0 : i32
        %dma_start3A_87 = tpu.memref_slice %arg11[%mul3A_2, %dma_start3A_86] : memref<10240x32xf32, #tpu.memory_space<vmem_shared>> -> memref<640x32xf32, #tpu.memory_space<vmem_shared>>
        tpu.enqueue_dma source(%dma_start3A_87 : memref<640x32xf32, #tpu.memory_space<vmem_shared>>) target(%dma_start3A_85 : memref<640x32xf32, #tpu.memory_space<hbm>>) target_semaphore(%run_scoped3A : memref<!tpu.dma_semaphore, #tpu.memory_space<semaphore_mem>>)
        %dma_wait3A_88 = arith.constant 0 : i32
        %dma_wait3A_89 = tpu.memref_slice %arg7[%mul3A_2, %dma_wait3A_88] : memref<10240x32xf32, #tpu.memory_space<hbm>> -> memref<640x32xf32, #tpu.memory_space<hbm>>
        %dma_wait3A_90 = arith.constant 0 : i32
        %dma_wait3A_91 = tpu.memref_slice %arg11[%mul3A_2, %dma_wait3A_90] : memref<10240x32xf32, #tpu.memory_space<vmem_shared>> -> memref<640x32xf32, #tpu.memory_space<vmem_shared>>
        tpu.wait_dma2 semaphore(%run_scoped3A : memref<!tpu.dma_semaphore, #tpu.memory_space<semaphore_mem>>) src(%dma_wait3A_91 : memref<640x32xf32, #tpu.memory_space<vmem_shared>>) dst(%dma_wait3A_89 : memref<640x32xf32, #tpu.memory_space<hbm>>)
        tpu.yield
      }) : () -> ()
    } else {
    }
    return
  }
}

#map = affine_map<(d0, d1) -> (0, 0, 0)>
#map1 = affine_map<(d0, d1) -> (0, 0)>
module attributes {stable_mosaic.version = 14 : i64} {
  func.func @k(%arg0: i32, %arg1: i32, %arg2: memref<32x20x512xi32, #tpu.memory_space<hbm>>, %arg3: memref<32x20x512xi32, #tpu.memory_space<hbm>>, %arg4: memref<10240x32xf32, #tpu.memory_space<hbm>>, %arg5: memref<10240x32xf32, #tpu.memory_space<hbm>>, %arg6: memref<10240x32xf32, #tpu.memory_space<hbm>>, %arg7: memref<10240x32xf32, #tpu.memory_space<hbm>>, %arg8: memref<20x512xi32, #tpu.memory_space<vmem>>, %arg9: memref<20x512xi32, #tpu.memory_space<vmem>>, %arg10: memref<4x512x32xf32, #tpu.memory_space<vmem>>, %arg11: memref<10240x32xf32, #tpu.memory_space<vmem_shared>>, %arg12: memref<4x!tpu.dma_semaphore, #tpu.memory_space<semaphore_mem>>, %arg13: memref<4x!tpu.dma_semaphore, #tpu.memory_space<semaphore_mem>>) attributes {dimension_semantics = [#tpu.dimension_semantics<core_parallel>, #tpu.dimension_semantics<subcore_parallel>], iteration_bounds = array<i64: 2, 16>, scalar_prefetch = 0 : i64, scratch_operands = 6 : i64, tpu.core_type = #tpu.core_type<sc_vector_subcore>, window_params = [{transform_indices = #map}, {transform_indices = #map}, {transform_indices = #map1}, {transform_indices = #map1}, {transform_indices = #map1}, {transform_indices = #map1}]} {
    %mul3A = arith.constant 16 : i32
    %mul3A_0 = arith.muli %arg0, %mul3A : i32
    %add3A = arith.addi %mul3A_0, %arg1 : i32
    %mul3A_1 = arith.constant 640 : i32
    %mul3A_2 = arith.muli %arg1, %mul3A_1 : i32
    %eq3A = arith.constant 0 : i32
    %eq3A_3 = arith.cmpi eq, %arg0, %eq3A : i32
    %convert_element_type3A = arith.extui %eq3A_3 : i1 to i32
    %cond3A = arith.constant 0 : i32
    %cond3A_4 = arith.cmpi ne, %convert_element_type3A, %cond3A : i32
    scf.if %cond3A_4 {
      "tpu.region"() ({
        %run_scoped3A = tpu.sem_alloc : memref<!tpu.dma_semaphore, #tpu.memory_space<semaphore_mem>>
        %dma_start3A = arith.constant 0 : i32
        %dma_start3A_85 = tpu.memref_slice %arg11[%mul3A_2, %dma_start3A] : memref<10240x32xf32, #tpu.memory_space<vmem_shared>> -> memref<640x32xf32, #tpu.memory_space<vmem_shared>>
        %dma_start3A_86 = arith.constant 0 : i32
        %dma_start3A_87 = tpu.memref_slice %arg4[%mul3A_2, %dma_start3A_86] : memref<10240x32xf32, #tpu.memory_space<hbm>> -> memref<640x32xf32, #tpu.memory_space<hbm>>
        tpu.enqueue_dma source(%dma_start3A_87 : memref<640x32xf32, #tpu.memory_space<hbm>>) target(%dma_start3A_85 : memref<640x32xf32, #tpu.memory_space<vmem_shared>>) target_semaphore(%run_scoped3A : memref<!tpu.dma_semaphore, #tpu.memory_space<semaphore_mem>>)
        %dma_wait3A_88 = arith.constant 0 : i32
        %dma_wait3A_89 = tpu.memref_slice %arg11[%mul3A_2, %dma_wait3A_88] : memref<10240x32xf32, #tpu.memory_space<vmem_shared>> -> memref<640x32xf32, #tpu.memory_space<vmem_shared>>
        %dma_wait3A_90 = arith.constant 0 : i32
        %dma_wait3A_91 = tpu.memref_slice %arg4[%mul3A_2, %dma_wait3A_90] : memref<10240x32xf32, #tpu.memory_space<hbm>> -> memref<640x32xf32, #tpu.memory_space<hbm>>
        tpu.wait_dma2 semaphore(%run_scoped3A : memref<!tpu.dma_semaphore, #tpu.memory_space<semaphore_mem>>) src(%dma_wait3A_91 : memref<640x32xf32, #tpu.memory_space<hbm>>) dst(%dma_wait3A_89 : memref<640x32xf32, #tpu.memory_space<vmem_shared>>)
        tpu.yield
      }) : () -> ()
    } else {
    }
    %eq3A_5 = arith.constant 1 : i32
    %eq3A_6 = arith.cmpi eq, %arg0, %eq3A_5 : i32
    %convert_element_type3A_7 = arith.extui %eq3A_6 : i1 to i32
    %cond3A_8 = arith.constant 0 : i32
    %cond3A_9 = arith.cmpi ne, %convert_element_type3A_7, %cond3A_8 : i32
    scf.if %cond3A_9 {
      "tpu.region"() ({
        %run_scoped3A = tpu.sem_alloc : memref<!tpu.dma_semaphore, #tpu.memory_space<semaphore_mem>>
        %dma_start3A = arith.constant 0 : i32
        %dma_start3A_85 = tpu.memref_slice %arg11[%mul3A_2, %dma_start3A] : memref<10240x32xf32, #tpu.memory_space<vmem_shared>> -> memref<640x32xf32, #tpu.memory_space<vmem_shared>>
        %dma_start3A_86 = arith.constant 0 : i32
        %dma_start3A_87 = tpu.memref_slice %arg5[%mul3A_2, %dma_start3A_86] : memref<10240x32xf32, #tpu.memory_space<hbm>> -> memref<640x32xf32, #tpu.memory_space<hbm>>
        tpu.enqueue_dma source(%dma_start3A_87 : memref<640x32xf32, #tpu.memory_space<hbm>>) target(%dma_start3A_85 : memref<640x32xf32, #tpu.memory_space<vmem_shared>>) target_semaphore(%run_scoped3A : memref<!tpu.dma_semaphore, #tpu.memory_space<semaphore_mem>>)
        %dma_wait3A_88 = arith.constant 0 : i32
        %dma_wait3A_89 = tpu.memref_slice %arg11[%mul3A_2, %dma_wait3A_88] : memref<10240x32xf32, #tpu.memory_space<vmem_shared>> -> memref<640x32xf32, #tpu.memory_space<vmem_shared>>
        %dma_wait3A_90 = arith.constant 0 : i32
        %dma_wait3A_91 = tpu.memref_slice %arg5[%mul3A_2, %dma_wait3A_90] : memref<10240x32xf32, #tpu.memory_space<hbm>> -> memref<640x32xf32, #tpu.memory_space<hbm>>
        tpu.wait_dma2 semaphore(%run_scoped3A : memref<!tpu.dma_semaphore, #tpu.memory_space<semaphore_mem>>) src(%dma_wait3A_91 : memref<640x32xf32, #tpu.memory_space<hbm>>) dst(%dma_wait3A_89 : memref<640x32xf32, #tpu.memory_space<vmem_shared>>)
        tpu.yield
      }) : () -> ()
    } else {
    }
    "tpu.region"() ({
      %run_scoped3A = tpu.sem_alloc : memref<!tpu.dma_semaphore, #tpu.memory_space<semaphore_mem>>
      %dma_start3A = arith.constant 0 : i32
      %dma_start3A_85 = arith.constant 0 : i32
      %dma_start3A_86 = tpu.memref_slice %arg2[%add3A, %dma_start3A, %dma_start3A_85] : memref<32x20x512xi32, #tpu.memory_space<hbm>> -> memref<1x20x512xi32, #tpu.memory_space<hbm>>
      %dma_start3A_87 = tpu.memref_squeeze %dma_start3A_86 : memref<1x20x512xi32, #tpu.memory_space<hbm>> -> memref<20x512xi32, #tpu.memory_space<hbm>>
      %dma_start3A_88 = arith.constant 0 : i32
      %dma_start3A_89 = arith.constant 0 : i32
      %dma_start3A_90 = tpu.memref_slice %arg2[%add3A, %dma_start3A_88, %dma_start3A_89] : memref<32x20x512xi32, #tpu.memory_space<hbm>> -> memref<1x20x512xi32, #tpu.memory_space<hbm>>
      %dma_start3A_91 = tpu.memref_squeeze %dma_start3A_90 : memref<1x20x512xi32, #tpu.memory_space<hbm>> -> memref<20x512xi32, #tpu.memory_space<hbm>>
      tpu.enqueue_dma source(%dma_start3A_91 : memref<20x512xi32, #tpu.memory_space<hbm>>) target(%arg8 : memref<20x512xi32, #tpu.memory_space<vmem>>) target_semaphore(%run_scoped3A : memref<!tpu.dma_semaphore, #tpu.memory_space<semaphore_mem>>)
      %dma_wait3A_92 = arith.constant 0 : i32
      %dma_wait3A_93 = arith.constant 0 : i32
      %dma_wait3A_94 = tpu.memref_slice %arg2[%add3A, %dma_wait3A_92, %dma_wait3A_93] : memref<32x20x512xi32, #tpu.memory_space<hbm>> -> memref<1x20x512xi32, #tpu.memory_space<hbm>>
      %dma_wait3A_95 = tpu.memref_squeeze %dma_wait3A_94 : memref<1x20x512xi32, #tpu.memory_space<hbm>> -> memref<20x512xi32, #tpu.memory_space<hbm>>
      %dma_wait3A_96 = arith.constant 0 : i32
      %dma_wait3A_97 = arith.constant 0 : i32
      %dma_wait3A_98 = tpu.memref_slice %arg2[%add3A, %dma_wait3A_96, %dma_wait3A_97] : memref<32x20x512xi32, #tpu.memory_space<hbm>> -> memref<1x20x512xi32, #tpu.memory_space<hbm>>
      %dma_wait3A_99 = tpu.memref_squeeze %dma_wait3A_98 : memref<1x20x512xi32, #tpu.memory_space<hbm>> -> memref<20x512xi32, #tpu.memory_space<hbm>>
      tpu.wait_dma2 semaphore(%run_scoped3A : memref<!tpu.dma_semaphore, #tpu.memory_space<semaphore_mem>>) src(%dma_wait3A_99 : memref<20x512xi32, #tpu.memory_space<hbm>>) dst(%arg8 : memref<20x512xi32, #tpu.memory_space<vmem>>)
      tpu.yield
    }) : () -> ()
    "tpu.region"() ({
      %run_scoped3A = tpu.sem_alloc : memref<!tpu.dma_semaphore, #tpu.memory_space<semaphore_mem>>
      %dma_start3A = arith.constant 0 : i32
      %dma_start3A_85 = arith.constant 0 : i32
      %dma_start3A_86 = tpu.memref_slice %arg3[%add3A, %dma_start3A, %dma_start3A_85] : memref<32x20x512xi32, #tpu.memory_space<hbm>> -> memref<1x20x512xi32, #tpu.memory_space<hbm>>
      %dma_start3A_87 = tpu.memref_squeeze %dma_start3A_86 : memref<1x20x512xi32, #tpu.memory_space<hbm>> -> memref<20x512xi32, #tpu.memory_space<hbm>>
      %dma_start3A_88 = arith.constant 0 : i32
      %dma_start3A_89 = arith.constant 0 : i32
      %dma_start3A_90 = tpu.memref_slice %arg3[%add3A, %dma_start3A_88, %dma_start3A_89] : memref<32x20x512xi32, #tpu.memory_space<hbm>> -> memref<1x20x512xi32, #tpu.memory_space<hbm>>
      %dma_start3A_91 = tpu.memref_squeeze %dma_start3A_90 : memref<1x20x512xi32, #tpu.memory_space<hbm>> -> memref<20x512xi32, #tpu.memory_space<hbm>>
      tpu.enqueue_dma source(%dma_start3A_91 : memref<20x512xi32, #tpu.memory_space<hbm>>) target(%arg9 : memref<20x512xi32, #tpu.memory_space<vmem>>) target_semaphore(%run_scoped3A : memref<!tpu.dma_semaphore, #tpu.memory_space<semaphore_mem>>)
      %dma_wait3A_92 = arith.constant 0 : i32
      %dma_wait3A_93 = arith.constant 0 : i32
      %dma_wait3A_94 = tpu.memref_slice %arg3[%add3A, %dma_wait3A_92, %dma_wait3A_93] : memref<32x20x512xi32, #tpu.memory_space<hbm>> -> memref<1x20x512xi32, #tpu.memory_space<hbm>>
      %dma_wait3A_95 = tpu.memref_squeeze %dma_wait3A_94 : memref<1x20x512xi32, #tpu.memory_space<hbm>> -> memref<20x512xi32, #tpu.memory_space<hbm>>
      %dma_wait3A_96 = arith.constant 0 : i32
      %dma_wait3A_97 = arith.constant 0 : i32
      %dma_wait3A_98 = tpu.memref_slice %arg3[%add3A, %dma_wait3A_96, %dma_wait3A_97] : memref<32x20x512xi32, #tpu.memory_space<hbm>> -> memref<1x20x512xi32, #tpu.memory_space<hbm>>
      %dma_wait3A_99 = tpu.memref_squeeze %dma_wait3A_98 : memref<1x20x512xi32, #tpu.memory_space<hbm>> -> memref<20x512xi32, #tpu.memory_space<hbm>>
      tpu.wait_dma2 semaphore(%run_scoped3A : memref<!tpu.dma_semaphore, #tpu.memory_space<semaphore_mem>>) src(%dma_wait3A_99 : memref<20x512xi32, #tpu.memory_space<hbm>>) dst(%arg9 : memref<20x512xi32, #tpu.memory_space<vmem>>)
      tpu.yield
    }) : () -> ()
    %barrier3A = arith.constant 0 : index
    tpu.barrier barrier_id(%barrier3A)
    %scan3A = arith.constant 0 : i32
    %scan3A_10 = arith.constant 0 : i32
    %scan3A_11 = arith.constant 22 : i32
    %scan3A_12 = arith.addi %scan3A_10, %scan3A_11 : i32
    %scan3A_13 = arith.constant 1 : i32
    scf.for %scan3A_85 = %scan3A_10 to %scan3A_12 step %scan3A_13  : i32 {
      %rem3A = arith.constant 4 : i32
      %rem3A_86 = arith.remsi %scan3A_85, %rem3A : i32
      %lt3A = arith.constant 20 : i32
      %lt3A_87 = arith.cmpi slt, %scan3A_85, %lt3A : i32
      %convert_element_type3A_88 = arith.extui %lt3A_87 : i1 to i32
      %cond3A_89 = arith.constant 0 : i32
      %cond3A_90 = arith.cmpi ne, %convert_element_type3A_88, %cond3A_89 : i32
      scf.if %cond3A_90 {
        %ge3A_98 = arith.constant 4 : i32
        %ge3A_99 = arith.cmpi sge, %scan3A_85, %ge3A_98 : i32
        %convert_element_type3A_100 = arith.extui %ge3A_99 : i1 to i32
        %cond3A_101 = arith.constant 0 : i32
        %cond3A_102 = arith.cmpi ne, %convert_element_type3A_100, %cond3A_101 : i32
        scf.if %cond3A_102 {
          %sub3A_114 = arith.constant 4 : i32
          %sub3A_115 = arith.subi %scan3A_85, %sub3A_114 : i32
          %dma_wait3A_116 = arith.constant 0 : i32
          %dma_wait3A_117 = arith.constant 0 : i32
          %dma_wait3A_118 = tpu.memref_slice %arg10[%rem3A_86, %dma_wait3A_116, %dma_wait3A_117] : memref<4x512x32xf32, #tpu.memory_space<vmem>> -> memref<1x512x32xf32, #tpu.memory_space<vmem>>
          %dma_wait3A_119 = tpu.memref_squeeze %dma_wait3A_118 : memref<1x512x32xf32, #tpu.memory_space<vmem>> -> memref<512x32xf32, #tpu.memory_space<vmem>>
          %dma_wait3A_120 = arith.constant 0 : i32
          %dma_wait3A_121 = tpu.memref_slice %arg9[%sub3A_115, %dma_wait3A_120] : memref<20x512xi32, #tpu.memory_space<vmem>> -> memref<1x512xi32, #tpu.memory_space<vmem>>
          %dma_wait3A_122 = tpu.memref_squeeze %dma_wait3A_121 : memref<1x512xi32, #tpu.memory_space<vmem>> -> memref<512xi32, #tpu.memory_space<vmem>>
          %dma_wait3A_123 = arith.constant 0 : i32
          %dma_wait3A_124 = arith.constant 0 : i32
          %dma_wait3A_125 = tpu.memref_slice %arg11[%dma_wait3A_123, %dma_wait3A_124] : memref<10240x32xf32, #tpu.memory_space<vmem_shared>> -> memref<10240x32xf32, #tpu.memory_space<vmem_shared>>
          %dma_wait3A_126 = tpu.memref_slice %arg13[%rem3A_86] : memref<4x!tpu.dma_semaphore, #tpu.memory_space<semaphore_mem>> -> memref<1x!tpu.dma_semaphore, #tpu.memory_space<semaphore_mem>>
          %dma_wait3A_127 = tpu.memref_squeeze %dma_wait3A_126 : memref<1x!tpu.dma_semaphore, #tpu.memory_space<semaphore_mem>> -> memref<!tpu.dma_semaphore, #tpu.memory_space<semaphore_mem>>
          tpu.wait_indirect_dma semaphore(%dma_wait3A_127 : memref<!tpu.dma_semaphore, #tpu.memory_space<semaphore_mem>>) src(%dma_wait3A_119 : memref<512x32xf32, #tpu.memory_space<vmem>>) dst(%dma_wait3A_125 : memref<10240x32xf32, #tpu.memory_space<vmem_shared>>)
        } else {
        }
        %dma_start3A = arith.constant 0 : i32
        %dma_start3A_103 = arith.constant 0 : i32
        %dma_start3A_104 = tpu.memref_slice %arg10[%rem3A_86, %dma_start3A, %dma_start3A_103] : memref<4x512x32xf32, #tpu.memory_space<vmem>> -> memref<1x512x32xf32, #tpu.memory_space<vmem>>
        %dma_start3A_105 = tpu.memref_squeeze %dma_start3A_104 : memref<1x512x32xf32, #tpu.memory_space<vmem>> -> memref<512x32xf32, #tpu.memory_space<vmem>>
        %dma_start3A_106 = arith.constant 0 : i32
        %dma_start3A_107 = tpu.memref_slice %arg8[%scan3A_85, %dma_start3A_106] : memref<20x512xi32, #tpu.memory_space<vmem>> -> memref<1x512xi32, #tpu.memory_space<vmem>>
        %dma_start3A_108 = tpu.memref_squeeze %dma_start3A_107 : memref<1x512xi32, #tpu.memory_space<vmem>> -> memref<512xi32, #tpu.memory_space<vmem>>
        %dma_start3A_109 = arith.constant 0 : i32
        %dma_start3A_110 = arith.constant 0 : i32
        %dma_start3A_111 = tpu.memref_slice %arg4[%dma_start3A_109, %dma_start3A_110] : memref<10240x32xf32, #tpu.memory_space<hbm>> -> memref<10240x32xf32, #tpu.memory_space<hbm>>
        %dma_start3A_112 = tpu.memref_slice %arg12[%rem3A_86] : memref<4x!tpu.dma_semaphore, #tpu.memory_space<semaphore_mem>> -> memref<1x!tpu.dma_semaphore, #tpu.memory_space<semaphore_mem>>
        %dma_start3A_113 = tpu.memref_squeeze %dma_start3A_112 : memref<1x!tpu.dma_semaphore, #tpu.memory_space<semaphore_mem>> -> memref<!tpu.dma_semaphore, #tpu.memory_space<semaphore_mem>>
        tpu.enqueue_indirect_dma source(%dma_start3A_111 : memref<10240x32xf32, #tpu.memory_space<hbm>>) target(%dma_start3A_105 : memref<512x32xf32, #tpu.memory_space<vmem>>) offsets(%dma_start3A_108 : memref<512xi32, #tpu.memory_space<vmem>>) semaphore(%dma_start3A_113 : memref<!tpu.dma_semaphore, #tpu.memory_space<semaphore_mem>>)
      } else {
      }
      %sub3A = arith.constant 2 : i32
      %sub3A_91 = arith.subi %scan3A_85, %sub3A : i32
      %ge3A = arith.constant 0 : i32
      %ge3A_92 = arith.cmpi sge, %sub3A_91, %ge3A : i32
      %lt3A_93 = arith.constant 20 : i32
      %lt3A_94 = arith.cmpi slt, %sub3A_91, %lt3A_93 : i32
      %and3A = arith.andi %ge3A_92, %lt3A_94 : i1
      %convert_element_type3A_95 = arith.extui %and3A : i1 to i32
      %cond3A_96 = arith.constant 0 : i32
      %cond3A_97 = arith.cmpi ne, %convert_element_type3A_95, %cond3A_96 : i32
      scf.if %cond3A_97 {
        %add3A_98 = arith.constant 4 : i32
        %add3A_99 = arith.addi %sub3A_91, %add3A_98 : i32
        %rem3A_100 = arith.constant 4 : i32
        %rem3A_101 = arith.remsi %add3A_99, %rem3A_100 : i32
        %dma_wait3A_102 = arith.constant 0 : i32
        %dma_wait3A_103 = arith.constant 0 : i32
        %dma_wait3A_104 = tpu.memref_slice %arg10[%rem3A_101, %dma_wait3A_102, %dma_wait3A_103] : memref<4x512x32xf32, #tpu.memory_space<vmem>> -> memref<1x512x32xf32, #tpu.memory_space<vmem>>
        %dma_wait3A_105 = tpu.memref_squeeze %dma_wait3A_104 : memref<1x512x32xf32, #tpu.memory_space<vmem>> -> memref<512x32xf32, #tpu.memory_space<vmem>>
        %dma_wait3A_106 = arith.constant 0 : i32
        %dma_wait3A_107 = tpu.memref_slice %arg8[%sub3A_91, %dma_wait3A_106] : memref<20x512xi32, #tpu.memory_space<vmem>> -> memref<1x512xi32, #tpu.memory_space<vmem>>
        %dma_wait3A_108 = tpu.memref_squeeze %dma_wait3A_107 : memref<1x512xi32, #tpu.memory_space<vmem>> -> memref<512xi32, #tpu.memory_space<vmem>>
        %dma_wait3A_109 = arith.constant 0 : i32
        %dma_wait3A_110 = arith.constant 0 : i32
        %dma_wait3A_111 = tpu.memref_slice %arg4[%dma_wait3A_109, %dma_wait3A_110] : memref<10240x32xf32, #tpu.memory_space<hbm>> -> memref<10240x32xf32, #tpu.memory_space<hbm>>
        %dma_wait3A_112 = tpu.memref_slice %arg12[%rem3A_101] : memref<4x!tpu.dma_semaphore, #tpu.memory_space<semaphore_mem>> -> memref<1x!tpu.dma_semaphore, #tpu.memory_space<semaphore_mem>>
        %dma_wait3A_113 = tpu.memref_squeeze %dma_wait3A_112 : memref<1x!tpu.dma_semaphore, #tpu.memory_space<semaphore_mem>> -> memref<!tpu.dma_semaphore, #tpu.memory_space<semaphore_mem>>
        tpu.wait_indirect_dma semaphore(%dma_wait3A_113 : memref<!tpu.dma_semaphore, #tpu.memory_space<semaphore_mem>>) src(%dma_wait3A_111 : memref<10240x32xf32, #tpu.memory_space<hbm>>) dst(%dma_wait3A_105 : memref<512x32xf32, #tpu.memory_space<vmem>>)
        %dma_start3A = arith.constant 0 : i32
        %dma_start3A_114 = arith.constant 0 : i32
        %dma_start3A_115 = tpu.memref_slice %arg10[%rem3A_101, %dma_start3A, %dma_start3A_114] : memref<4x512x32xf32, #tpu.memory_space<vmem>> -> memref<1x512x32xf32, #tpu.memory_space<vmem>>
        %dma_start3A_116 = tpu.memref_squeeze %dma_start3A_115 : memref<1x512x32xf32, #tpu.memory_space<vmem>> -> memref<512x32xf32, #tpu.memory_space<vmem>>
        %dma_start3A_117 = arith.constant 0 : i32
        %dma_start3A_118 = tpu.memref_slice %arg9[%sub3A_91, %dma_start3A_117] : memref<20x512xi32, #tpu.memory_space<vmem>> -> memref<1x512xi32, #tpu.memory_space<vmem>>
        %dma_start3A_119 = tpu.memref_squeeze %dma_start3A_118 : memref<1x512xi32, #tpu.memory_space<vmem>> -> memref<512xi32, #tpu.memory_space<vmem>>
        %dma_start3A_120 = arith.constant 0 : i32
        %dma_start3A_121 = arith.constant 0 : i32
        %dma_start3A_122 = tpu.memref_slice %arg11[%dma_start3A_120, %dma_start3A_121] : memref<10240x32xf32, #tpu.memory_space<vmem_shared>> -> memref<10240x32xf32, #tpu.memory_space<vmem_shared>>
        %dma_start3A_123 = tpu.memref_slice %arg13[%rem3A_101] : memref<4x!tpu.dma_semaphore, #tpu.memory_space<semaphore_mem>> -> memref<1x!tpu.dma_semaphore, #tpu.memory_space<semaphore_mem>>
        %dma_start3A_124 = tpu.memref_squeeze %dma_start3A_123 : memref<1x!tpu.dma_semaphore, #tpu.memory_space<semaphore_mem>> -> memref<!tpu.dma_semaphore, #tpu.memory_space<semaphore_mem>>
        tpu.enqueue_indirect_dma source(%dma_start3A_116 : memref<512x32xf32, #tpu.memory_space<vmem>>) target(%dma_start3A_122 : memref<10240x32xf32, #tpu.memory_space<vmem_shared>>) offsets(%dma_start3A_119 : memref<512xi32, #tpu.memory_space<vmem>>) semaphore(%dma_start3A_124 : memref<!tpu.dma_semaphore, #tpu.memory_space<semaphore_mem>>) {add = true}
      } else {
      }
    }
    %scan3A_14 = arith.constant 22 : i32
    %dma_wait3A = arith.constant 0 : i32
    %dma_wait3A_15 = arith.constant 0 : i32
    %dma_wait3A_16 = arith.constant 0 : i32
    %dma_wait3A_17 = arith.constant 0 : i32
    %dma_wait3A_18 = arith.constant 0 : i32
    %dma_wait3A_19 = tpu.memref_slice %arg10[%dma_wait3A, %dma_wait3A_17, %dma_wait3A_18] : memref<4x512x32xf32, #tpu.memory_space<vmem>> -> memref<1x512x32xf32, #tpu.memory_space<vmem>>
    %dma_wait3A_20 = tpu.memref_squeeze %dma_wait3A_19 : memref<1x512x32xf32, #tpu.memory_space<vmem>> -> memref<512x32xf32, #tpu.memory_space<vmem>>
    %dma_wait3A_21 = arith.constant 0 : i32
    %dma_wait3A_22 = tpu.memref_slice %arg9[%dma_wait3A_15, %dma_wait3A_21] : memref<20x512xi32, #tpu.memory_space<vmem>> -> memref<1x512xi32, #tpu.memory_space<vmem>>
    %dma_wait3A_23 = tpu.memref_squeeze %dma_wait3A_22 : memref<1x512xi32, #tpu.memory_space<vmem>> -> memref<512xi32, #tpu.memory_space<vmem>>
    %dma_wait3A_24 = arith.constant 0 : i32
    %dma_wait3A_25 = arith.constant 0 : i32
    %dma_wait3A_26 = tpu.memref_slice %arg11[%dma_wait3A_24, %dma_wait3A_25] : memref<10240x32xf32, #tpu.memory_space<vmem_shared>> -> memref<10240x32xf32, #tpu.memory_space<vmem_shared>>
    %dma_wait3A_27 = tpu.memref_slice %arg13[%dma_wait3A_16] : memref<4x!tpu.dma_semaphore, #tpu.memory_space<semaphore_mem>> -> memref<1x!tpu.dma_semaphore, #tpu.memory_space<semaphore_mem>>
    %dma_wait3A_28 = tpu.memref_squeeze %dma_wait3A_27 : memref<1x!tpu.dma_semaphore, #tpu.memory_space<semaphore_mem>> -> memref<!tpu.dma_semaphore, #tpu.memory_space<semaphore_mem>>
    tpu.wait_indirect_dma semaphore(%dma_wait3A_28 : memref<!tpu.dma_semaphore, #tpu.memory_space<semaphore_mem>>) src(%dma_wait3A_20 : memref<512x32xf32, #tpu.memory_space<vmem>>) dst(%dma_wait3A_26 : memref<10240x32xf32, #tpu.memory_space<vmem_shared>>)
    %dma_wait3A_29 = arith.constant 1 : i32
    %dma_wait3A_30 = arith.constant 0 : i32
    %dma_wait3A_31 = arith.constant 1 : i32
    %dma_wait3A_32 = arith.constant 0 : i32
    %dma_wait3A_33 = arith.constant 0 : i32
    %dma_wait3A_34 = tpu.memref_slice %arg10[%dma_wait3A_29, %dma_wait3A_32, %dma_wait3A_33] : memref<4x512x32xf32, #tpu.memory_space<vmem>> -> memref<1x512x32xf32, #tpu.memory_space<vmem>>
    %dma_wait3A_35 = tpu.memref_squeeze %dma_wait3A_34 : memref<1x512x32xf32, #tpu.memory_space<vmem>> -> memref<512x32xf32, #tpu.memory_space<vmem>>
    %dma_wait3A_36 = arith.constant 0 : i32
    %dma_wait3A_37 = tpu.memref_slice %arg9[%dma_wait3A_30, %dma_wait3A_36] : memref<20x512xi32, #tpu.memory_space<vmem>> -> memref<1x512xi32, #tpu.memory_space<vmem>>
    %dma_wait3A_38 = tpu.memref_squeeze %dma_wait3A_37 : memref<1x512xi32, #tpu.memory_space<vmem>> -> memref<512xi32, #tpu.memory_space<vmem>>
    %dma_wait3A_39 = arith.constant 0 : i32
    %dma_wait3A_40 = arith.constant 0 : i32
    %dma_wait3A_41 = tpu.memref_slice %arg11[%dma_wait3A_39, %dma_wait3A_40] : memref<10240x32xf32, #tpu.memory_space<vmem_shared>> -> memref<10240x32xf32, #tpu.memory_space<vmem_shared>>
    %dma_wait3A_42 = tpu.memref_slice %arg13[%dma_wait3A_31] : memref<4x!tpu.dma_semaphore, #tpu.memory_space<semaphore_mem>> -> memref<1x!tpu.dma_semaphore, #tpu.memory_space<semaphore_mem>>
    %dma_wait3A_43 = tpu.memref_squeeze %dma_wait3A_42 : memref<1x!tpu.dma_semaphore, #tpu.memory_space<semaphore_mem>> -> memref<!tpu.dma_semaphore, #tpu.memory_space<semaphore_mem>>
    tpu.wait_indirect_dma semaphore(%dma_wait3A_43 : memref<!tpu.dma_semaphore, #tpu.memory_space<semaphore_mem>>) src(%dma_wait3A_35 : memref<512x32xf32, #tpu.memory_space<vmem>>) dst(%dma_wait3A_41 : memref<10240x32xf32, #tpu.memory_space<vmem_shared>>)
    %dma_wait3A_44 = arith.constant 2 : i32
    %dma_wait3A_45 = arith.constant 0 : i32
    %dma_wait3A_46 = arith.constant 2 : i32
    %dma_wait3A_47 = arith.constant 0 : i32
    %dma_wait3A_48 = arith.constant 0 : i32
    %dma_wait3A_49 = tpu.memref_slice %arg10[%dma_wait3A_44, %dma_wait3A_47, %dma_wait3A_48] : memref<4x512x32xf32, #tpu.memory_space<vmem>> -> memref<1x512x32xf32, #tpu.memory_space<vmem>>
    %dma_wait3A_50 = tpu.memref_squeeze %dma_wait3A_49 : memref<1x512x32xf32, #tpu.memory_space<vmem>> -> memref<512x32xf32, #tpu.memory_space<vmem>>
    %dma_wait3A_51 = arith.constant 0 : i32
    %dma_wait3A_52 = tpu.memref_slice %arg9[%dma_wait3A_45, %dma_wait3A_51] : memref<20x512xi32, #tpu.memory_space<vmem>> -> memref<1x512xi32, #tpu.memory_space<vmem>>
    %dma_wait3A_53 = tpu.memref_squeeze %dma_wait3A_52 : memref<1x512xi32, #tpu.memory_space<vmem>> -> memref<512xi32, #tpu.memory_space<vmem>>
    %dma_wait3A_54 = arith.constant 0 : i32
    %dma_wait3A_55 = arith.constant 0 : i32
    %dma_wait3A_56 = tpu.memref_slice %arg11[%dma_wait3A_54, %dma_wait3A_55] : memref<10240x32xf32, #tpu.memory_space<vmem_shared>> -> memref<10240x32xf32, #tpu.memory_space<vmem_shared>>
    %dma_wait3A_57 = tpu.memref_slice %arg13[%dma_wait3A_46] : memref<4x!tpu.dma_semaphore, #tpu.memory_space<semaphore_mem>> -> memref<1x!tpu.dma_semaphore, #tpu.memory_space<semaphore_mem>>
    %dma_wait3A_58 = tpu.memref_squeeze %dma_wait3A_57 : memref<1x!tpu.dma_semaphore, #tpu.memory_space<semaphore_mem>> -> memref<!tpu.dma_semaphore, #tpu.memory_space<semaphore_mem>>
    tpu.wait_indirect_dma semaphore(%dma_wait3A_58 : memref<!tpu.dma_semaphore, #tpu.memory_space<semaphore_mem>>) src(%dma_wait3A_50 : memref<512x32xf32, #tpu.memory_space<vmem>>) dst(%dma_wait3A_56 : memref<10240x32xf32, #tpu.memory_space<vmem_shared>>)
    %dma_wait3A_59 = arith.constant 3 : i32
    %dma_wait3A_60 = arith.constant 0 : i32
    %dma_wait3A_61 = arith.constant 3 : i32
    %dma_wait3A_62 = arith.constant 0 : i32
    %dma_wait3A_63 = arith.constant 0 : i32
    %dma_wait3A_64 = tpu.memref_slice %arg10[%dma_wait3A_59, %dma_wait3A_62, %dma_wait3A_63] : memref<4x512x32xf32, #tpu.memory_space<vmem>> -> memref<1x512x32xf32, #tpu.memory_space<vmem>>
    %dma_wait3A_65 = tpu.memref_squeeze %dma_wait3A_64 : memref<1x512x32xf32, #tpu.memory_space<vmem>> -> memref<512x32xf32, #tpu.memory_space<vmem>>
    %dma_wait3A_66 = arith.constant 0 : i32
    %dma_wait3A_67 = tpu.memref_slice %arg9[%dma_wait3A_60, %dma_wait3A_66] : memref<20x512xi32, #tpu.memory_space<vmem>> -> memref<1x512xi32, #tpu.memory_space<vmem>>
    %dma_wait3A_68 = tpu.memref_squeeze %dma_wait3A_67 : memref<1x512xi32, #tpu.memory_space<vmem>> -> memref<512xi32, #tpu.memory_space<vmem>>
    %dma_wait3A_69 = arith.constant 0 : i32
    %dma_wait3A_70 = arith.constant 0 : i32
    %dma_wait3A_71 = tpu.memref_slice %arg11[%dma_wait3A_69, %dma_wait3A_70] : memref<10240x32xf32, #tpu.memory_space<vmem_shared>> -> memref<10240x32xf32, #tpu.memory_space<vmem_shared>>
    %dma_wait3A_72 = tpu.memref_slice %arg13[%dma_wait3A_61] : memref<4x!tpu.dma_semaphore, #tpu.memory_space<semaphore_mem>> -> memref<1x!tpu.dma_semaphore, #tpu.memory_space<semaphore_mem>>
    %dma_wait3A_73 = tpu.memref_squeeze %dma_wait3A_72 : memref<1x!tpu.dma_semaphore, #tpu.memory_space<semaphore_mem>> -> memref<!tpu.dma_semaphore, #tpu.memory_space<semaphore_mem>>
    tpu.wait_indirect_dma semaphore(%dma_wait3A_73 : memref<!tpu.dma_semaphore, #tpu.memory_space<semaphore_mem>>) src(%dma_wait3A_65 : memref<512x32xf32, #tpu.memory_space<vmem>>) dst(%dma_wait3A_71 : memref<10240x32xf32, #tpu.memory_space<vmem_shared>>)
    %barrier3A_74 = arith.constant 0 : index
    tpu.barrier barrier_id(%barrier3A_74)
    %eq3A_75 = arith.constant 0 : i32
    %eq3A_76 = arith.cmpi eq, %arg0, %eq3A_75 : i32
    %convert_element_type3A_77 = arith.extui %eq3A_76 : i1 to i32
    %cond3A_78 = arith.constant 0 : i32
    %cond3A_79 = arith.cmpi ne, %convert_element_type3A_77, %cond3A_78 : i32
    scf.if %cond3A_79 {
      "tpu.region"() ({
        %run_scoped3A = tpu.sem_alloc : memref<!tpu.dma_semaphore, #tpu.memory_space<semaphore_mem>>
        %dma_start3A = arith.constant 0 : i32
        %dma_start3A_85 = tpu.memref_slice %arg6[%mul3A_2, %dma_start3A] : memref<10240x32xf32, #tpu.memory_space<hbm>> -> memref<640x32xf32, #tpu.memory_space<hbm>>
        %dma_start3A_86 = arith.constant 0 : i32
        %dma_start3A_87 = tpu.memref_slice %arg11[%mul3A_2, %dma_start3A_86] : memref<10240x32xf32, #tpu.memory_space<vmem_shared>> -> memref<640x32xf32, #tpu.memory_space<vmem_shared>>
        tpu.enqueue_dma source(%dma_start3A_87 : memref<640x32xf32, #tpu.memory_space<vmem_shared>>) target(%dma_start3A_85 : memref<640x32xf32, #tpu.memory_space<hbm>>) target_semaphore(%run_scoped3A : memref<!tpu.dma_semaphore, #tpu.memory_space<semaphore_mem>>)
        %dma_wait3A_88 = arith.constant 0 : i32
        %dma_wait3A_89 = tpu.memref_slice %arg6[%mul3A_2, %dma_wait3A_88] : memref<10240x32xf32, #tpu.memory_space<hbm>> -> memref<640x32xf32, #tpu.memory_space<hbm>>
        %dma_wait3A_90 = arith.constant 0 : i32
        %dma_wait3A_91 = tpu.memref_slice %arg11[%mul3A_2, %dma_wait3A_90] : memref<10240x32xf32, #tpu.memory_space<vmem_shared>> -> memref<640x32xf32, #tpu.memory_space<vmem_shared>>
        tpu.wait_dma2 semaphore(%run_scoped3A : memref<!tpu.dma_semaphore, #tpu.memory_space<semaphore_mem>>) src(%dma_wait3A_91 : memref<640x32xf32, #tpu.memory_space<vmem_shared>>) dst(%dma_wait3A_89 : memref<640x32xf32, #tpu.memory_space<hbm>>)
        tpu.yield
      }) : () -> ()
    } else {
    }
    %eq3A_80 = arith.constant 1 : i32
    %eq3A_81 = arith.cmpi eq, %arg0, %eq3A_80 : i32
    %convert_element_type3A_82 = arith.extui %eq3A_81 : i1 to i32
    %cond3A_83 = arith.constant 0 : i32
    %cond3A_84 = arith.cmpi ne, %convert_element_type3A_82, %cond3A_83 : i32
    scf.if %cond3A_84 {
      "tpu.region"() ({
        %run_scoped3A = tpu.sem_alloc : memref<!tpu.dma_semaphore, #tpu.memory_space<semaphore_mem>>
        %dma_start3A = arith.constant 0 : i32
        %dma_start3A_85 = tpu.memref_slice %arg7[%mul3A_2, %dma_start3A] : memref<10240x32xf32, #tpu.memory_space<hbm>> -> memref<640x32xf32, #tpu.memory_space<hbm>>
        %dma_start3A_86 = arith.constant 0 : i32
        %dma_start3A_87 = tpu.memref_slice %arg11[%mul3A_2, %dma_start3A_86] : memref<10240x32xf32, #tpu.memory_space<vmem_shared>> -> memref<640x32xf32, #tpu.memory_space<vmem_shared>>
        tpu.enqueue_dma source(%dma_start3A_87 : memref<640x32xf32, #tpu.memory_space<vmem_shared>>) target(%dma_start3A_85 : memref<640x32xf32, #tpu.memory_space<hbm>>) target_semaphore(%run_scoped3A : memref<!tpu.dma_semaphore, #tpu.memory_space<semaphore_mem>>)
        %dma_wait3A_88 = arith.constant 0 : i32
        %dma_wait3A_89 = tpu.memref_slice %arg7[%mul3A_2, %dma_wait3A_88] : memref<10240x32xf32, #tpu.memory_space<hbm>> -> memref<640x32xf32, #tpu.memory_space<hbm>>
        %dma_wait3A_90 = arith.constant 0 : i32
        %dma_wait3A_91 = tpu.memref_slice %arg11[%mul3A_2, %dma_wait3A_90] : memref<10240x32xf32, #tpu.memory_space<vmem_shared>> -> memref<640x32xf32, #tpu.memory_space<vmem_shared>>
        tpu.wait_dma2 semaphore(%run_scoped3A : memref<!tpu.dma_semaphore, #tpu.memory_space<semaphore_mem>>) src(%dma_wait3A_91 : memref<640x32xf32, #tpu.memory_space<vmem_shared>>) dst(%dma_wait3A_89 : memref<640x32xf32, #tpu.memory_space<hbm>>)
        tpu.yield
      }) : () -> ()
    } else {
    }
    return
  }
}

#map = affine_map<(d0, d1) -> (0, 0, 0)>
#map1 = affine_map<(d0, d1) -> (0, 0)>
module attributes {stable_mosaic.version = 14 : i64} {
  func.func @k(%arg0: i32, %arg1: i32, %arg2: memref<32x20x512xi32, #tpu.memory_space<hbm>>, %arg3: memref<32x20x512xi32, #tpu.memory_space<hbm>>, %arg4: memref<10240x32xf32, #tpu.memory_space<hbm>>, %arg5: memref<10240x32xf32, #tpu.memory_space<hbm>>, %arg6: memref<10240x32xf32, #tpu.memory_space<hbm>>, %arg7: memref<10240x32xf32, #tpu.memory_space<hbm>>, %arg8: memref<20x512xi32, #tpu.memory_space<vmem>>, %arg9: memref<20x512xi32, #tpu.memory_space<vmem>>, %arg10: memref<4x512x32xf32, #tpu.memory_space<vmem>>, %arg11: memref<10240x32xf32, #tpu.memory_space<vmem_shared>>, %arg12: memref<4x!tpu.dma_semaphore, #tpu.memory_space<semaphore_mem>>, %arg13: memref<4x!tpu.dma_semaphore, #tpu.memory_space<semaphore_mem>>) attributes {dimension_semantics = [#tpu.dimension_semantics<core_parallel>, #tpu.dimension_semantics<subcore_parallel>], iteration_bounds = array<i64: 2, 16>, scalar_prefetch = 0 : i64, scratch_operands = 6 : i64, tpu.core_type = #tpu.core_type<sc_vector_subcore>, window_params = [{transform_indices = #map}, {transform_indices = #map}, {transform_indices = #map1}, {transform_indices = #map1}, {transform_indices = #map1}, {transform_indices = #map1}]} {
    %mul3A = arith.constant 16 : i32
    %mul3A_0 = arith.muli %arg0, %mul3A : i32
    %add3A = arith.addi %mul3A_0, %arg1 : i32
    %mul3A_1 = arith.constant 640 : i32
    %mul3A_2 = arith.muli %arg1, %mul3A_1 : i32
    %eq3A = arith.constant 0 : i32
    %eq3A_3 = arith.cmpi eq, %arg0, %eq3A : i32
    %convert_element_type3A = arith.extui %eq3A_3 : i1 to i32
    %cond3A = arith.constant 0 : i32
    %cond3A_4 = arith.cmpi ne, %convert_element_type3A, %cond3A : i32
    scf.if %cond3A_4 {
      "tpu.region"() ({
        %run_scoped3A = tpu.sem_alloc : memref<!tpu.dma_semaphore, #tpu.memory_space<semaphore_mem>>
        %dma_start3A = arith.constant 0 : i32
        %dma_start3A_85 = tpu.memref_slice %arg11[%mul3A_2, %dma_start3A] : memref<10240x32xf32, #tpu.memory_space<vmem_shared>> -> memref<640x32xf32, #tpu.memory_space<vmem_shared>>
        %dma_start3A_86 = arith.constant 0 : i32
        %dma_start3A_87 = tpu.memref_slice %arg4[%mul3A_2, %dma_start3A_86] : memref<10240x32xf32, #tpu.memory_space<hbm>> -> memref<640x32xf32, #tpu.memory_space<hbm>>
        tpu.enqueue_dma source(%dma_start3A_87 : memref<640x32xf32, #tpu.memory_space<hbm>>) target(%dma_start3A_85 : memref<640x32xf32, #tpu.memory_space<vmem_shared>>) target_semaphore(%run_scoped3A : memref<!tpu.dma_semaphore, #tpu.memory_space<semaphore_mem>>)
        %dma_wait3A_88 = arith.constant 0 : i32
        %dma_wait3A_89 = tpu.memref_slice %arg11[%mul3A_2, %dma_wait3A_88] : memref<10240x32xf32, #tpu.memory_space<vmem_shared>> -> memref<640x32xf32, #tpu.memory_space<vmem_shared>>
        %dma_wait3A_90 = arith.constant 0 : i32
        %dma_wait3A_91 = tpu.memref_slice %arg4[%mul3A_2, %dma_wait3A_90] : memref<10240x32xf32, #tpu.memory_space<hbm>> -> memref<640x32xf32, #tpu.memory_space<hbm>>
        tpu.wait_dma2 semaphore(%run_scoped3A : memref<!tpu.dma_semaphore, #tpu.memory_space<semaphore_mem>>) src(%dma_wait3A_91 : memref<640x32xf32, #tpu.memory_space<hbm>>) dst(%dma_wait3A_89 : memref<640x32xf32, #tpu.memory_space<vmem_shared>>)
        tpu.yield
      }) : () -> ()
    } else {
    }
    %eq3A_5 = arith.constant 1 : i32
    %eq3A_6 = arith.cmpi eq, %arg0, %eq3A_5 : i32
    %convert_element_type3A_7 = arith.extui %eq3A_6 : i1 to i32
    %cond3A_8 = arith.constant 0 : i32
    %cond3A_9 = arith.cmpi ne, %convert_element_type3A_7, %cond3A_8 : i32
    scf.if %cond3A_9 {
      "tpu.region"() ({
        %run_scoped3A = tpu.sem_alloc : memref<!tpu.dma_semaphore, #tpu.memory_space<semaphore_mem>>
        %dma_start3A = arith.constant 0 : i32
        %dma_start3A_85 = tpu.memref_slice %arg11[%mul3A_2, %dma_start3A] : memref<10240x32xf32, #tpu.memory_space<vmem_shared>> -> memref<640x32xf32, #tpu.memory_space<vmem_shared>>
        %dma_start3A_86 = arith.constant 0 : i32
        %dma_start3A_87 = tpu.memref_slice %arg5[%mul3A_2, %dma_start3A_86] : memref<10240x32xf32, #tpu.memory_space<hbm>> -> memref<640x32xf32, #tpu.memory_space<hbm>>
        tpu.enqueue_dma source(%dma_start3A_87 : memref<640x32xf32, #tpu.memory_space<hbm>>) target(%dma_start3A_85 : memref<640x32xf32, #tpu.memory_space<vmem_shared>>) target_semaphore(%run_scoped3A : memref<!tpu.dma_semaphore, #tpu.memory_space<semaphore_mem>>)
        %dma_wait3A_88 = arith.constant 0 : i32
        %dma_wait3A_89 = tpu.memref_slice %arg11[%mul3A_2, %dma_wait3A_88] : memref<10240x32xf32, #tpu.memory_space<vmem_shared>> -> memref<640x32xf32, #tpu.memory_space<vmem_shared>>
        %dma_wait3A_90 = arith.constant 0 : i32
        %dma_wait3A_91 = tpu.memref_slice %arg5[%mul3A_2, %dma_wait3A_90] : memref<10240x32xf32, #tpu.memory_space<hbm>> -> memref<640x32xf32, #tpu.memory_space<hbm>>
        tpu.wait_dma2 semaphore(%run_scoped3A : memref<!tpu.dma_semaphore, #tpu.memory_space<semaphore_mem>>) src(%dma_wait3A_91 : memref<640x32xf32, #tpu.memory_space<hbm>>) dst(%dma_wait3A_89 : memref<640x32xf32, #tpu.memory_space<vmem_shared>>)
        tpu.yield
      }) : () -> ()
    } else {
    }
    "tpu.region"() ({
      %run_scoped3A = tpu.sem_alloc : memref<!tpu.dma_semaphore, #tpu.memory_space<semaphore_mem>>
      %dma_start3A = arith.constant 0 : i32
      %dma_start3A_85 = arith.constant 0 : i32
      %dma_start3A_86 = tpu.memref_slice %arg2[%add3A, %dma_start3A, %dma_start3A_85] : memref<32x20x512xi32, #tpu.memory_space<hbm>> -> memref<1x20x512xi32, #tpu.memory_space<hbm>>
      %dma_start3A_87 = tpu.memref_squeeze %dma_start3A_86 : memref<1x20x512xi32, #tpu.memory_space<hbm>> -> memref<20x512xi32, #tpu.memory_space<hbm>>
      %dma_start3A_88 = arith.constant 0 : i32
      %dma_start3A_89 = arith.constant 0 : i32
      %dma_start3A_90 = tpu.memref_slice %arg2[%add3A, %dma_start3A_88, %dma_start3A_89] : memref<32x20x512xi32, #tpu.memory_space<hbm>> -> memref<1x20x512xi32, #tpu.memory_space<hbm>>
      %dma_start3A_91 = tpu.memref_squeeze %dma_start3A_90 : memref<1x20x512xi32, #tpu.memory_space<hbm>> -> memref<20x512xi32, #tpu.memory_space<hbm>>
      tpu.enqueue_dma source(%dma_start3A_91 : memref<20x512xi32, #tpu.memory_space<hbm>>) target(%arg8 : memref<20x512xi32, #tpu.memory_space<vmem>>) target_semaphore(%run_scoped3A : memref<!tpu.dma_semaphore, #tpu.memory_space<semaphore_mem>>)
      %dma_wait3A_92 = arith.constant 0 : i32
      %dma_wait3A_93 = arith.constant 0 : i32
      %dma_wait3A_94 = tpu.memref_slice %arg2[%add3A, %dma_wait3A_92, %dma_wait3A_93] : memref<32x20x512xi32, #tpu.memory_space<hbm>> -> memref<1x20x512xi32, #tpu.memory_space<hbm>>
      %dma_wait3A_95 = tpu.memref_squeeze %dma_wait3A_94 : memref<1x20x512xi32, #tpu.memory_space<hbm>> -> memref<20x512xi32, #tpu.memory_space<hbm>>
      %dma_wait3A_96 = arith.constant 0 : i32
      %dma_wait3A_97 = arith.constant 0 : i32
      %dma_wait3A_98 = tpu.memref_slice %arg2[%add3A, %dma_wait3A_96, %dma_wait3A_97] : memref<32x20x512xi32, #tpu.memory_space<hbm>> -> memref<1x20x512xi32, #tpu.memory_space<hbm>>
      %dma_wait3A_99 = tpu.memref_squeeze %dma_wait3A_98 : memref<1x20x512xi32, #tpu.memory_space<hbm>> -> memref<20x512xi32, #tpu.memory_space<hbm>>
      tpu.wait_dma2 semaphore(%run_scoped3A : memref<!tpu.dma_semaphore, #tpu.memory_space<semaphore_mem>>) src(%dma_wait3A_99 : memref<20x512xi32, #tpu.memory_space<hbm>>) dst(%arg8 : memref<20x512xi32, #tpu.memory_space<vmem>>)
      tpu.yield
    }) : () -> ()
    "tpu.region"() ({
      %run_scoped3A = tpu.sem_alloc : memref<!tpu.dma_semaphore, #tpu.memory_space<semaphore_mem>>
      %dma_start3A = arith.constant 0 : i32
      %dma_start3A_85 = arith.constant 0 : i32
      %dma_start3A_86 = tpu.memref_slice %arg3[%add3A, %dma_start3A, %dma_start3A_85] : memref<32x20x512xi32, #tpu.memory_space<hbm>> -> memref<1x20x512xi32, #tpu.memory_space<hbm>>
      %dma_start3A_87 = tpu.memref_squeeze %dma_start3A_86 : memref<1x20x512xi32, #tpu.memory_space<hbm>> -> memref<20x512xi32, #tpu.memory_space<hbm>>
      %dma_start3A_88 = arith.constant 0 : i32
      %dma_start3A_89 = arith.constant 0 : i32
      %dma_start3A_90 = tpu.memref_slice %arg3[%add3A, %dma_start3A_88, %dma_start3A_89] : memref<32x20x512xi32, #tpu.memory_space<hbm>> -> memref<1x20x512xi32, #tpu.memory_space<hbm>>
      %dma_start3A_91 = tpu.memref_squeeze %dma_start3A_90 : memref<1x20x512xi32, #tpu.memory_space<hbm>> -> memref<20x512xi32, #tpu.memory_space<hbm>>
      tpu.enqueue_dma source(%dma_start3A_91 : memref<20x512xi32, #tpu.memory_space<hbm>>) target(%arg9 : memref<20x512xi32, #tpu.memory_space<vmem>>) target_semaphore(%run_scoped3A : memref<!tpu.dma_semaphore, #tpu.memory_space<semaphore_mem>>)
      %dma_wait3A_92 = arith.constant 0 : i32
      %dma_wait3A_93 = arith.constant 0 : i32
      %dma_wait3A_94 = tpu.memref_slice %arg3[%add3A, %dma_wait3A_92, %dma_wait3A_93] : memref<32x20x512xi32, #tpu.memory_space<hbm>> -> memref<1x20x512xi32, #tpu.memory_space<hbm>>
      %dma_wait3A_95 = tpu.memref_squeeze %dma_wait3A_94 : memref<1x20x512xi32, #tpu.memory_space<hbm>> -> memref<20x512xi32, #tpu.memory_space<hbm>>
      %dma_wait3A_96 = arith.constant 0 : i32
      %dma_wait3A_97 = arith.constant 0 : i32
      %dma_wait3A_98 = tpu.memref_slice %arg3[%add3A, %dma_wait3A_96, %dma_wait3A_97] : memref<32x20x512xi32, #tpu.memory_space<hbm>> -> memref<1x20x512xi32, #tpu.memory_space<hbm>>
      %dma_wait3A_99 = tpu.memref_squeeze %dma_wait3A_98 : memref<1x20x512xi32, #tpu.memory_space<hbm>> -> memref<20x512xi32, #tpu.memory_space<hbm>>
      tpu.wait_dma2 semaphore(%run_scoped3A : memref<!tpu.dma_semaphore, #tpu.memory_space<semaphore_mem>>) src(%dma_wait3A_99 : memref<20x512xi32, #tpu.memory_space<hbm>>) dst(%arg9 : memref<20x512xi32, #tpu.memory_space<vmem>>)
      tpu.yield
    }) : () -> ()
    %barrier3A = arith.constant 0 : index
    tpu.barrier barrier_id(%barrier3A)
    %scan3A = arith.constant 0 : i32
    %scan3A_10 = arith.constant 0 : i32
    %scan3A_11 = arith.constant 22 : i32
    %scan3A_12 = arith.addi %scan3A_10, %scan3A_11 : i32
    %scan3A_13 = arith.constant 1 : i32
    scf.for %scan3A_85 = %scan3A_10 to %scan3A_12 step %scan3A_13  : i32 {
      %rem3A = arith.constant 4 : i32
      %rem3A_86 = arith.remsi %scan3A_85, %rem3A : i32
      %lt3A = arith.constant 20 : i32
      %lt3A_87 = arith.cmpi slt, %scan3A_85, %lt3A : i32
      %convert_element_type3A_88 = arith.extui %lt3A_87 : i1 to i32
      %cond3A_89 = arith.constant 0 : i32
      %cond3A_90 = arith.cmpi ne, %convert_element_type3A_88, %cond3A_89 : i32
      scf.if %cond3A_90 {
        %ge3A_98 = arith.constant 4 : i32
        %ge3A_99 = arith.cmpi sge, %scan3A_85, %ge3A_98 : i32
        %convert_element_type3A_100 = arith.extui %ge3A_99 : i1 to i32
        %cond3A_101 = arith.constant 0 : i32
        %cond3A_102 = arith.cmpi ne, %convert_element_type3A_100, %cond3A_101 : i32
        scf.if %cond3A_102 {
          %sub3A_114 = arith.constant 4 : i32
          %sub3A_115 = arith.subi %scan3A_85, %sub3A_114 : i32
          %dma_wait3A_116 = arith.constant 0 : i32
          %dma_wait3A_117 = arith.constant 0 : i32
          %dma_wait3A_118 = tpu.memref_slice %arg10[%rem3A_86, %dma_wait3A_116, %dma_wait3A_117] : memref<4x512x32xf32, #tpu.memory_space<vmem>> -> memref<1x512x32xf32, #tpu.memory_space<vmem>>
          %dma_wait3A_119 = tpu.memref_squeeze %dma_wait3A_118 : memref<1x512x32xf32, #tpu.memory_space<vmem>> -> memref<512x32xf32, #tpu.memory_space<vmem>>
          %dma_wait3A_120 = arith.constant 0 : i32
          %dma_wait3A_121 = tpu.memref_slice %arg9[%sub3A_115, %dma_wait3A_120] : memref<20x512xi32, #tpu.memory_space<vmem>> -> memref<1x512xi32, #tpu.memory_space<vmem>>
          %dma_wait3A_122 = tpu.memref_squeeze %dma_wait3A_121 : memref<1x512xi32, #tpu.memory_space<vmem>> -> memref<512xi32, #tpu.memory_space<vmem>>
          %dma_wait3A_123 = arith.constant 0 : i32
          %dma_wait3A_124 = arith.constant 0 : i32
          %dma_wait3A_125 = tpu.memref_slice %arg11[%dma_wait3A_123, %dma_wait3A_124] : memref<10240x32xf32, #tpu.memory_space<vmem_shared>> -> memref<10240x32xf32, #tpu.memory_space<vmem_shared>>
          %dma_wait3A_126 = tpu.memref_slice %arg13[%rem3A_86] : memref<4x!tpu.dma_semaphore, #tpu.memory_space<semaphore_mem>> -> memref<1x!tpu.dma_semaphore, #tpu.memory_space<semaphore_mem>>
          %dma_wait3A_127 = tpu.memref_squeeze %dma_wait3A_126 : memref<1x!tpu.dma_semaphore, #tpu.memory_space<semaphore_mem>> -> memref<!tpu.dma_semaphore, #tpu.memory_space<semaphore_mem>>
          tpu.wait_indirect_dma semaphore(%dma_wait3A_127 : memref<!tpu.dma_semaphore, #tpu.memory_space<semaphore_mem>>) src(%dma_wait3A_119 : memref<512x32xf32, #tpu.memory_space<vmem>>) dst(%dma_wait3A_125 : memref<10240x32xf32, #tpu.memory_space<vmem_shared>>)
        } else {
        }
        %dma_start3A = arith.constant 0 : i32
        %dma_start3A_103 = arith.constant 0 : i32
        %dma_start3A_104 = tpu.memref_slice %arg10[%rem3A_86, %dma_start3A, %dma_start3A_103] : memref<4x512x32xf32, #tpu.memory_space<vmem>> -> memref<1x512x32xf32, #tpu.memory_space<vmem>>
        %dma_start3A_105 = tpu.memref_squeeze %dma_start3A_104 : memref<1x512x32xf32, #tpu.memory_space<vmem>> -> memref<512x32xf32, #tpu.memory_space<vmem>>
        %dma_start3A_106 = arith.constant 0 : i32
        %dma_start3A_107 = tpu.memref_slice %arg8[%scan3A_85, %dma_start3A_106] : memref<20x512xi32, #tpu.memory_space<vmem>> -> memref<1x512xi32, #tpu.memory_space<vmem>>
        %dma_start3A_108 = tpu.memref_squeeze %dma_start3A_107 : memref<1x512xi32, #tpu.memory_space<vmem>> -> memref<512xi32, #tpu.memory_space<vmem>>
        %dma_start3A_109 = arith.constant 0 : i32
        %dma_start3A_110 = arith.constant 0 : i32
        %dma_start3A_111 = tpu.memref_slice %arg4[%dma_start3A_109, %dma_start3A_110] : memref<10240x32xf32, #tpu.memory_space<hbm>> -> memref<10240x32xf32, #tpu.memory_space<hbm>>
        %dma_start3A_112 = tpu.memref_slice %arg12[%rem3A_86] : memref<4x!tpu.dma_semaphore, #tpu.memory_space<semaphore_mem>> -> memref<1x!tpu.dma_semaphore, #tpu.memory_space<semaphore_mem>>
        %dma_start3A_113 = tpu.memref_squeeze %dma_start3A_112 : memref<1x!tpu.dma_semaphore, #tpu.memory_space<semaphore_mem>> -> memref<!tpu.dma_semaphore, #tpu.memory_space<semaphore_mem>>
        tpu.enqueue_indirect_dma source(%dma_start3A_111 : memref<10240x32xf32, #tpu.memory_space<hbm>>) target(%dma_start3A_105 : memref<512x32xf32, #tpu.memory_space<vmem>>) offsets(%dma_start3A_108 : memref<512xi32, #tpu.memory_space<vmem>>) semaphore(%dma_start3A_113 : memref<!tpu.dma_semaphore, #tpu.memory_space<semaphore_mem>>)
      } else {
      }
      %sub3A = arith.constant 2 : i32
      %sub3A_91 = arith.subi %scan3A_85, %sub3A : i32
      %ge3A = arith.constant 0 : i32
      %ge3A_92 = arith.cmpi sge, %sub3A_91, %ge3A : i32
      %lt3A_93 = arith.constant 20 : i32
      %lt3A_94 = arith.cmpi slt, %sub3A_91, %lt3A_93 : i32
      %and3A = arith.andi %ge3A_92, %lt3A_94 : i1
      %convert_element_type3A_95 = arith.extui %and3A : i1 to i32
      %cond3A_96 = arith.constant 0 : i32
      %cond3A_97 = arith.cmpi ne, %convert_element_type3A_95, %cond3A_96 : i32
      scf.if %cond3A_97 {
        %add3A_98 = arith.constant 4 : i32
        %add3A_99 = arith.addi %sub3A_91, %add3A_98 : i32
        %rem3A_100 = arith.constant 4 : i32
        %rem3A_101 = arith.remsi %add3A_99, %rem3A_100 : i32
        %dma_wait3A_102 = arith.constant 0 : i32
        %dma_wait3A_103 = arith.constant 0 : i32
        %dma_wait3A_104 = tpu.memref_slice %arg10[%rem3A_101, %dma_wait3A_102, %dma_wait3A_103] : memref<4x512x32xf32, #tpu.memory_space<vmem>> -> memref<1x512x32xf32, #tpu.memory_space<vmem>>
        %dma_wait3A_105 = tpu.memref_squeeze %dma_wait3A_104 : memref<1x512x32xf32, #tpu.memory_space<vmem>> -> memref<512x32xf32, #tpu.memory_space<vmem>>
        %dma_wait3A_106 = arith.constant 0 : i32
        %dma_wait3A_107 = tpu.memref_slice %arg8[%sub3A_91, %dma_wait3A_106] : memref<20x512xi32, #tpu.memory_space<vmem>> -> memref<1x512xi32, #tpu.memory_space<vmem>>
        %dma_wait3A_108 = tpu.memref_squeeze %dma_wait3A_107 : memref<1x512xi32, #tpu.memory_space<vmem>> -> memref<512xi32, #tpu.memory_space<vmem>>
        %dma_wait3A_109 = arith.constant 0 : i32
        %dma_wait3A_110 = arith.constant 0 : i32
        %dma_wait3A_111 = tpu.memref_slice %arg4[%dma_wait3A_109, %dma_wait3A_110] : memref<10240x32xf32, #tpu.memory_space<hbm>> -> memref<10240x32xf32, #tpu.memory_space<hbm>>
        %dma_wait3A_112 = tpu.memref_slice %arg12[%rem3A_101] : memref<4x!tpu.dma_semaphore, #tpu.memory_space<semaphore_mem>> -> memref<1x!tpu.dma_semaphore, #tpu.memory_space<semaphore_mem>>
        %dma_wait3A_113 = tpu.memref_squeeze %dma_wait3A_112 : memref<1x!tpu.dma_semaphore, #tpu.memory_space<semaphore_mem>> -> memref<!tpu.dma_semaphore, #tpu.memory_space<semaphore_mem>>
        tpu.wait_indirect_dma semaphore(%dma_wait3A_113 : memref<!tpu.dma_semaphore, #tpu.memory_space<semaphore_mem>>) src(%dma_wait3A_111 : memref<10240x32xf32, #tpu.memory_space<hbm>>) dst(%dma_wait3A_105 : memref<512x32xf32, #tpu.memory_space<vmem>>)
        %dma_start3A = arith.constant 0 : i32
        %dma_start3A_114 = arith.constant 0 : i32
        %dma_start3A_115 = tpu.memref_slice %arg10[%rem3A_101, %dma_start3A, %dma_start3A_114] : memref<4x512x32xf32, #tpu.memory_space<vmem>> -> memref<1x512x32xf32, #tpu.memory_space<vmem>>
        %dma_start3A_116 = tpu.memref_squeeze %dma_start3A_115 : memref<1x512x32xf32, #tpu.memory_space<vmem>> -> memref<512x32xf32, #tpu.memory_space<vmem>>
        %dma_start3A_117 = arith.constant 0 : i32
        %dma_start3A_118 = tpu.memref_slice %arg9[%sub3A_91, %dma_start3A_117] : memref<20x512xi32, #tpu.memory_space<vmem>> -> memref<1x512xi32, #tpu.memory_space<vmem>>
        %dma_start3A_119 = tpu.memref_squeeze %dma_start3A_118 : memref<1x512xi32, #tpu.memory_space<vmem>> -> memref<512xi32, #tpu.memory_space<vmem>>
        %dma_start3A_120 = arith.constant 0 : i32
        %dma_start3A_121 = arith.constant 0 : i32
        %dma_start3A_122 = tpu.memref_slice %arg11[%dma_start3A_120, %dma_start3A_121] : memref<10240x32xf32, #tpu.memory_space<vmem_shared>> -> memref<10240x32xf32, #tpu.memory_space<vmem_shared>>
        %dma_start3A_123 = tpu.memref_slice %arg13[%rem3A_101] : memref<4x!tpu.dma_semaphore, #tpu.memory_space<semaphore_mem>> -> memref<1x!tpu.dma_semaphore, #tpu.memory_space<semaphore_mem>>
        %dma_start3A_124 = tpu.memref_squeeze %dma_start3A_123 : memref<1x!tpu.dma_semaphore, #tpu.memory_space<semaphore_mem>> -> memref<!tpu.dma_semaphore, #tpu.memory_space<semaphore_mem>>
        tpu.enqueue_indirect_dma source(%dma_start3A_116 : memref<512x32xf32, #tpu.memory_space<vmem>>) target(%dma_start3A_122 : memref<10240x32xf32, #tpu.memory_space<vmem_shared>>) offsets(%dma_start3A_119 : memref<512xi32, #tpu.memory_space<vmem>>) semaphore(%dma_start3A_124 : memref<!tpu.dma_semaphore, #tpu.memory_space<semaphore_mem>>) {add = true}
      } else {
      }
    }
    %scan3A_14 = arith.constant 22 : i32
    %dma_wait3A = arith.constant 0 : i32
    %dma_wait3A_15 = arith.constant 0 : i32
    %dma_wait3A_16 = arith.constant 0 : i32
    %dma_wait3A_17 = arith.constant 0 : i32
    %dma_wait3A_18 = arith.constant 0 : i32
    %dma_wait3A_19 = tpu.memref_slice %arg10[%dma_wait3A, %dma_wait3A_17, %dma_wait3A_18] : memref<4x512x32xf32, #tpu.memory_space<vmem>> -> memref<1x512x32xf32, #tpu.memory_space<vmem>>
    %dma_wait3A_20 = tpu.memref_squeeze %dma_wait3A_19 : memref<1x512x32xf32, #tpu.memory_space<vmem>> -> memref<512x32xf32, #tpu.memory_space<vmem>>
    %dma_wait3A_21 = arith.constant 0 : i32
    %dma_wait3A_22 = tpu.memref_slice %arg9[%dma_wait3A_15, %dma_wait3A_21] : memref<20x512xi32, #tpu.memory_space<vmem>> -> memref<1x512xi32, #tpu.memory_space<vmem>>
    %dma_wait3A_23 = tpu.memref_squeeze %dma_wait3A_22 : memref<1x512xi32, #tpu.memory_space<vmem>> -> memref<512xi32, #tpu.memory_space<vmem>>
    %dma_wait3A_24 = arith.constant 0 : i32
    %dma_wait3A_25 = arith.constant 0 : i32
    %dma_wait3A_26 = tpu.memref_slice %arg11[%dma_wait3A_24, %dma_wait3A_25] : memref<10240x32xf32, #tpu.memory_space<vmem_shared>> -> memref<10240x32xf32, #tpu.memory_space<vmem_shared>>
    %dma_wait3A_27 = tpu.memref_slice %arg13[%dma_wait3A_16] : memref<4x!tpu.dma_semaphore, #tpu.memory_space<semaphore_mem>> -> memref<1x!tpu.dma_semaphore, #tpu.memory_space<semaphore_mem>>
    %dma_wait3A_28 = tpu.memref_squeeze %dma_wait3A_27 : memref<1x!tpu.dma_semaphore, #tpu.memory_space<semaphore_mem>> -> memref<!tpu.dma_semaphore, #tpu.memory_space<semaphore_mem>>
    tpu.wait_indirect_dma semaphore(%dma_wait3A_28 : memref<!tpu.dma_semaphore, #tpu.memory_space<semaphore_mem>>) src(%dma_wait3A_20 : memref<512x32xf32, #tpu.memory_space<vmem>>) dst(%dma_wait3A_26 : memref<10240x32xf32, #tpu.memory_space<vmem_shared>>)
    %dma_wait3A_29 = arith.constant 1 : i32
    %dma_wait3A_30 = arith.constant 0 : i32
    %dma_wait3A_31 = arith.constant 1 : i32
    %dma_wait3A_32 = arith.constant 0 : i32
    %dma_wait3A_33 = arith.constant 0 : i32
    %dma_wait3A_34 = tpu.memref_slice %arg10[%dma_wait3A_29, %dma_wait3A_32, %dma_wait3A_33] : memref<4x512x32xf32, #tpu.memory_space<vmem>> -> memref<1x512x32xf32, #tpu.memory_space<vmem>>
    %dma_wait3A_35 = tpu.memref_squeeze %dma_wait3A_34 : memref<1x512x32xf32, #tpu.memory_space<vmem>> -> memref<512x32xf32, #tpu.memory_space<vmem>>
    %dma_wait3A_36 = arith.constant 0 : i32
    %dma_wait3A_37 = tpu.memref_slice %arg9[%dma_wait3A_30, %dma_wait3A_36] : memref<20x512xi32, #tpu.memory_space<vmem>> -> memref<1x512xi32, #tpu.memory_space<vmem>>
    %dma_wait3A_38 = tpu.memref_squeeze %dma_wait3A_37 : memref<1x512xi32, #tpu.memory_space<vmem>> -> memref<512xi32, #tpu.memory_space<vmem>>
    %dma_wait3A_39 = arith.constant 0 : i32
    %dma_wait3A_40 = arith.constant 0 : i32
    %dma_wait3A_41 = tpu.memref_slice %arg11[%dma_wait3A_39, %dma_wait3A_40] : memref<10240x32xf32, #tpu.memory_space<vmem_shared>> -> memref<10240x32xf32, #tpu.memory_space<vmem_shared>>
    %dma_wait3A_42 = tpu.memref_slice %arg13[%dma_wait3A_31] : memref<4x!tpu.dma_semaphore, #tpu.memory_space<semaphore_mem>> -> memref<1x!tpu.dma_semaphore, #tpu.memory_space<semaphore_mem>>
    %dma_wait3A_43 = tpu.memref_squeeze %dma_wait3A_42 : memref<1x!tpu.dma_semaphore, #tpu.memory_space<semaphore_mem>> -> memref<!tpu.dma_semaphore, #tpu.memory_space<semaphore_mem>>
    tpu.wait_indirect_dma semaphore(%dma_wait3A_43 : memref<!tpu.dma_semaphore, #tpu.memory_space<semaphore_mem>>) src(%dma_wait3A_35 : memref<512x32xf32, #tpu.memory_space<vmem>>) dst(%dma_wait3A_41 : memref<10240x32xf32, #tpu.memory_space<vmem_shared>>)
    %dma_wait3A_44 = arith.constant 2 : i32
    %dma_wait3A_45 = arith.constant 0 : i32
    %dma_wait3A_46 = arith.constant 2 : i32
    %dma_wait3A_47 = arith.constant 0 : i32
    %dma_wait3A_48 = arith.constant 0 : i32
    %dma_wait3A_49 = tpu.memref_slice %arg10[%dma_wait3A_44, %dma_wait3A_47, %dma_wait3A_48] : memref<4x512x32xf32, #tpu.memory_space<vmem>> -> memref<1x512x32xf32, #tpu.memory_space<vmem>>
    %dma_wait3A_50 = tpu.memref_squeeze %dma_wait3A_49 : memref<1x512x32xf32, #tpu.memory_space<vmem>> -> memref<512x32xf32, #tpu.memory_space<vmem>>
    %dma_wait3A_51 = arith.constant 0 : i32
    %dma_wait3A_52 = tpu.memref_slice %arg9[%dma_wait3A_45, %dma_wait3A_51] : memref<20x512xi32, #tpu.memory_space<vmem>> -> memref<1x512xi32, #tpu.memory_space<vmem>>
    %dma_wait3A_53 = tpu.memref_squeeze %dma_wait3A_52 : memref<1x512xi32, #tpu.memory_space<vmem>> -> memref<512xi32, #tpu.memory_space<vmem>>
    %dma_wait3A_54 = arith.constant 0 : i32
    %dma_wait3A_55 = arith.constant 0 : i32
    %dma_wait3A_56 = tpu.memref_slice %arg11[%dma_wait3A_54, %dma_wait3A_55] : memref<10240x32xf32, #tpu.memory_space<vmem_shared>> -> memref<10240x32xf32, #tpu.memory_space<vmem_shared>>
    %dma_wait3A_57 = tpu.memref_slice %arg13[%dma_wait3A_46] : memref<4x!tpu.dma_semaphore, #tpu.memory_space<semaphore_mem>> -> memref<1x!tpu.dma_semaphore, #tpu.memory_space<semaphore_mem>>
    %dma_wait3A_58 = tpu.memref_squeeze %dma_wait3A_57 : memref<1x!tpu.dma_semaphore, #tpu.memory_space<semaphore_mem>> -> memref<!tpu.dma_semaphore, #tpu.memory_space<semaphore_mem>>
    tpu.wait_indirect_dma semaphore(%dma_wait3A_58 : memref<!tpu.dma_semaphore, #tpu.memory_space<semaphore_mem>>) src(%dma_wait3A_50 : memref<512x32xf32, #tpu.memory_space<vmem>>) dst(%dma_wait3A_56 : memref<10240x32xf32, #tpu.memory_space<vmem_shared>>)
    %dma_wait3A_59 = arith.constant 3 : i32
    %dma_wait3A_60 = arith.constant 0 : i32
    %dma_wait3A_61 = arith.constant 3 : i32
    %dma_wait3A_62 = arith.constant 0 : i32
    %dma_wait3A_63 = arith.constant 0 : i32
    %dma_wait3A_64 = tpu.memref_slice %arg10[%dma_wait3A_59, %dma_wait3A_62, %dma_wait3A_63] : memref<4x512x32xf32, #tpu.memory_space<vmem>> -> memref<1x512x32xf32, #tpu.memory_space<vmem>>
    %dma_wait3A_65 = tpu.memref_squeeze %dma_wait3A_64 : memref<1x512x32xf32, #tpu.memory_space<vmem>> -> memref<512x32xf32, #tpu.memory_space<vmem>>
    %dma_wait3A_66 = arith.constant 0 : i32
    %dma_wait3A_67 = tpu.memref_slice %arg9[%dma_wait3A_60, %dma_wait3A_66] : memref<20x512xi32, #tpu.memory_space<vmem>> -> memref<1x512xi32, #tpu.memory_space<vmem>>
    %dma_wait3A_68 = tpu.memref_squeeze %dma_wait3A_67 : memref<1x512xi32, #tpu.memory_space<vmem>> -> memref<512xi32, #tpu.memory_space<vmem>>
    %dma_wait3A_69 = arith.constant 0 : i32
    %dma_wait3A_70 = arith.constant 0 : i32
    %dma_wait3A_71 = tpu.memref_slice %arg11[%dma_wait3A_69, %dma_wait3A_70] : memref<10240x32xf32, #tpu.memory_space<vmem_shared>> -> memref<10240x32xf32, #tpu.memory_space<vmem_shared>>
    %dma_wait3A_72 = tpu.memref_slice %arg13[%dma_wait3A_61] : memref<4x!tpu.dma_semaphore, #tpu.memory_space<semaphore_mem>> -> memref<1x!tpu.dma_semaphore, #tpu.memory_space<semaphore_mem>>
    %dma_wait3A_73 = tpu.memref_squeeze %dma_wait3A_72 : memref<1x!tpu.dma_semaphore, #tpu.memory_space<semaphore_mem>> -> memref<!tpu.dma_semaphore, #tpu.memory_space<semaphore_mem>>
    tpu.wait_indirect_dma semaphore(%dma_wait3A_73 : memref<!tpu.dma_semaphore, #tpu.memory_space<semaphore_mem>>) src(%dma_wait3A_65 : memref<512x32xf32, #tpu.memory_space<vmem>>) dst(%dma_wait3A_71 : memref<10240x32xf32, #tpu.memory_space<vmem_shared>>)
    %barrier3A_74 = arith.constant 0 : index
    tpu.barrier barrier_id(%barrier3A_74)
    %eq3A_75 = arith.constant 0 : i32
    %eq3A_76 = arith.cmpi eq, %arg0, %eq3A_75 : i32
    %convert_element_type3A_77 = arith.extui %eq3A_76 : i1 to i32
    %cond3A_78 = arith.constant 0 : i32
    %cond3A_79 = arith.cmpi ne, %convert_element_type3A_77, %cond3A_78 : i32
    scf.if %cond3A_79 {
      "tpu.region"() ({
        %run_scoped3A = tpu.sem_alloc : memref<!tpu.dma_semaphore, #tpu.memory_space<semaphore_mem>>
        %dma_start3A = arith.constant 0 : i32
        %dma_start3A_85 = tpu.memref_slice %arg6[%mul3A_2, %dma_start3A] : memref<10240x32xf32, #tpu.memory_space<hbm>> -> memref<640x32xf32, #tpu.memory_space<hbm>>
        %dma_start3A_86 = arith.constant 0 : i32
        %dma_start3A_87 = tpu.memref_slice %arg11[%mul3A_2, %dma_start3A_86] : memref<10240x32xf32, #tpu.memory_space<vmem_shared>> -> memref<640x32xf32, #tpu.memory_space<vmem_shared>>
        tpu.enqueue_dma source(%dma_start3A_87 : memref<640x32xf32, #tpu.memory_space<vmem_shared>>) target(%dma_start3A_85 : memref<640x32xf32, #tpu.memory_space<hbm>>) target_semaphore(%run_scoped3A : memref<!tpu.dma_semaphore, #tpu.memory_space<semaphore_mem>>)
        %dma_wait3A_88 = arith.constant 0 : i32
        %dma_wait3A_89 = tpu.memref_slice %arg6[%mul3A_2, %dma_wait3A_88] : memref<10240x32xf32, #tpu.memory_space<hbm>> -> memref<640x32xf32, #tpu.memory_space<hbm>>
        %dma_wait3A_90 = arith.constant 0 : i32
        %dma_wait3A_91 = tpu.memref_slice %arg11[%mul3A_2, %dma_wait3A_90] : memref<10240x32xf32, #tpu.memory_space<vmem_shared>> -> memref<640x32xf32, #tpu.memory_space<vmem_shared>>
        tpu.wait_dma2 semaphore(%run_scoped3A : memref<!tpu.dma_semaphore, #tpu.memory_space<semaphore_mem>>) src(%dma_wait3A_91 : memref<640x32xf32, #tpu.memory_space<vmem_shared>>) dst(%dma_wait3A_89 : memref<640x32xf32, #tpu.memory_space<hbm>>)
        tpu.yield
      }) : () -> ()
    } else {
    }
    %eq3A_80 = arith.constant 1 : i32
    %eq3A_81 = arith.cmpi eq, %arg0, %eq3A_80 : i32
    %convert_element_type3A_82 = arith.extui %eq3A_81 : i1 to i32
    %cond3A_83 = arith.constant 0 : i32
    %cond3A_84 = arith.cmpi ne, %convert_element_type3A_82, %cond3A_83 : i32
    scf.if %cond3A_84 {
      "tpu.region"() ({
        %run_scoped3A = tpu.sem_alloc : memref<!tpu.dma_semaphore, #tpu.memory_space<semaphore_mem>>
        %dma_start3A = arith.constant 0 : i32
        %dma_start3A_85 = tpu.memref_slice %arg7[%mul3A_2, %dma_start3A] : memref<10240x32xf32, #tpu.memory_space<hbm>> -> memref<640x32xf32, #tpu.memory_space<hbm>>
        %dma_start3A_86 = arith.constant 0 : i32
        %dma_start3A_87 = tpu.memref_slice %arg11[%mul3A_2, %dma_start3A_86] : memref<10240x32xf32, #tpu.memory_space<vmem_shared>> -> memref<640x32xf32, #tpu.memory_space<vmem_shared>>
        tpu.enqueue_dma source(%dma_start3A_87 : memref<640x32xf32, #tpu.memory_space<vmem_shared>>) target(%dma_start3A_85 : memref<640x32xf32, #tpu.memory_space<hbm>>) target_semaphore(%run_scoped3A : memref<!tpu.dma_semaphore, #tpu.memory_space<semaphore_mem>>)
        %dma_wait3A_88 = arith.constant 0 : i32
        %dma_wait3A_89 = tpu.memref_slice %arg7[%mul3A_2, %dma_wait3A_88] : memref<10240x32xf32, #tpu.memory_space<hbm>> -> memref<640x32xf32, #tpu.memory_space<hbm>>
        %dma_wait3A_90 = arith.constant 0 : i32
        %dma_wait3A_91 = tpu.memref_slice %arg11[%mul3A_2, %dma_wait3A_90] : memref<10240x32xf32, #tpu.memory_space<vmem_shared>> -> memref<640x32xf32, #tpu.memory_space<vmem_shared>>
        tpu.wait_dma2 semaphore(%run_scoped3A : memref<!tpu.dma_semaphore, #tpu.memory_space<semaphore_mem>>) src(%dma_wait3A_91 : memref<640x32xf32, #tpu.memory_space<vmem_shared>>) dst(%dma_wait3A_89 : memref<640x32xf32, #tpu.memory_space<hbm>>)
        tpu.yield
      }) : () -> ()
    } else {
    }
    return
  }
}

#map = affine_map<(d0, d1) -> (0, 0, 0)>
#map1 = affine_map<(d0, d1) -> (0, 0)>
module attributes {stable_mosaic.version = 14 : i64} {
  func.func @k(%arg0: i32, %arg1: i32, %arg2: memref<32x20x512xi32, #tpu.memory_space<hbm>>, %arg3: memref<32x20x512xi32, #tpu.memory_space<hbm>>, %arg4: memref<10240x32xf32, #tpu.memory_space<hbm>>, %arg5: memref<10240x32xf32, #tpu.memory_space<hbm>>, %arg6: memref<10240x32xf32, #tpu.memory_space<hbm>>, %arg7: memref<10240x32xf32, #tpu.memory_space<hbm>>, %arg8: memref<20x512xi32, #tpu.memory_space<vmem>>, %arg9: memref<20x512xi32, #tpu.memory_space<vmem>>, %arg10: memref<4x512x32xf32, #tpu.memory_space<vmem>>, %arg11: memref<10240x32xf32, #tpu.memory_space<vmem_shared>>, %arg12: memref<4x!tpu.dma_semaphore, #tpu.memory_space<semaphore_mem>>, %arg13: memref<4x!tpu.dma_semaphore, #tpu.memory_space<semaphore_mem>>) attributes {dimension_semantics = [#tpu.dimension_semantics<core_parallel>, #tpu.dimension_semantics<subcore_parallel>], iteration_bounds = array<i64: 2, 16>, scalar_prefetch = 0 : i64, scratch_operands = 6 : i64, tpu.core_type = #tpu.core_type<sc_vector_subcore>, window_params = [{transform_indices = #map}, {transform_indices = #map}, {transform_indices = #map1}, {transform_indices = #map1}, {transform_indices = #map1}, {transform_indices = #map1}]} {
    %mul3A = arith.constant 16 : i32
    %mul3A_0 = arith.muli %arg0, %mul3A : i32
    %add3A = arith.addi %mul3A_0, %arg1 : i32
    %mul3A_1 = arith.constant 640 : i32
    %mul3A_2 = arith.muli %arg1, %mul3A_1 : i32
    %eq3A = arith.constant 0 : i32
    %eq3A_3 = arith.cmpi eq, %arg0, %eq3A : i32
    %convert_element_type3A = arith.extui %eq3A_3 : i1 to i32
    %cond3A = arith.constant 0 : i32
    %cond3A_4 = arith.cmpi ne, %convert_element_type3A, %cond3A : i32
    scf.if %cond3A_4 {
      "tpu.region"() ({
        %run_scoped3A = tpu.sem_alloc : memref<!tpu.dma_semaphore, #tpu.memory_space<semaphore_mem>>
        %dma_start3A = arith.constant 0 : i32
        %dma_start3A_85 = tpu.memref_slice %arg11[%mul3A_2, %dma_start3A] : memref<10240x32xf32, #tpu.memory_space<vmem_shared>> -> memref<640x32xf32, #tpu.memory_space<vmem_shared>>
        %dma_start3A_86 = arith.constant 0 : i32
        %dma_start3A_87 = tpu.memref_slice %arg4[%mul3A_2, %dma_start3A_86] : memref<10240x32xf32, #tpu.memory_space<hbm>> -> memref<640x32xf32, #tpu.memory_space<hbm>>
        tpu.enqueue_dma source(%dma_start3A_87 : memref<640x32xf32, #tpu.memory_space<hbm>>) target(%dma_start3A_85 : memref<640x32xf32, #tpu.memory_space<vmem_shared>>) target_semaphore(%run_scoped3A : memref<!tpu.dma_semaphore, #tpu.memory_space<semaphore_mem>>)
        %dma_wait3A_88 = arith.constant 0 : i32
        %dma_wait3A_89 = tpu.memref_slice %arg11[%mul3A_2, %dma_wait3A_88] : memref<10240x32xf32, #tpu.memory_space<vmem_shared>> -> memref<640x32xf32, #tpu.memory_space<vmem_shared>>
        %dma_wait3A_90 = arith.constant 0 : i32
        %dma_wait3A_91 = tpu.memref_slice %arg4[%mul3A_2, %dma_wait3A_90] : memref<10240x32xf32, #tpu.memory_space<hbm>> -> memref<640x32xf32, #tpu.memory_space<hbm>>
        tpu.wait_dma2 semaphore(%run_scoped3A : memref<!tpu.dma_semaphore, #tpu.memory_space<semaphore_mem>>) src(%dma_wait3A_91 : memref<640x32xf32, #tpu.memory_space<hbm>>) dst(%dma_wait3A_89 : memref<640x32xf32, #tpu.memory_space<vmem_shared>>)
        tpu.yield
      }) : () -> ()
    } else {
    }
    %eq3A_5 = arith.constant 1 : i32
    %eq3A_6 = arith.cmpi eq, %arg0, %eq3A_5 : i32
    %convert_element_type3A_7 = arith.extui %eq3A_6 : i1 to i32
    %cond3A_8 = arith.constant 0 : i32
    %cond3A_9 = arith.cmpi ne, %convert_element_type3A_7, %cond3A_8 : i32
    scf.if %cond3A_9 {
      "tpu.region"() ({
        %run_scoped3A = tpu.sem_alloc : memref<!tpu.dma_semaphore, #tpu.memory_space<semaphore_mem>>
        %dma_start3A = arith.constant 0 : i32
        %dma_start3A_85 = tpu.memref_slice %arg11[%mul3A_2, %dma_start3A] : memref<10240x32xf32, #tpu.memory_space<vmem_shared>> -> memref<640x32xf32, #tpu.memory_space<vmem_shared>>
        %dma_start3A_86 = arith.constant 0 : i32
        %dma_start3A_87 = tpu.memref_slice %arg5[%mul3A_2, %dma_start3A_86] : memref<10240x32xf32, #tpu.memory_space<hbm>> -> memref<640x32xf32, #tpu.memory_space<hbm>>
        tpu.enqueue_dma source(%dma_start3A_87 : memref<640x32xf32, #tpu.memory_space<hbm>>) target(%dma_start3A_85 : memref<640x32xf32, #tpu.memory_space<vmem_shared>>) target_semaphore(%run_scoped3A : memref<!tpu.dma_semaphore, #tpu.memory_space<semaphore_mem>>)
        %dma_wait3A_88 = arith.constant 0 : i32
        %dma_wait3A_89 = tpu.memref_slice %arg11[%mul3A_2, %dma_wait3A_88] : memref<10240x32xf32, #tpu.memory_space<vmem_shared>> -> memref<640x32xf32, #tpu.memory_space<vmem_shared>>
        %dma_wait3A_90 = arith.constant 0 : i32
        %dma_wait3A_91 = tpu.memref_slice %arg5[%mul3A_2, %dma_wait3A_90] : memref<10240x32xf32, #tpu.memory_space<hbm>> -> memref<640x32xf32, #tpu.memory_space<hbm>>
        tpu.wait_dma2 semaphore(%run_scoped3A : memref<!tpu.dma_semaphore, #tpu.memory_space<semaphore_mem>>) src(%dma_wait3A_91 : memref<640x32xf32, #tpu.memory_space<hbm>>) dst(%dma_wait3A_89 : memref<640x32xf32, #tpu.memory_space<vmem_shared>>)
        tpu.yield
      }) : () -> ()
    } else {
    }
    "tpu.region"() ({
      %run_scoped3A = tpu.sem_alloc : memref<!tpu.dma_semaphore, #tpu.memory_space<semaphore_mem>>
      %dma_start3A = arith.constant 0 : i32
      %dma_start3A_85 = arith.constant 0 : i32
      %dma_start3A_86 = tpu.memref_slice %arg2[%add3A, %dma_start3A, %dma_start3A_85] : memref<32x20x512xi32, #tpu.memory_space<hbm>> -> memref<1x20x512xi32, #tpu.memory_space<hbm>>
      %dma_start3A_87 = tpu.memref_squeeze %dma_start3A_86 : memref<1x20x512xi32, #tpu.memory_space<hbm>> -> memref<20x512xi32, #tpu.memory_space<hbm>>
      %dma_start3A_88 = arith.constant 0 : i32
      %dma_start3A_89 = arith.constant 0 : i32
      %dma_start3A_90 = tpu.memref_slice %arg2[%add3A, %dma_start3A_88, %dma_start3A_89] : memref<32x20x512xi32, #tpu.memory_space<hbm>> -> memref<1x20x512xi32, #tpu.memory_space<hbm>>
      %dma_start3A_91 = tpu.memref_squeeze %dma_start3A_90 : memref<1x20x512xi32, #tpu.memory_space<hbm>> -> memref<20x512xi32, #tpu.memory_space<hbm>>
      tpu.enqueue_dma source(%dma_start3A_91 : memref<20x512xi32, #tpu.memory_space<hbm>>) target(%arg8 : memref<20x512xi32, #tpu.memory_space<vmem>>) target_semaphore(%run_scoped3A : memref<!tpu.dma_semaphore, #tpu.memory_space<semaphore_mem>>)
      %dma_wait3A_92 = arith.constant 0 : i32
      %dma_wait3A_93 = arith.constant 0 : i32
      %dma_wait3A_94 = tpu.memref_slice %arg2[%add3A, %dma_wait3A_92, %dma_wait3A_93] : memref<32x20x512xi32, #tpu.memory_space<hbm>> -> memref<1x20x512xi32, #tpu.memory_space<hbm>>
      %dma_wait3A_95 = tpu.memref_squeeze %dma_wait3A_94 : memref<1x20x512xi32, #tpu.memory_space<hbm>> -> memref<20x512xi32, #tpu.memory_space<hbm>>
      %dma_wait3A_96 = arith.constant 0 : i32
      %dma_wait3A_97 = arith.constant 0 : i32
      %dma_wait3A_98 = tpu.memref_slice %arg2[%add3A, %dma_wait3A_96, %dma_wait3A_97] : memref<32x20x512xi32, #tpu.memory_space<hbm>> -> memref<1x20x512xi32, #tpu.memory_space<hbm>>
      %dma_wait3A_99 = tpu.memref_squeeze %dma_wait3A_98 : memref<1x20x512xi32, #tpu.memory_space<hbm>> -> memref<20x512xi32, #tpu.memory_space<hbm>>
      tpu.wait_dma2 semaphore(%run_scoped3A : memref<!tpu.dma_semaphore, #tpu.memory_space<semaphore_mem>>) src(%dma_wait3A_99 : memref<20x512xi32, #tpu.memory_space<hbm>>) dst(%arg8 : memref<20x512xi32, #tpu.memory_space<vmem>>)
      tpu.yield
    }) : () -> ()
    "tpu.region"() ({
      %run_scoped3A = tpu.sem_alloc : memref<!tpu.dma_semaphore, #tpu.memory_space<semaphore_mem>>
      %dma_start3A = arith.constant 0 : i32
      %dma_start3A_85 = arith.constant 0 : i32
      %dma_start3A_86 = tpu.memref_slice %arg3[%add3A, %dma_start3A, %dma_start3A_85] : memref<32x20x512xi32, #tpu.memory_space<hbm>> -> memref<1x20x512xi32, #tpu.memory_space<hbm>>
      %dma_start3A_87 = tpu.memref_squeeze %dma_start3A_86 : memref<1x20x512xi32, #tpu.memory_space<hbm>> -> memref<20x512xi32, #tpu.memory_space<hbm>>
      %dma_start3A_88 = arith.constant 0 : i32
      %dma_start3A_89 = arith.constant 0 : i32
      %dma_start3A_90 = tpu.memref_slice %arg3[%add3A, %dma_start3A_88, %dma_start3A_89] : memref<32x20x512xi32, #tpu.memory_space<hbm>> -> memref<1x20x512xi32, #tpu.memory_space<hbm>>
      %dma_start3A_91 = tpu.memref_squeeze %dma_start3A_90 : memref<1x20x512xi32, #tpu.memory_space<hbm>> -> memref<20x512xi32, #tpu.memory_space<hbm>>
      tpu.enqueue_dma source(%dma_start3A_91 : memref<20x512xi32, #tpu.memory_space<hbm>>) target(%arg9 : memref<20x512xi32, #tpu.memory_space<vmem>>) target_semaphore(%run_scoped3A : memref<!tpu.dma_semaphore, #tpu.memory_space<semaphore_mem>>)
      %dma_wait3A_92 = arith.constant 0 : i32
      %dma_wait3A_93 = arith.constant 0 : i32
      %dma_wait3A_94 = tpu.memref_slice %arg3[%add3A, %dma_wait3A_92, %dma_wait3A_93] : memref<32x20x512xi32, #tpu.memory_space<hbm>> -> memref<1x20x512xi32, #tpu.memory_space<hbm>>
      %dma_wait3A_95 = tpu.memref_squeeze %dma_wait3A_94 : memref<1x20x512xi32, #tpu.memory_space<hbm>> -> memref<20x512xi32, #tpu.memory_space<hbm>>
      %dma_wait3A_96 = arith.constant 0 : i32
      %dma_wait3A_97 = arith.constant 0 : i32
      %dma_wait3A_98 = tpu.memref_slice %arg3[%add3A, %dma_wait3A_96, %dma_wait3A_97] : memref<32x20x512xi32, #tpu.memory_space<hbm>> -> memref<1x20x512xi32, #tpu.memory_space<hbm>>
      %dma_wait3A_99 = tpu.memref_squeeze %dma_wait3A_98 : memref<1x20x512xi32, #tpu.memory_space<hbm>> -> memref<20x512xi32, #tpu.memory_space<hbm>>
      tpu.wait_dma2 semaphore(%run_scoped3A : memref<!tpu.dma_semaphore, #tpu.memory_space<semaphore_mem>>) src(%dma_wait3A_99 : memref<20x512xi32, #tpu.memory_space<hbm>>) dst(%arg9 : memref<20x512xi32, #tpu.memory_space<vmem>>)
      tpu.yield
    }) : () -> ()
    %barrier3A = arith.constant 0 : index
    tpu.barrier barrier_id(%barrier3A)
    %scan3A = arith.constant 0 : i32
    %scan3A_10 = arith.constant 0 : i32
    %scan3A_11 = arith.constant 22 : i32
    %scan3A_12 = arith.addi %scan3A_10, %scan3A_11 : i32
    %scan3A_13 = arith.constant 1 : i32
    scf.for %scan3A_85 = %scan3A_10 to %scan3A_12 step %scan3A_13  : i32 {
      %rem3A = arith.constant 4 : i32
      %rem3A_86 = arith.remsi %scan3A_85, %rem3A : i32
      %lt3A = arith.constant 20 : i32
      %lt3A_87 = arith.cmpi slt, %scan3A_85, %lt3A : i32
      %convert_element_type3A_88 = arith.extui %lt3A_87 : i1 to i32
      %cond3A_89 = arith.constant 0 : i32
      %cond3A_90 = arith.cmpi ne, %convert_element_type3A_88, %cond3A_89 : i32
      scf.if %cond3A_90 {
        %ge3A_98 = arith.constant 4 : i32
        %ge3A_99 = arith.cmpi sge, %scan3A_85, %ge3A_98 : i32
        %convert_element_type3A_100 = arith.extui %ge3A_99 : i1 to i32
        %cond3A_101 = arith.constant 0 : i32
        %cond3A_102 = arith.cmpi ne, %convert_element_type3A_100, %cond3A_101 : i32
        scf.if %cond3A_102 {
          %sub3A_114 = arith.constant 4 : i32
          %sub3A_115 = arith.subi %scan3A_85, %sub3A_114 : i32
          %dma_wait3A_116 = arith.constant 0 : i32
          %dma_wait3A_117 = arith.constant 0 : i32
          %dma_wait3A_118 = tpu.memref_slice %arg10[%rem3A_86, %dma_wait3A_116, %dma_wait3A_117] : memref<4x512x32xf32, #tpu.memory_space<vmem>> -> memref<1x512x32xf32, #tpu.memory_space<vmem>>
          %dma_wait3A_119 = tpu.memref_squeeze %dma_wait3A_118 : memref<1x512x32xf32, #tpu.memory_space<vmem>> -> memref<512x32xf32, #tpu.memory_space<vmem>>
          %dma_wait3A_120 = arith.constant 0 : i32
          %dma_wait3A_121 = tpu.memref_slice %arg9[%sub3A_115, %dma_wait3A_120] : memref<20x512xi32, #tpu.memory_space<vmem>> -> memref<1x512xi32, #tpu.memory_space<vmem>>
          %dma_wait3A_122 = tpu.memref_squeeze %dma_wait3A_121 : memref<1x512xi32, #tpu.memory_space<vmem>> -> memref<512xi32, #tpu.memory_space<vmem>>
          %dma_wait3A_123 = arith.constant 0 : i32
          %dma_wait3A_124 = arith.constant 0 : i32
          %dma_wait3A_125 = tpu.memref_slice %arg11[%dma_wait3A_123, %dma_wait3A_124] : memref<10240x32xf32, #tpu.memory_space<vmem_shared>> -> memref<10240x32xf32, #tpu.memory_space<vmem_shared>>
          %dma_wait3A_126 = tpu.memref_slice %arg13[%rem3A_86] : memref<4x!tpu.dma_semaphore, #tpu.memory_space<semaphore_mem>> -> memref<1x!tpu.dma_semaphore, #tpu.memory_space<semaphore_mem>>
          %dma_wait3A_127 = tpu.memref_squeeze %dma_wait3A_126 : memref<1x!tpu.dma_semaphore, #tpu.memory_space<semaphore_mem>> -> memref<!tpu.dma_semaphore, #tpu.memory_space<semaphore_mem>>
          tpu.wait_indirect_dma semaphore(%dma_wait3A_127 : memref<!tpu.dma_semaphore, #tpu.memory_space<semaphore_mem>>) src(%dma_wait3A_119 : memref<512x32xf32, #tpu.memory_space<vmem>>) dst(%dma_wait3A_125 : memref<10240x32xf32, #tpu.memory_space<vmem_shared>>)
        } else {
        }
        %dma_start3A = arith.constant 0 : i32
        %dma_start3A_103 = arith.constant 0 : i32
        %dma_start3A_104 = tpu.memref_slice %arg10[%rem3A_86, %dma_start3A, %dma_start3A_103] : memref<4x512x32xf32, #tpu.memory_space<vmem>> -> memref<1x512x32xf32, #tpu.memory_space<vmem>>
        %dma_start3A_105 = tpu.memref_squeeze %dma_start3A_104 : memref<1x512x32xf32, #tpu.memory_space<vmem>> -> memref<512x32xf32, #tpu.memory_space<vmem>>
        %dma_start3A_106 = arith.constant 0 : i32
        %dma_start3A_107 = tpu.memref_slice %arg8[%scan3A_85, %dma_start3A_106] : memref<20x512xi32, #tpu.memory_space<vmem>> -> memref<1x512xi32, #tpu.memory_space<vmem>>
        %dma_start3A_108 = tpu.memref_squeeze %dma_start3A_107 : memref<1x512xi32, #tpu.memory_space<vmem>> -> memref<512xi32, #tpu.memory_space<vmem>>
        %dma_start3A_109 = arith.constant 0 : i32
        %dma_start3A_110 = arith.constant 0 : i32
        %dma_start3A_111 = tpu.memref_slice %arg4[%dma_start3A_109, %dma_start3A_110] : memref<10240x32xf32, #tpu.memory_space<hbm>> -> memref<10240x32xf32, #tpu.memory_space<hbm>>
        %dma_start3A_112 = tpu.memref_slice %arg12[%rem3A_86] : memref<4x!tpu.dma_semaphore, #tpu.memory_space<semaphore_mem>> -> memref<1x!tpu.dma_semaphore, #tpu.memory_space<semaphore_mem>>
        %dma_start3A_113 = tpu.memref_squeeze %dma_start3A_112 : memref<1x!tpu.dma_semaphore, #tpu.memory_space<semaphore_mem>> -> memref<!tpu.dma_semaphore, #tpu.memory_space<semaphore_mem>>
        tpu.enqueue_indirect_dma source(%dma_start3A_111 : memref<10240x32xf32, #tpu.memory_space<hbm>>) target(%dma_start3A_105 : memref<512x32xf32, #tpu.memory_space<vmem>>) offsets(%dma_start3A_108 : memref<512xi32, #tpu.memory_space<vmem>>) semaphore(%dma_start3A_113 : memref<!tpu.dma_semaphore, #tpu.memory_space<semaphore_mem>>)
      } else {
      }
      %sub3A = arith.constant 2 : i32
      %sub3A_91 = arith.subi %scan3A_85, %sub3A : i32
      %ge3A = arith.constant 0 : i32
      %ge3A_92 = arith.cmpi sge, %sub3A_91, %ge3A : i32
      %lt3A_93 = arith.constant 20 : i32
      %lt3A_94 = arith.cmpi slt, %sub3A_91, %lt3A_93 : i32
      %and3A = arith.andi %ge3A_92, %lt3A_94 : i1
      %convert_element_type3A_95 = arith.extui %and3A : i1 to i32
      %cond3A_96 = arith.constant 0 : i32
      %cond3A_97 = arith.cmpi ne, %convert_element_type3A_95, %cond3A_96 : i32
      scf.if %cond3A_97 {
        %add3A_98 = arith.constant 4 : i32
        %add3A_99 = arith.addi %sub3A_91, %add3A_98 : i32
        %rem3A_100 = arith.constant 4 : i32
        %rem3A_101 = arith.remsi %add3A_99, %rem3A_100 : i32
        %dma_wait3A_102 = arith.constant 0 : i32
        %dma_wait3A_103 = arith.constant 0 : i32
        %dma_wait3A_104 = tpu.memref_slice %arg10[%rem3A_101, %dma_wait3A_102, %dma_wait3A_103] : memref<4x512x32xf32, #tpu.memory_space<vmem>> -> memref<1x512x32xf32, #tpu.memory_space<vmem>>
        %dma_wait3A_105 = tpu.memref_squeeze %dma_wait3A_104 : memref<1x512x32xf32, #tpu.memory_space<vmem>> -> memref<512x32xf32, #tpu.memory_space<vmem>>
        %dma_wait3A_106 = arith.constant 0 : i32
        %dma_wait3A_107 = tpu.memref_slice %arg8[%sub3A_91, %dma_wait3A_106] : memref<20x512xi32, #tpu.memory_space<vmem>> -> memref<1x512xi32, #tpu.memory_space<vmem>>
        %dma_wait3A_108 = tpu.memref_squeeze %dma_wait3A_107 : memref<1x512xi32, #tpu.memory_space<vmem>> -> memref<512xi32, #tpu.memory_space<vmem>>
        %dma_wait3A_109 = arith.constant 0 : i32
        %dma_wait3A_110 = arith.constant 0 : i32
        %dma_wait3A_111 = tpu.memref_slice %arg4[%dma_wait3A_109, %dma_wait3A_110] : memref<10240x32xf32, #tpu.memory_space<hbm>> -> memref<10240x32xf32, #tpu.memory_space<hbm>>
        %dma_wait3A_112 = tpu.memref_slice %arg12[%rem3A_101] : memref<4x!tpu.dma_semaphore, #tpu.memory_space<semaphore_mem>> -> memref<1x!tpu.dma_semaphore, #tpu.memory_space<semaphore_mem>>
        %dma_wait3A_113 = tpu.memref_squeeze %dma_wait3A_112 : memref<1x!tpu.dma_semaphore, #tpu.memory_space<semaphore_mem>> -> memref<!tpu.dma_semaphore, #tpu.memory_space<semaphore_mem>>
        tpu.wait_indirect_dma semaphore(%dma_wait3A_113 : memref<!tpu.dma_semaphore, #tpu.memory_space<semaphore_mem>>) src(%dma_wait3A_111 : memref<10240x32xf32, #tpu.memory_space<hbm>>) dst(%dma_wait3A_105 : memref<512x32xf32, #tpu.memory_space<vmem>>)
        %dma_start3A = arith.constant 0 : i32
        %dma_start3A_114 = arith.constant 0 : i32
        %dma_start3A_115 = tpu.memref_slice %arg10[%rem3A_101, %dma_start3A, %dma_start3A_114] : memref<4x512x32xf32, #tpu.memory_space<vmem>> -> memref<1x512x32xf32, #tpu.memory_space<vmem>>
        %dma_start3A_116 = tpu.memref_squeeze %dma_start3A_115 : memref<1x512x32xf32, #tpu.memory_space<vmem>> -> memref<512x32xf32, #tpu.memory_space<vmem>>
        %dma_start3A_117 = arith.constant 0 : i32
        %dma_start3A_118 = tpu.memref_slice %arg9[%sub3A_91, %dma_start3A_117] : memref<20x512xi32, #tpu.memory_space<vmem>> -> memref<1x512xi32, #tpu.memory_space<vmem>>
        %dma_start3A_119 = tpu.memref_squeeze %dma_start3A_118 : memref<1x512xi32, #tpu.memory_space<vmem>> -> memref<512xi32, #tpu.memory_space<vmem>>
        %dma_start3A_120 = arith.constant 0 : i32
        %dma_start3A_121 = arith.constant 0 : i32
        %dma_start3A_122 = tpu.memref_slice %arg11[%dma_start3A_120, %dma_start3A_121] : memref<10240x32xf32, #tpu.memory_space<vmem_shared>> -> memref<10240x32xf32, #tpu.memory_space<vmem_shared>>
        %dma_start3A_123 = tpu.memref_slice %arg13[%rem3A_101] : memref<4x!tpu.dma_semaphore, #tpu.memory_space<semaphore_mem>> -> memref<1x!tpu.dma_semaphore, #tpu.memory_space<semaphore_mem>>
        %dma_start3A_124 = tpu.memref_squeeze %dma_start3A_123 : memref<1x!tpu.dma_semaphore, #tpu.memory_space<semaphore_mem>> -> memref<!tpu.dma_semaphore, #tpu.memory_space<semaphore_mem>>
        tpu.enqueue_indirect_dma source(%dma_start3A_116 : memref<512x32xf32, #tpu.memory_space<vmem>>) target(%dma_start3A_122 : memref<10240x32xf32, #tpu.memory_space<vmem_shared>>) offsets(%dma_start3A_119 : memref<512xi32, #tpu.memory_space<vmem>>) semaphore(%dma_start3A_124 : memref<!tpu.dma_semaphore, #tpu.memory_space<semaphore_mem>>) {add = true}
      } else {
      }
    }
    %scan3A_14 = arith.constant 22 : i32
    %dma_wait3A = arith.constant 0 : i32
    %dma_wait3A_15 = arith.constant 0 : i32
    %dma_wait3A_16 = arith.constant 0 : i32
    %dma_wait3A_17 = arith.constant 0 : i32
    %dma_wait3A_18 = arith.constant 0 : i32
    %dma_wait3A_19 = tpu.memref_slice %arg10[%dma_wait3A, %dma_wait3A_17, %dma_wait3A_18] : memref<4x512x32xf32, #tpu.memory_space<vmem>> -> memref<1x512x32xf32, #tpu.memory_space<vmem>>
    %dma_wait3A_20 = tpu.memref_squeeze %dma_wait3A_19 : memref<1x512x32xf32, #tpu.memory_space<vmem>> -> memref<512x32xf32, #tpu.memory_space<vmem>>
    %dma_wait3A_21 = arith.constant 0 : i32
    %dma_wait3A_22 = tpu.memref_slice %arg9[%dma_wait3A_15, %dma_wait3A_21] : memref<20x512xi32, #tpu.memory_space<vmem>> -> memref<1x512xi32, #tpu.memory_space<vmem>>
    %dma_wait3A_23 = tpu.memref_squeeze %dma_wait3A_22 : memref<1x512xi32, #tpu.memory_space<vmem>> -> memref<512xi32, #tpu.memory_space<vmem>>
    %dma_wait3A_24 = arith.constant 0 : i32
    %dma_wait3A_25 = arith.constant 0 : i32
    %dma_wait3A_26 = tpu.memref_slice %arg11[%dma_wait3A_24, %dma_wait3A_25] : memref<10240x32xf32, #tpu.memory_space<vmem_shared>> -> memref<10240x32xf32, #tpu.memory_space<vmem_shared>>
    %dma_wait3A_27 = tpu.memref_slice %arg13[%dma_wait3A_16] : memref<4x!tpu.dma_semaphore, #tpu.memory_space<semaphore_mem>> -> memref<1x!tpu.dma_semaphore, #tpu.memory_space<semaphore_mem>>
    %dma_wait3A_28 = tpu.memref_squeeze %dma_wait3A_27 : memref<1x!tpu.dma_semaphore, #tpu.memory_space<semaphore_mem>> -> memref<!tpu.dma_semaphore, #tpu.memory_space<semaphore_mem>>
    tpu.wait_indirect_dma semaphore(%dma_wait3A_28 : memref<!tpu.dma_semaphore, #tpu.memory_space<semaphore_mem>>) src(%dma_wait3A_20 : memref<512x32xf32, #tpu.memory_space<vmem>>) dst(%dma_wait3A_26 : memref<10240x32xf32, #tpu.memory_space<vmem_shared>>)
    %dma_wait3A_29 = arith.constant 1 : i32
    %dma_wait3A_30 = arith.constant 0 : i32
    %dma_wait3A_31 = arith.constant 1 : i32
    %dma_wait3A_32 = arith.constant 0 : i32
    %dma_wait3A_33 = arith.constant 0 : i32
    %dma_wait3A_34 = tpu.memref_slice %arg10[%dma_wait3A_29, %dma_wait3A_32, %dma_wait3A_33] : memref<4x512x32xf32, #tpu.memory_space<vmem>> -> memref<1x512x32xf32, #tpu.memory_space<vmem>>
    %dma_wait3A_35 = tpu.memref_squeeze %dma_wait3A_34 : memref<1x512x32xf32, #tpu.memory_space<vmem>> -> memref<512x32xf32, #tpu.memory_space<vmem>>
    %dma_wait3A_36 = arith.constant 0 : i32
    %dma_wait3A_37 = tpu.memref_slice %arg9[%dma_wait3A_30, %dma_wait3A_36] : memref<20x512xi32, #tpu.memory_space<vmem>> -> memref<1x512xi32, #tpu.memory_space<vmem>>
    %dma_wait3A_38 = tpu.memref_squeeze %dma_wait3A_37 : memref<1x512xi32, #tpu.memory_space<vmem>> -> memref<512xi32, #tpu.memory_space<vmem>>
    %dma_wait3A_39 = arith.constant 0 : i32
    %dma_wait3A_40 = arith.constant 0 : i32
    %dma_wait3A_41 = tpu.memref_slice %arg11[%dma_wait3A_39, %dma_wait3A_40] : memref<10240x32xf32, #tpu.memory_space<vmem_shared>> -> memref<10240x32xf32, #tpu.memory_space<vmem_shared>>
    %dma_wait3A_42 = tpu.memref_slice %arg13[%dma_wait3A_31] : memref<4x!tpu.dma_semaphore, #tpu.memory_space<semaphore_mem>> -> memref<1x!tpu.dma_semaphore, #tpu.memory_space<semaphore_mem>>
    %dma_wait3A_43 = tpu.memref_squeeze %dma_wait3A_42 : memref<1x!tpu.dma_semaphore, #tpu.memory_space<semaphore_mem>> -> memref<!tpu.dma_semaphore, #tpu.memory_space<semaphore_mem>>
    tpu.wait_indirect_dma semaphore(%dma_wait3A_43 : memref<!tpu.dma_semaphore, #tpu.memory_space<semaphore_mem>>) src(%dma_wait3A_35 : memref<512x32xf32, #tpu.memory_space<vmem>>) dst(%dma_wait3A_41 : memref<10240x32xf32, #tpu.memory_space<vmem_shared>>)
    %dma_wait3A_44 = arith.constant 2 : i32
    %dma_wait3A_45 = arith.constant 0 : i32
    %dma_wait3A_46 = arith.constant 2 : i32
    %dma_wait3A_47 = arith.constant 0 : i32
    %dma_wait3A_48 = arith.constant 0 : i32
    %dma_wait3A_49 = tpu.memref_slice %arg10[%dma_wait3A_44, %dma_wait3A_47, %dma_wait3A_48] : memref<4x512x32xf32, #tpu.memory_space<vmem>> -> memref<1x512x32xf32, #tpu.memory_space<vmem>>
    %dma_wait3A_50 = tpu.memref_squeeze %dma_wait3A_49 : memref<1x512x32xf32, #tpu.memory_space<vmem>> -> memref<512x32xf32, #tpu.memory_space<vmem>>
    %dma_wait3A_51 = arith.constant 0 : i32
    %dma_wait3A_52 = tpu.memref_slice %arg9[%dma_wait3A_45, %dma_wait3A_51] : memref<20x512xi32, #tpu.memory_space<vmem>> -> memref<1x512xi32, #tpu.memory_space<vmem>>
    %dma_wait3A_53 = tpu.memref_squeeze %dma_wait3A_52 : memref<1x512xi32, #tpu.memory_space<vmem>> -> memref<512xi32, #tpu.memory_space<vmem>>
    %dma_wait3A_54 = arith.constant 0 : i32
    %dma_wait3A_55 = arith.constant 0 : i32
    %dma_wait3A_56 = tpu.memref_slice %arg11[%dma_wait3A_54, %dma_wait3A_55] : memref<10240x32xf32, #tpu.memory_space<vmem_shared>> -> memref<10240x32xf32, #tpu.memory_space<vmem_shared>>
    %dma_wait3A_57 = tpu.memref_slice %arg13[%dma_wait3A_46] : memref<4x!tpu.dma_semaphore, #tpu.memory_space<semaphore_mem>> -> memref<1x!tpu.dma_semaphore, #tpu.memory_space<semaphore_mem>>
    %dma_wait3A_58 = tpu.memref_squeeze %dma_wait3A_57 : memref<1x!tpu.dma_semaphore, #tpu.memory_space<semaphore_mem>> -> memref<!tpu.dma_semaphore, #tpu.memory_space<semaphore_mem>>
    tpu.wait_indirect_dma semaphore(%dma_wait3A_58 : memref<!tpu.dma_semaphore, #tpu.memory_space<semaphore_mem>>) src(%dma_wait3A_50 : memref<512x32xf32, #tpu.memory_space<vmem>>) dst(%dma_wait3A_56 : memref<10240x32xf32, #tpu.memory_space<vmem_shared>>)
    %dma_wait3A_59 = arith.constant 3 : i32
    %dma_wait3A_60 = arith.constant 0 : i32
    %dma_wait3A_61 = arith.constant 3 : i32
    %dma_wait3A_62 = arith.constant 0 : i32
    %dma_wait3A_63 = arith.constant 0 : i32
    %dma_wait3A_64 = tpu.memref_slice %arg10[%dma_wait3A_59, %dma_wait3A_62, %dma_wait3A_63] : memref<4x512x32xf32, #tpu.memory_space<vmem>> -> memref<1x512x32xf32, #tpu.memory_space<vmem>>
    %dma_wait3A_65 = tpu.memref_squeeze %dma_wait3A_64 : memref<1x512x32xf32, #tpu.memory_space<vmem>> -> memref<512x32xf32, #tpu.memory_space<vmem>>
    %dma_wait3A_66 = arith.constant 0 : i32
    %dma_wait3A_67 = tpu.memref_slice %arg9[%dma_wait3A_60, %dma_wait3A_66] : memref<20x512xi32, #tpu.memory_space<vmem>> -> memref<1x512xi32, #tpu.memory_space<vmem>>
    %dma_wait3A_68 = tpu.memref_squeeze %dma_wait3A_67 : memref<1x512xi32, #tpu.memory_space<vmem>> -> memref<512xi32, #tpu.memory_space<vmem>>
    %dma_wait3A_69 = arith.constant 0 : i32
    %dma_wait3A_70 = arith.constant 0 : i32
    %dma_wait3A_71 = tpu.memref_slice %arg11[%dma_wait3A_69, %dma_wait3A_70] : memref<10240x32xf32, #tpu.memory_space<vmem_shared>> -> memref<10240x32xf32, #tpu.memory_space<vmem_shared>>
    %dma_wait3A_72 = tpu.memref_slice %arg13[%dma_wait3A_61] : memref<4x!tpu.dma_semaphore, #tpu.memory_space<semaphore_mem>> -> memref<1x!tpu.dma_semaphore, #tpu.memory_space<semaphore_mem>>
    %dma_wait3A_73 = tpu.memref_squeeze %dma_wait3A_72 : memref<1x!tpu.dma_semaphore, #tpu.memory_space<semaphore_mem>> -> memref<!tpu.dma_semaphore, #tpu.memory_space<semaphore_mem>>
    tpu.wait_indirect_dma semaphore(%dma_wait3A_73 : memref<!tpu.dma_semaphore, #tpu.memory_space<semaphore_mem>>) src(%dma_wait3A_65 : memref<512x32xf32, #tpu.memory_space<vmem>>) dst(%dma_wait3A_71 : memref<10240x32xf32, #tpu.memory_space<vmem_shared>>)
    %barrier3A_74 = arith.constant 0 : index
    tpu.barrier barrier_id(%barrier3A_74)
    %eq3A_75 = arith.constant 0 : i32
    %eq3A_76 = arith.cmpi eq, %arg0, %eq3A_75 : i32
    %convert_element_type3A_77 = arith.extui %eq3A_76 : i1 to i32
    %cond3A_78 = arith.constant 0 : i32
    %cond3A_79 = arith.cmpi ne, %convert_element_type3A_77, %cond3A_78 : i32
    scf.if %cond3A_79 {
      "tpu.region"() ({
        %run_scoped3A = tpu.sem_alloc : memref<!tpu.dma_semaphore, #tpu.memory_space<semaphore_mem>>
        %dma_start3A = arith.constant 0 : i32
        %dma_start3A_85 = tpu.memref_slice %arg6[%mul3A_2, %dma_start3A] : memref<10240x32xf32, #tpu.memory_space<hbm>> -> memref<640x32xf32, #tpu.memory_space<hbm>>
        %dma_start3A_86 = arith.constant 0 : i32
        %dma_start3A_87 = tpu.memref_slice %arg11[%mul3A_2, %dma_start3A_86] : memref<10240x32xf32, #tpu.memory_space<vmem_shared>> -> memref<640x32xf32, #tpu.memory_space<vmem_shared>>
        tpu.enqueue_dma source(%dma_start3A_87 : memref<640x32xf32, #tpu.memory_space<vmem_shared>>) target(%dma_start3A_85 : memref<640x32xf32, #tpu.memory_space<hbm>>) target_semaphore(%run_scoped3A : memref<!tpu.dma_semaphore, #tpu.memory_space<semaphore_mem>>)
        %dma_wait3A_88 = arith.constant 0 : i32
        %dma_wait3A_89 = tpu.memref_slice %arg6[%mul3A_2, %dma_wait3A_88] : memref<10240x32xf32, #tpu.memory_space<hbm>> -> memref<640x32xf32, #tpu.memory_space<hbm>>
        %dma_wait3A_90 = arith.constant 0 : i32
        %dma_wait3A_91 = tpu.memref_slice %arg11[%mul3A_2, %dma_wait3A_90] : memref<10240x32xf32, #tpu.memory_space<vmem_shared>> -> memref<640x32xf32, #tpu.memory_space<vmem_shared>>
        tpu.wait_dma2 semaphore(%run_scoped3A : memref<!tpu.dma_semaphore, #tpu.memory_space<semaphore_mem>>) src(%dma_wait3A_91 : memref<640x32xf32, #tpu.memory_space<vmem_shared>>) dst(%dma_wait3A_89 : memref<640x32xf32, #tpu.memory_space<hbm>>)
        tpu.yield
      }) : () -> ()
    } else {
    }
    %eq3A_80 = arith.constant 1 : i32
    %eq3A_81 = arith.cmpi eq, %arg0, %eq3A_80 : i32
    %convert_element_type3A_82 = arith.extui %eq3A_81 : i1 to i32
    %cond3A_83 = arith.constant 0 : i32
    %cond3A_84 = arith.cmpi ne, %convert_element_type3A_82, %cond3A_83 : i32
    scf.if %cond3A_84 {
      "tpu.region"() ({
        %run_scoped3A = tpu.sem_alloc : memref<!tpu.dma_semaphore, #tpu.memory_space<semaphore_mem>>
        %dma_start3A = arith.constant 0 : i32
        %dma_start3A_85 = tpu.memref_slice %arg7[%mul3A_2, %dma_start3A] : memref<10240x32xf32, #tpu.memory_space<hbm>> -> memref<640x32xf32, #tpu.memory_space<hbm>>
        %dma_start3A_86 = arith.constant 0 : i32
        %dma_start3A_87 = tpu.memref_slice %arg11[%mul3A_2, %dma_start3A_86] : memref<10240x32xf32, #tpu.memory_space<vmem_shared>> -> memref<640x32xf32, #tpu.memory_space<vmem_shared>>
        tpu.enqueue_dma source(%dma_start3A_87 : memref<640x32xf32, #tpu.memory_space<vmem_shared>>) target(%dma_start3A_85 : memref<640x32xf32, #tpu.memory_space<hbm>>) target_semaphore(%run_scoped3A : memref<!tpu.dma_semaphore, #tpu.memory_space<semaphore_mem>>)
        %dma_wait3A_88 = arith.constant 0 : i32
        %dma_wait3A_89 = tpu.memref_slice %arg7[%mul3A_2, %dma_wait3A_88] : memref<10240x32xf32, #tpu.memory_space<hbm>> -> memref<640x32xf32, #tpu.memory_space<hbm>>
        %dma_wait3A_90 = arith.constant 0 : i32
        %dma_wait3A_91 = tpu.memref_slice %arg11[%mul3A_2, %dma_wait3A_90] : memref<10240x32xf32, #tpu.memory_space<vmem_shared>> -> memref<640x32xf32, #tpu.memory_space<vmem_shared>>
        tpu.wait_dma2 semaphore(%run_scoped3A : memref<!tpu.dma_semaphore, #tpu.memory_space<semaphore_mem>>) src(%dma_wait3A_91 : memref<640x32xf32, #tpu.memory_space<vmem_shared>>) dst(%dma_wait3A_89 : memref<640x32xf32, #tpu.memory_space<hbm>>)
        tpu.yield
      }) : () -> ()
    } else {
    }
    return
  }
}

module attributes {stable_mosaic.version = 14 : i64} {
  func.func @body(%arg0: memref<128x10240xf32, #tpu.memory_space<vmem>>, %arg1: memref<32x128xf32, #tpu.memory_space<vmem>>, %arg2: memref<32x10240xf32, #tpu.memory_space<vmem>>) attributes {dimension_semantics = [], scalar_prefetch = 0 : i64, scratch_operands = 0 : i64, tpu.core_type = #tpu.core_type<tc>} {
    %get3A = arith.constant 0 : index
    %get3A_0 = arith.constant 0 : index
    %get3A_1 = vector.load %arg1[%get3A, %get3A_0] : memref<32x128xf32, #tpu.memory_space<vmem>>, vector<32x128xf32>
    %get3A_2 = arith.constant 0 : index
    %get3A_3 = arith.constant 0 : index
    %get3A_4 = vector.load %arg0[%get3A_2, %get3A_3] : memref<128x10240xf32, #tpu.memory_space<vmem>>, vector<128x10240xf32>
    %dot_general3A = arith.constant dense<0.000000e+00> : vector<32x10240xf32>
    %dot_general3A_5 = tpu.matmul %get3A_1, %get3A_4, %dot_general3A {dimension_numbers = #tpu.dot_dimension_numbers<[1], [0], [0], [1], [0, 0, 1, 1], [], []>, transpose_lhs_hint = false} : vector<32x128xf32>, vector<128x10240xf32>, vector<32x10240xf32> -> vector<32x10240xf32>
    %swap3A = arith.constant 0 : index
    %swap3A_6 = arith.constant 0 : index
    %swap3A_7 = vector.load %arg2[%swap3A, %swap3A_6] : memref<32x10240xf32, #tpu.memory_space<vmem>>, vector<32x10240xf32>
    tpu.vector_store %arg2[%swap3A, %swap3A_6], %dot_general3A_5 {strides = array<i32>} : memref<32x10240xf32, #tpu.memory_space<vmem>>, vector<32x10240xf32>,
    return
  }
}

module attributes {stable_mosaic.version = 14 : i64} {
  func.func @body(%arg0: memref<32x10240xf32, #tpu.memory_space<vmem>>, %arg1: memref<1x10240xf32, #tpu.memory_space<vmem>>, %arg2: memref<1x10240xf32, #tpu.memory_space<vmem>>, %arg3: memref<32x10240xf32, #tpu.memory_space<vmem>>, %arg4: memref<1x10240xf32, #tpu.memory_space<vmem>>) attributes {dimension_semantics = [], scalar_prefetch = 0 : i64, scratch_operands = 0 : i64, tpu.core_type = #tpu.core_type<tc>} {
    %get3A = arith.constant 0 : index
    %get3A_0 = arith.constant 0 : index
    %get3A_1 = vector.load %arg1[%get3A, %get3A_0] : memref<1x10240xf32, #tpu.memory_space<vmem>>, vector<1x10240xf32>
    %get3A_2 = arith.constant 0 : index
    %get3A_3 = arith.constant 0 : index
    %get3A_4 = vector.load %arg2[%get3A_2, %get3A_3] : memref<1x10240xf32, #tpu.memory_space<vmem>>, vector<1x10240xf32>
    %add3A = arith.addf %get3A_1, %get3A_4 : vector<1x10240xf32>
    %add3A_5 = arith.constant 1.000000e+00 : f32
    %add3A_6 = vector.broadcast %add3A_5 : f32 to vector<1x10240xf32>
    %add3A_7 = arith.addf %add3A, %add3A_6 : vector<1x10240xf32>
    %rsqrt3A = math.rsqrt %add3A_7 : vector<1x10240xf32>
    %get3A_8 = arith.constant 0 : index
    %get3A_9 = arith.constant 0 : index
    %get3A_10 = vector.load %arg0[%get3A_8, %get3A_9] : memref<32x10240xf32, #tpu.memory_space<vmem>>, vector<32x10240xf32>
    %mul3A = vector.broadcast %rsqrt3A : vector<1x10240xf32> to vector<32x10240xf32>
    %mul3A_11 = arith.mulf %get3A_10, %mul3A : vector<32x10240xf32>
    %swap3A = arith.constant 0 : index
    %swap3A_12 = arith.constant 0 : index
    %swap3A_13 = vector.load %arg3[%swap3A, %swap3A_12] : memref<32x10240xf32, #tpu.memory_space<vmem>>, vector<32x10240xf32>
    tpu.vector_store %arg3[%swap3A, %swap3A_12], %mul3A_11 {strides = array<i32>} : memref<32x10240xf32, #tpu.memory_space<vmem>>, vector<32x10240xf32>,
    %swap3A_14 = arith.constant 0 : index
    %swap3A_15 = arith.constant 0 : index
    %swap3A_16 = vector.load %arg4[%swap3A_14, %swap3A_15] : memref<1x10240xf32, #tpu.memory_space<vmem>>, vector<1x10240xf32>
    tpu.vector_store %arg4[%swap3A_14, %swap3A_15], %rsqrt3A {strides = array<i32>} : memref<1x10240xf32, #tpu.memory_space<vmem>>, vector<1x10240xf32>,
    return
  }
}

module attributes {stable_mosaic.version = 14 : i64} {
  func.func @body(%arg0: memref<32x10240xf32, #tpu.memory_space<vmem>>, %arg1: memref<32x10240xf32, #tpu.memory_space<vmem>>, %arg2: memref<1x10240xf32, #tpu.memory_space<vmem>>, %arg3: memref<32x1xf32, #tpu.memory_space<vmem>>, %arg4: memref<32x32xf32, #tpu.memory_space<vmem>>, %arg5: memref<32x10240xf32, #tpu.memory_space<vmem>>) attributes {dimension_semantics = [], scalar_prefetch = 0 : i64, scratch_operands = 0 : i64, tpu.core_type = #tpu.core_type<tc>} {
    %get3A = arith.constant 0 : index
    %get3A_0 = arith.constant 0 : index
    %get3A_1 = vector.load %arg2[%get3A, %get3A_0] : memref<1x10240xf32, #tpu.memory_space<vmem>>, vector<1x10240xf32>
    %get3A_2 = arith.constant 0 : index
    %get3A_3 = arith.constant 0 : index
    %get3A_4 = vector.load %arg0[%get3A_2, %get3A_3] : memref<32x10240xf32, #tpu.memory_space<vmem>>, vector<32x10240xf32>
    %get3A_5 = arith.constant 0 : index
    %get3A_6 = arith.constant 0 : index
    %get3A_7 = vector.load %arg1[%get3A_5, %get3A_6] : memref<32x10240xf32, #tpu.memory_space<vmem>>, vector<32x10240xf32>
    %add3A = arith.addf %get3A_4, %get3A_7 : vector<32x10240xf32>
    %mul3A = vector.broadcast %get3A_1 : vector<1x10240xf32> to vector<32x10240xf32>
    %mul3A_8 = arith.mulf %add3A, %mul3A : vector<32x10240xf32>
    %get3A_9 = arith.constant 0 : index
    %get3A_10 = arith.constant 0 : index
    %get3A_11 = vector.load %arg3[%get3A_9, %get3A_10] : memref<32x1xf32, #tpu.memory_space<vmem>>, vector<32x1xf32>
    %add3A_12 = vector.broadcast %get3A_11 : vector<32x1xf32> to vector<32x10240xf32>
    %add3A_13 = arith.addf %mul3A_8, %add3A_12 : vector<32x10240xf32>
    %max3A = arith.constant 0.000000e+00 : f32
    %max3A_14 = vector.broadcast %max3A : f32 to vector<32x10240xf32>
    %max3A_15 = arith.maximumf %add3A_13, %max3A_14 : vector<32x10240xf32>
    %get3A_16 = arith.constant 0 : index
    %get3A_17 = arith.constant 0 : index
    %get3A_18 = vector.load %arg4[%get3A_16, %get3A_17] : memref<32x32xf32, #tpu.memory_space<vmem>>, vector<32x32xf32>
    %dot_general3A = arith.constant dense<0.000000e+00> : vector<32x10240xf32>
    %dot_general3A_19 = tpu.matmul %get3A_18, %max3A_15, %dot_general3A {dimension_numbers = #tpu.dot_dimension_numbers<[1], [0], [0], [1], [0, 0, 1, 1], [], []>, transpose_lhs_hint = false} : vector<32x32xf32>, vector<32x10240xf32>, vector<32x10240xf32> -> vector<32x10240xf32>
    %mul3A_20 = vector.broadcast %get3A_1 : vector<1x10240xf32> to vector<32x10240xf32>
    %mul3A_21 = arith.mulf %dot_general3A_19, %mul3A_20 : vector<32x10240xf32>
    %swap3A = arith.constant 0 : index
    %swap3A_22 = arith.constant 0 : index
    %swap3A_23 = vector.load %arg5[%swap3A, %swap3A_22] : memref<32x10240xf32, #tpu.memory_space<vmem>>, vector<32x10240xf32>
    tpu.vector_store %arg5[%swap3A, %swap3A_22], %mul3A_21 {strides = array<i32>} : memref<32x10240xf32, #tpu.memory_space<vmem>>, vector<32x10240xf32>,
    return
  }
}

module attributes {stable_mosaic.version = 14 : i64} {
  func.func @body(%arg0: memref<32x10240xf32, #tpu.memory_space<vmem>>, %arg1: memref<32x10240xf32, #tpu.memory_space<vmem>>, %arg2: memref<1x10240xf32, #tpu.memory_space<vmem>>, %arg3: memref<32x1xf32, #tpu.memory_space<vmem>>, %arg4: memref<2x32xf32, #tpu.memory_space<vmem>>, %arg5: memref<2x1xf32, #tpu.memory_space<vmem>>, %arg6: memref<2x10240xf32, #tpu.memory_space<vmem>>) attributes {dimension_semantics = [], scalar_prefetch = 0 : i64, scratch_operands = 0 : i64, tpu.core_type = #tpu.core_type<tc>} {
    %get3A = arith.constant 0 : index
    %get3A_0 = arith.constant 0 : index
    %get3A_1 = vector.load %arg0[%get3A, %get3A_0] : memref<32x10240xf32, #tpu.memory_space<vmem>>, vector<32x10240xf32>
    %get3A_2 = arith.constant 0 : index
    %get3A_3 = arith.constant 0 : index
    %get3A_4 = vector.load %arg1[%get3A_2, %get3A_3] : memref<32x10240xf32, #tpu.memory_space<vmem>>, vector<32x10240xf32>
    %add3A = arith.addf %get3A_1, %get3A_4 : vector<32x10240xf32>
    %get3A_5 = arith.constant 0 : index
    %get3A_6 = arith.constant 0 : index
    %get3A_7 = vector.load %arg2[%get3A_5, %get3A_6] : memref<1x10240xf32, #tpu.memory_space<vmem>>, vector<1x10240xf32>
    %mul3A = vector.broadcast %get3A_7 : vector<1x10240xf32> to vector<32x10240xf32>
    %mul3A_8 = arith.mulf %add3A, %mul3A : vector<32x10240xf32>
    %get3A_9 = arith.constant 0 : index
    %get3A_10 = arith.constant 0 : index
    %get3A_11 = vector.load %arg3[%get3A_9, %get3A_10] : memref<32x1xf32, #tpu.memory_space<vmem>>, vector<32x1xf32>
    %add3A_12 = vector.broadcast %get3A_11 : vector<32x1xf32> to vector<32x10240xf32>
    %add3A_13 = arith.addf %mul3A_8, %add3A_12 : vector<32x10240xf32>
    %get3A_14 = arith.constant 0 : index
    %get3A_15 = arith.constant 0 : index
    %get3A_16 = vector.load %arg4[%get3A_14, %get3A_15] : memref<2x32xf32, #tpu.memory_space<vmem>>, vector<2x32xf32>
    %dot_general3A = arith.constant dense<0.000000e+00> : vector<2x10240xf32>
    %dot_general3A_17 = tpu.matmul %get3A_16, %add3A_13, %dot_general3A {dimension_numbers = #tpu.dot_dimension_numbers<[1], [0], [0], [1], [0, 0, 1, 1], [], []>, transpose_lhs_hint = false} : vector<2x32xf32>, vector<32x10240xf32>, vector<2x10240xf32> -> vector<2x10240xf32>
    %get3A_18 = arith.constant 0 : index
    %get3A_19 = arith.constant 0 : index
    %get3A_20 = vector.load %arg5[%get3A_18, %get3A_19] : memref<2x1xf32, #tpu.memory_space<vmem>>, vector<2x1xf32>
    %add3A_21 = vector.broadcast %get3A_20 : vector<2x1xf32> to vector<2x10240xf32>
    %add3A_22 = arith.addf %dot_general3A_17, %add3A_21 : vector<2x10240xf32>
    %swap3A = arith.constant 0 : index
    %swap3A_23 = arith.constant 0 : index
    %swap3A_24 = vector.load %arg6[%swap3A, %swap3A_23] : memref<2x10240xf32, #tpu.memory_space<vmem>>, vector<2x10240xf32>
    tpu.vector_store %arg6[%swap3A, %swap3A_23], %add3A_22 {strides = array<i32>} : memref<2x10240xf32, #tpu.memory_space<vmem>>, vector<2x10240xf32>,
    return
  }
}

</mosaic_0001>

<sc_bundles>
// kernel: kernel.13.cloned.1.call-start
scs
__scs_entry_jumppad:
0x0: {  	(pc) =	sbr.rel $0x88, $3  }
0x1: {  	(tag) =	ssettag $0x0;
	lr =	simm.s32 $0x1  }
0x2: {  	[smem:$0x3F95] =	sst lr;
	_ =	strace $0xD0000000  }
0x3: {  	_ = 	snop  }
0x4: {  	_ = 	snop  }
0x5: {  	_ = 	snop  }
0x6: {  	_ = 	snop  }
0x7: {  	_ = 	snop  }
__scs_overlays_trampoline_lowered:
0x8: {  	[smem:$0x3FA4] =	sst s0  }
0x9: {  	[smem:$0x3FA5] =	sst s1  }
0xa: {  	[smem:$0x3FA6] =	sst s2  }
0xb: {  	[smem:$0x3FA7] =	sst s3  }
0xc: {  	[smem:$0x3FA8] =	sst s4  }
0xd: {  	[smem:$0x3FA9] =	sst s5  }
0xe: {  	[smem:$0x3FAA] =	sst s6  }
0xf: {  	[smem:$0x3FAB] =	sst s7  }
0x10: {  	[smem:$0x3FAC] =	sst s8  }
0x11: {  	[smem:$0x3FAD] =	sst s9;
	s0 =	simm.s32 @!p0 $0x0  }
0x12: {  	s1 =	sld [smem:$0x3F93];
	s0 =	simm.s32 @p0 $0x1  }
0x13: {  	[smem:$0x3FAE] =	sst s0;
	s0 =	simm.s32 @!p1 $0x0  }
0x14: {  	s2 =	sld [smem:$0x3F92];
	s0 =	simm.s32 @p1 $0x1  }
0x15: {  	[smem:$0x3FAF] =	sst s0;
	s0 =	simm.s32 @!p2 $0x0  }
0x16: {  	s3 =	sld [smem:$0x3FDB];
	s0 =	simm.s32 @p2 $0x1  }
0x17: {  	s4 =	simm.s32 $0x1BF5;
	[smem:$0x3FB1] =	sst s0  }
0x18: {  	s0 =	sld [smem:$0x3F94];
	_ =	swait.ge [sflag:s4], $0x0  }
0x19: {  	s7 =	sld [smem:$0x3F95]  }
0x1a: {  	s8 =	sadd.s32 $0xFFFFE003, lr  }
0x1b: {  	s9 =	sadd.s32 $0xFFFFFEF7, lr;
	s5 =	simm.s32 $0xFFFFFFFF;
	p2 =	slt.u32 s8, $0xFFFFF086  }
0x1c: {  	p1 =	slt.u32 s9, $0xF7A;
	s5 =	simm.s32 @!p2 $0x0  }
0x1d: {  	s5 =	simm.s32 @p1 $0x1;
	p0 =	seq.s32 s7, s2  }
0x1e: {  	s7 =	smul.u32 @!p0 $0xF7A, s2;
	p2 =	seq.s32 @!p0 s5, $0x0  }
0x1f: {  	s9 =	smul.u32 $0xF7A, s1;
	s8 =	simm.s32 @!p0 $0x1BF5;
	p2 =	por !p2, p0  }
0x20: {  	[sflag:s8] =	ssyncset.s32 @!p0 $0xFFFFF086;
	s6 =	sadd.s32 @!p0 s3, s7;
	s7 =	simm.s32 @!p0 $0x108  }
0x21: {  	s3 =	sadd.s32 s3, s9;
	s6 =	sadd.s32 @!p0 $0x88, s6;
	s7 =	simm.s32 @p2 $0x1082  }
0x22: {  	[simem:s7], [sflag:s8] =	dma.local @!p0 [hbm:s6], $0xF7A  }
0x23: {  	s9 =	sor.u32 $0xD0000000, s2;
	s6 =	simm.s32 $0x108;
	_ =	swait.ge @!p0 [sflag:s8], $0x0  }
0x24: {  	s3 =	sadd.s32 $0x88, s3;
	s6 =	simm.s32 @!p1 $0x1082;
	[sflag:s4] =	ssyncset.s32 $0xFFFFF086  }
0x25: {  	[simem:s6], [sflag:s4] =	dma.local [hbm:s3], $0xF7A  }
0x26: {  	[smem:$0x3F95] =	sst s1;
	(tag) =	ssettag s2;
	_ =	strace s9  }
0x27: {  	s1 =	sld [smem:$0x3FA5]  }
0x28: {  	s2 =	sld [smem:$0x3FA6]  }
0x29: {  	s4 =	sld [smem:$0x3FA8]  }
0x2a: {  	p0 =	seq.s32 s5, $0x0;
	s5 =	sld [smem:$0x3FA9]  }
0x2b: {  	s6 =	sld [smem:$0x3FAA]  }
0x2c: {  	s7 =	sld [smem:$0x3FAB]  }
0x2d: {  	s3 =	simm.s32 $0x108;
	s8 =	sld [smem:$0x3FAC]  }
0x2e: {  	s3 =	simm.s32 @!p0 $0x1082;
	s9 =	sld [smem:$0x3FAD]  }
0x2f: {  	lr =	sadd.s32 s0, s3;
	s0 =	sld [smem:$0x3FA4]  }
0x30: {  	s3 =	sld [smem:$0x3FA7]  }
0x31: {  	[smem:$0x3FB0] =	sst s10  }
0x32: {  	s10 =	sld [smem:$0x3FAE];
	_ =	sdelay $0x3  }
0x33: {  	p0 =	seq.s32 s10, $0x1;
	s10 =	sld [smem:$0x3FB0];
	_ =	sdelay $0x3  }
0x34: {  	[smem:$0x3FB0] =	sst s10  }
0x35: {  	s10 =	sld [smem:$0x3FAF];
	_ =	sdelay $0x3  }
0x36: {  	p1 =	seq.s32 s10, $0x1;
	s10 =	sld [smem:$0x3FB0];
	_ =	sdelay $0x3  }
0x37: {  	[smem:$0x3FB0] =	sst s10  }
0x38: {  	s10 =	sld [smem:$0x3FB1]  }
0x39: {  	_ = 	snop;
	(pc) =	sbr.ind lr, $3  }
0x3a: {  	_ = 	snop  }
0x3b: {  	_ = 	snop  }
0x3c: {  	p2 =	seq.s32 s10, $0x1;
	s10 =	sld [smem:$0x3FB0]  }
0x3d: {  	_ =	shalt  }
0x3e: {  	_ =	shalt  }
0x3f: {  	_ =	shalt  }
0x40: {  	_ =	shalt  }
0x41: {  	_ =	shalt  }
0x42: {  	_ =	shalt  }
0x43: {  	_ =	shalt  }
0x44: {  	_ =	shalt  }
0x45: {  	_ =	shalt  }
0x46: {  	_ =	shalt  }
0x47: {  	_ =	shalt  }
0x48: {  	_ =	shalt  }
0x49: {  	_ =	shalt  }
0x4a: {  	_ =	shalt  }
0x4b: {  	_ =	shalt  }
0x4c: {  	_ =	shalt  }
0x4d: {  	_ =	shalt  }
0x4e: {  	_ =	shalt  }
0x4f: {  	_ =	shalt  }
0x50: {  	_ =	shalt  }
0x51: {  	_ =	shalt  }
0x52: {  	_ =	shalt  }
0x53: {  	_ =	shalt  }
0x54: {  	_ =	shalt  }
0x55: {  	_ =	shalt  }
0x56: {  	_ =	shalt  }
0x57: {  	_ =	shalt  }
0x58: {  	_ =	shalt  }
0x59: {  	_ =	shalt  }
0x5a: {  	_ =	shalt  }
0x5b: {  	_ =	shalt  }
0x5c: {  	_ =	shalt  }
0x5d: {  	_ =	shalt  }
0x5e: {  	_ =	shalt  }
0x5f: {  	_ =	shalt  }
0x60: {  	_ =	shalt  }
0x61: {  	_ =	shalt  }
0x62: {  	_ =	shalt  }
0x63: {  	_ =	shalt  }
0x64: {  	_ =	shalt  }
0x65: {  	_ =	shalt  }
0x66: {  	_ =	shalt  }
0x67: {  	_ =	shalt  }
0x68: {  	_ =	shalt  }
0x69: {  	_ =	shalt  }
0x6a: {  	_ =	shalt  }
0x6b: {  	_ =	shalt  }
0x6c: {  	_ =	shalt  }
0x6d: {  	_ =	shalt  }
0x6e: {  	_ =	shalt  }
0x6f: {  	_ =	shalt  }
0x70: {  	_ =	shalt  }
0x71: {  	_ =	shalt  }
0x72: {  	_ =	shalt  }
0x73: {  	_ =	shalt  }
0x74: {  	_ =	shalt  }
0x75: {  	_ =	shalt  }
0x76: {  	_ =	shalt  }
0x77: {  	_ =	shalt  }
0x78: {  	_ =	shalt  }
0x79: {  	_ =	shalt  }
0x7a: {  	_ =	shalt  }
0x7b: {  	_ =	shalt  }
0x7c: {  	_ =	shalt  }
0x7d: {  	_ =	shalt  }
0x7e: {  	_ =	shalt  }
0x7f: {  	_ =	shalt  }
0x80: {  	_ =	shalt  }
0x81: {  	_ =	shalt  }
0x82: {  	_ =	shalt  }
0x83: {  	_ =	shalt  }
0x84: {  	_ =	shalt  }
0x85: {  	_ =	shalt  }
0x86: {  	_ =	shalt  }
0x87: {  	_ =	shalt  }
.Lfunc_end0:
.L_simem_size_0:
called_computation_lowered:
.L_overlay_start_0:
0x88: {  	s2 =	sld [smem:$0x3FD9]  }
0x89: {  	s3 =	sld [smem:$0x3FFE];
	_ =	sdelay $0x1  }
0x8a: {  	s1 =	srdreg.scid  }
0x8b: {  	s0 =	sand.u32 $0x1, s1  }
0x8c: {  	s17 =	sshll.u32 s0, $0xA;
	s2 =	sadd.s32 s3, s2  }
0x8d: {  	s2 =	sadd.s32 s2, s17  }
0x8e: {  	[smem:$0x3FBC] =	sst s2  }
0x8f: {  	_ = 	snop  }
0x90: {  	s2 =	sld [smem:$0x3FD0];
	(tm) =	ssettm $0x1  }
0x91: {  	s18 =	sld [smem:$0x3FFB];
	_ =	sdelay $0x3  }
0x92: {  	_ =	strace s18  }
0x93: {  	s3 =	sld [smem:$0x3FFC];
	_ =	sdelay $0x3  }
0x94: {  	_ =	strace s3  }
0x95: {  	s3 =	sld [smem:$0x3FFD];
	_ =	sdelay $0x3  }
0x96: {  	_ =	strace s3  }
0x97: {  	_ =	strace $0x8FFFFFFF  }
0x98: {  	s19 =	sld [smem:$0x3FDB];
	_ =	sdelay $0x1  }
0x99: {  	s4 =	simm.s32 $_scs_section_size  }
0x9a: {  	s5 =	simm.s32 $_size__tile_overlayer_lowered;
	s6 =	simm.s32 $_tile_overlayer_lowered  }
0x9b: {  	s22 =	simm.s32 $0x1BFF;
	s21 =	sshll.u32 s6, $0x1;
	s3 =	sadd.s32 s4, s19  }
0x9c: {  	s7 =	simm.s32 $0x0;
	s20 =	sshll.u32 s5, $0x1;
	s5 =	sadd.s32 s21, s3  }
0x9d: {  	[timem:s7], [sflag:s22] =	dma.local [hbm:s5], s20  }
0x9e: {  	_ =	swait.ge [sflag:s22], s20  }
0x9f: {  	s4 =	ssub.s32 $0x0, s20;
	[sflag:s22] =	ssyncset.done $0x0  }
0xa0: {  	[sflag:s22] =	ssyncadd.s32 s4;
	_ =	sdelay $0x1  }
0xa1: {  	s23 =	simm.s32 $0x1B8B  }
0xa2: {  	_ =	swait.ge [sflag:s23], $0x1  }
0xa3: {  	[sflag:s23] =	ssyncset.done $0x0  }
0xa4: {  	s25 =	simm.s32 $0x1B8E;
	s24 =	sld [smem:$0x3FFE];
	[sflag:s23] =	ssyncadd.s32 $0xFFFFFFFF  }
0xa5: {  	s26 =	simm.s32 $execute0_lowered;
	[smem:$0x3FD2] =	sst s25  }
0xa6: {  	s5 =	sshll.u32 s26, $0x1;
	_ =	strace $0x80000046;
	[dreg:$0x1] =	wrdreg $0xFFFFFFFF  }
0xa7: {  	s28 =	simm.s32 $_size_execute0_lowered;
	s3 =	sadd.s32 s3, s5;
	[dreg:$0x0] =	wrdreg $0x0  }
0xa8: {  	s5 =	sshll.u32 s28, $0x1;
	[dreg:$0x2] =	wrdreg s3  }
0xa9: {  	[dreg:$0x3] =	wrdreg s5  }
0xaa: {  	[dreg:$0x4] =	wrdreg $0xC0  }
0xab: {  	_ =	task [dreg:s7], $0x5FFFF  }
0xac: {  	[dreg:$0x1] =	wrdreg $0xFFFFFFFF  }
0xad: {  	[dreg:$0x0] =	wrdreg $0x60  }
0xae: {  	[dreg:$0x2] =	wrdreg s24  }
0xaf: {  	[dreg:$0x3] =	wrdreg s2  }
0xb0: {  	[dreg:$0x4] =	wrdreg $0x2A000  }
0xb1: {  	[dreg:$0x5] =	wrdreg $0x9  }
0xb2: {  	_ =	task.clear_ibuf [dreg:s7], $0x6FFFF;
	_ =	strace $0x90000046  }
0xb3: {  	s29 =	simm.s32 $0x9;
	_ =	strace $0x80000048  }
0xb4: {  	_ =	swait.ge [sflag:s29], $0x1  }
0xb5: {  	[sflag:s29] =	ssyncadd.s32 $0xFFFFFFFF  }
0xb6: {  	_ =	strace $0x90000048  }
0xb7: {  	_ =	sfence  }
0xb8: {  	s30 =	sld [smem:$0x0];
	_ =	sdelay $0x2  }
0xb9: {  	s31 =	sshll.u32 s1, $0xD;
	s1 =	sshrl.u32 s1, $0x2  }
0xba: {  	s3 =	sand.u32 $0x4000, s31;
	s1 =	sadd.s32 s1, s30  }
0xbb: {  	s0 =	sor.u32 s3, s0;
	s1 =	sshll.u32 s1, $0x11  }
0xbc: {  	s0 =	sor.u32 s1, s0  }
0xbd: {  	s0 =	sadd.s32 $0x8F2B, s0  }
0xbe: {  	[sflag:s0] =	ssyncadd.remote.s32 $0x1  }
0xbf: {  	_ =	sfence.sel $0xFFFF  }
0xc0: {  	[dreg:$0x0] =	wrdreg $0xFFFFFFFF;
	(pc) =	sbr.abs _section_cstart, $3  }
0xc1: {  	[dreg:$0x1] =	wrdreg $0xFFFFFFFF  }
0xc2: {  	_ =	task.clear_ibuf [dreg:s7], $0x2FFFF;
	_ =	strace $0x9FFFFFFF  }
0xc3: {  	(tm) =	ssettm $0x7FFFFFFF  }
tec
execute0_lowered:
.L_overlay_start_1:
0x0: {  	(tag) =	ssettag $0x1  }
0x1: {  	s9 =	rddreg [dreg:$0x0]  }
0x2: {  	s4 =	rddreg [dreg:$0x1]  }
0x3: {  	s2 =	rddreg [dreg:$0x2];
	s1 =	srdreg.scid;
	s3 =	simm.s32 $0x0  }
0x4: {  	s0 =	stileid.u32;
	s31 =	sand.u32 $0x1, s1;
	[smem:$0x7FF] =	sst s3  }
0x5: {  	s5 =	smul.u32 $0x280, s0;
	s6 =	sadd.s32 $0x18C00, s9;
	s1 =	sshll.u32 s31, $0x4  }
0x6: {  	_ =	strace $0x80000047;
	[dreg:$0x4] =	wrdreg s6;
	s6 =	simm.s32 $0x2  }
0x7: {  	s1 =	sor.u32 s0, s1;
	s25 =	sshrl.u32 s5, $0x3;
	s26 =	sadd.s32 s5, s2  }
0x8: {  	s0 =	sshll.u32 s0, $0x6;
	s8 =	smul.u32 $0x500, s1;
	[dreg:$0x5] =	wrdreg s25  }
0x9: {  	s4 =	sadd.s32 s4, s25;
	s5 =	sor.u32 $0x1C02, s0;
	s7 =	sshrl.u32 s26, $0x3  }
0xa: {  	[spmem:s7], [sflag:s5] =	dma.local [hbm:s4], $0x50  }
0xb: {  	_ =	swait.ge [sflag:s6], $0x50  }
0xc: {  	s8 =	sadd.s32 s8, s9;
	[sflag:s6] =	ssyncset.done $0x0  }
0xd: {  	s8 =	sadd.s32 $0x4C00, s8;
	[sflag:s6] =	ssyncadd.s32 $0xFFFFFFB0  }
0xe: {  	[tilespmem:s3], [sflag:$0x2] =	stream.linear.gather [hbm4b:s8+s3], $0x2800, $0x38;
	[tilespmem:$0x2C80] =	vst v63  }
0xf: {  	_ =	swait.ge [sflag:s6], $0x2800  }
0x10: {  	[sflag:s6] =	ssyncset.done $0x0  }
0x11: {  	s9 =	simm.s32 $0x2800;
	s10 =	rddreg [dreg:$0x4];
	[sflag:s6] =	ssyncadd.s32 $0xFFFFD800  }
0x12: {  	[tilespmem:s9], [sflag:$0x2] =	stream.linear.gather [hbm4b:s10+s3], $0x200, $0x38;
	[tilespmem:$0x2C80] =	vst v63  }
0x13: {  	_ =	swait.ge [sflag:s6], $0x200  }
0x14: {  	[sflag:s6] =	ssyncset.done $0x0  }
0x15: {  	[sflag:s6] =	ssyncadd.s32 $0xFFFFFE00  }
0x16: {  	s10 =	simm.s32 $0x200;
	[bflag:$0x0] =	sbarrier.arrive $0xFFFF  }
0x17: {  	[spmem:s2] =	stream.indirect.scatter.add.f32 [tilespmem:s9], [sflag:$0x1], $0x1, s3, s10, $0xb8;
	[tilespmem:$0x2C80] =	vst v63  }
0x18: {  	_ = 	snop  }
0x19: {  	[spmem:s2] =	stream.indirect.scatter.add.f32 [tilespmem:s9], [sflag:$0x1], $0x1, s10, s10, $0xb8;
	[tilespmem:$0x2C80] =	vst v63  }
0x1a: {  	s11 =	simm.s32 $0x400  }
0x1b: {  	[spmem:s2] =	stream.indirect.scatter.add.f32 [tilespmem:s9], [sflag:$0x1], $0x1, s11, s10, $0xb8;
	[tilespmem:$0x2C80] =	vst v63  }
0x1c: {  	s12 =	simm.s32 $0x600  }
0x1d: {  	[spmem:s2] =	stream.indirect.scatter.add.f32 [tilespmem:s9], [sflag:$0x1], $0x1, s12, s10, $0xb8;
	[tilespmem:$0x2C80] =	vst v63  }
0x1e: {  	s13 =	simm.s32 $0x800  }
0x1f: {  	[spmem:s2] =	stream.indirect.scatter.add.f32 [tilespmem:s9], [sflag:$0x1], $0x1, s13, s10, $0xb8;
	[tilespmem:$0x2C80] =	vst v63  }
0x20: {  	s14 =	simm.s32 $0xA00  }
0x21: {  	[spmem:s2] =	stream.indirect.scatter.add.f32 [tilespmem:s9], [sflag:$0x1], $0x1, s14, s10, $0xb8;
	[tilespmem:$0x2C80] =	vst v63  }
0x22: {  	s15 =	simm.s32 $0xC00  }
0x23: {  	[spmem:s2] =	stream.indirect.scatter.add.f32 [tilespmem:s9], [sflag:$0x1], $0x1, s15, s10, $0xb8;
	[tilespmem:$0x2C80] =	vst v63  }
0x24: {  	s16 =	simm.s32 $0xE00  }
0x25: {  	[spmem:s2] =	stream.indirect.scatter.add.f32 [tilespmem:s9], [sflag:$0x1], $0x1, s16, s10, $0xb8;
	[tilespmem:$0x2C80] =	vst v63  }
0x26: {  	s17 =	simm.s32 $0x1000  }
0x27: {  	[spmem:s2] =	stream.indirect.scatter.add.f32 [tilespmem:s9], [sflag:$0x1], $0x1, s17, s10, $0xb8;
	[tilespmem:$0x2C80] =	vst v63  }
0x28: {  	s18 =	simm.s32 $0x1200  }
0x29: {  	[spmem:s2] =	stream.indirect.scatter.add.f32 [tilespmem:s9], [sflag:$0x1], $0x1, s18, s10, $0xb8;
	[tilespmem:$0x2C80] =	vst v63  }
0x2a: {  	s19 =	simm.s32 $0x1400  }
0x2b: {  	[spmem:s2] =	stream.indirect.scatter.add.f32 [tilespmem:s9], [sflag:$0x1], $0x1, s19, s10, $0xb8;
	[tilespmem:$0x2C80] =	vst v63  }
0x2c: {  	s20 =	simm.s32 $0x1600  }
0x2d: {  	[spmem:s2] =	stream.indirect.scatter.add.f32 [tilespmem:s9], [sflag:$0x1], $0x1, s20, s10, $0xb8;
	[tilespmem:$0x2C80] =	vst v63  }
0x2e: {  	s21 =	simm.s32 $0x1800  }
0x2f: {  	[spmem:s2] =	stream.indirect.scatter.add.f32 [tilespmem:s9], [sflag:$0x1], $0x1, s21, s10, $0xb8;
	[tilespmem:$0x2C80] =	vst v63  }
0x30: {  	s22 =	simm.s32 $0x1A00  }
0x31: {  	[spmem:s2] =	stream.indirect.scatter.add.f32 [tilespmem:s9], [sflag:$0x1], $0x1, s22, s10, $0xb8;
	[tilespmem:$0x2C80] =	vst v63  }
0x32: {  	s23 =	simm.s32 $0x1C00  }
0x33: {  	[spmem:s2] =	stream.indirect.scatter.add.f32 [tilespmem:s9], [sflag:$0x1], $0x1, s23, s10, $0xb8;
	[tilespmem:$0x2C80] =	vst v63  }
0x34: {  	s24 =	simm.s32 $0x1E00  }
0x35: {  	[spmem:s2] =	stream.indirect.scatter.add.f32 [tilespmem:s9], [sflag:$0x1], $0x1, s24, s10, $0xb8;
	[tilespmem:$0x2C80] =	vst v63  }
0x36: {  	s25 =	simm.s32 $0x2000  }
0x37: {  	[spmem:s2] =	stream.indirect.scatter.add.f32 [tilespmem:s9], [sflag:$0x1], $0x1, s25, s10, $0xb8;
	[tilespmem:$0x2C80] =	vst v63  }
0x38: {  	s26 =	simm.s32 $0x2200  }
0x39: {  	[spmem:s2] =	stream.indirect.scatter.add.f32 [tilespmem:s9], [sflag:$0x1], $0x1, s26, s10, $0xb8;
	[tilespmem:$0x2C80] =	vst v63  }
0x3a: {  	s28 =	simm.s32 $0x2400  }
0x3b: {  	[spmem:s2] =	stream.indirect.scatter.add.f32 [tilespmem:s9], [sflag:$0x1], $0x1, s28, s10, $0xb8;
	[tilespmem:$0x2C80] =	vst v63  }
0x3c: {  	s29 =	simm.s32 $0x2600;
	s30 =	simm.s32 $0x1  }
0x3d: {  	[spmem:s2] =	stream.indirect.scatter.add.f32 [tilespmem:s9], [sflag:$0x1], $0x1, s29, s10, $0xb8;
	[tilespmem:$0x2C80] =	vst v63  }
0x3e: {  	_ =	swait.ge [sflag:s30], $0x200  }
0x3f: {  	[sflag:s30] =	ssyncset.done $0x0  }
0x40: {  	[sflag:s30] =	ssyncadd.s32 $0xFFFFFE00  }
0x41: {  	_ =	swait.ge [sflag:s30], $0x200  }
0x42: {  	[sflag:s30] =	ssyncset.done $0x0  }
0x43: {  	[sflag:s30] =	ssyncadd.s32 $0xFFFFFE00  }
0x44: {  	_ =	swait.ge [sflag:s30], $0x200  }
0x45: {  	[sflag:s30] =	ssyncset.done $0x0  }
0x46: {  	[sflag:s30] =	ssyncadd.s32 $0xFFFFFE00  }
0x47: {  	_ =	swait.ge [sflag:s30], $0x200  }
0x48: {  	[sflag:s30] =	ssyncset.done $0x0  }
0x49: {  	[sflag:s30] =	ssyncadd.s32 $0xFFFFFE00  }
0x4a: {  	_ =	swait.ge [sflag:s30], $0x200  }
0x4b: {  	[sflag:s30] =	ssyncset.done $0x0  }
0x4c: {  	[sflag:s30] =	ssyncadd.s32 $0xFFFFFE00  }
0x4d: {  	_ =	swait.ge [sflag:s30], $0x200  }
0x4e: {  	[sflag:s30] =	ssyncset.done $0x0  }
0x4f: {  	[sflag:s30] =	ssyncadd.s32 $0xFFFFFE00  }
0x50: {  	_ =	swait.ge [sflag:s30], $0x200  }
0x51: {  	[sflag:s30] =	ssyncset.done $0x0  }
0x52: {  	[sflag:s30] =	ssyncadd.s32 $0xFFFFFE00  }
0x53: {  	_ =	swait.ge [sflag:s30], $0x200  }
0x54: {  	[sflag:s30] =	ssyncset.done $0x0  }
0x55: {  	[sflag:s30] =	ssyncadd.s32 $0xFFFFFE00  }
0x56: {  	_ =	swait.ge [sflag:s30], $0x200  }
0x57: {  	[sflag:s30] =	ssyncset.done $0x0  }
0x58: {  	[sflag:s30] =	ssyncadd.s32 $0xFFFFFE00  }
0x59: {  	_ =	swait.ge [sflag:s30], $0x200  }
0x5a: {  	[sflag:s30] =	ssyncset.done $0x0  }
0x5b: {  	[sflag:s30] =	ssyncadd.s32 $0xFFFFFE00  }
0x5c: {  	_ =	swait.ge [sflag:s30], $0x200  }
0x5d: {  	[sflag:s30] =	ssyncset.done $0x0  }
0x5e: {  	[sflag:s30] =	ssyncadd.s32 $0xFFFFFE00  }
0x5f: {  	_ =	swait.ge [sflag:s30], $0x200  }
0x60: {  	[sflag:s30] =	ssyncset.done $0x0  }
0x61: {  	[sflag:s30] =	ssyncadd.s32 $0xFFFFFE00  }
0x62: {  	_ =	swait.ge [sflag:s30], $0x200  }
0x63: {  	[sflag:s30] =	ssyncset.done $0x0  }
0x64: {  	[sflag:s30] =	ssyncadd.s32 $0xFFFFFE00  }
0x65: {  	_ =	swait.ge [sflag:s30], $0x200  }
0x66: {  	[sflag:s30] =	ssyncset.done $0x0  }
0x67: {  	[sflag:s30] =	ssyncadd.s32 $0xFFFFFE00  }
0x68: {  	_ =	swait.ge [sflag:s30], $0x200  }
0x69: {  	[sflag:s30] =	ssyncset.done $0x0  }
0x6a: {  	[sflag:s30] =	ssyncadd.s32 $0xFFFFFE00  }
0x6b: {  	_ =	swait.ge [sflag:s30], $0x200  }
0x6c: {  	[sflag:s30] =	ssyncset.done $0x0  }
0x6d: {  	[sflag:s30] =	ssyncadd.s32 $0xFFFFFE00  }
0x6e: {  	_ =	swait.ge [sflag:s30], $0x200  }
0x6f: {  	[sflag:s30] =	ssyncset.done $0x0  }
0x70: {  	[sflag:s30] =	ssyncadd.s32 $0xFFFFFE00  }
0x71: {  	_ =	swait.ge [sflag:s30], $0x200  }
0x72: {  	[sflag:s30] =	ssyncset.done $0x0  }
0x73: {  	[sflag:s30] =	ssyncadd.s32 $0xFFFFFE00  }
0x74: {  	_ =	swait.ge [sflag:s30], $0x200  }
0x75: {  	p0 =	seq.s32 s31, $0x1;
	s31 =	ssub.s32 $0x2, s31;
	[sflag:s30] =	ssyncset.done $0x0  }
0x76: {  	s1 =	sshrl.u32 s31, $0x1;
	[sflag:s30] =	ssyncadd.s32 $0xFFFFFE00  }
0x77: {  	s0 =	simm.s32 $0x19400;
	s1 =	ssub.s32 s31, s1;
	_ =	swait.ge [sflag:s30], $0x200  }
0x78: {  	s0 =	simm.s32 @!p0 $0x18E00;
	s1 =	smax.u32 s1, $0x1;
	[sflag:s30] =	ssyncset.done $0x0  }
0x79: {  	p0 =	sne.s32 s1, $0x1;
	s31 =	rddreg [dreg:$0x0];
	[sflag:s30] =	ssyncadd.s32 $0xFFFFFE00  }
.Ltmp0:
0x7a: {  	s0 =	sadd.s32 s0, s31;
	s31 =	rddreg [dreg:$0x5];
	(pc) =	sbr.rel @!p0 .LBB2_2-.Ltmp0, $4  }
0x7b: {  	[bflag:$0x0] =	sbarrier.arrive $0xFFFF;
	s31 =	sadd.s32 s0, s31  }
0x7c: {  	[hbm:s31], [sflag:s5] =	dma.local [spmem:s7], $0x50  }
0x7d: {  	_ =	swait.ge [sflag:s6], $0x50  }
0x7e: {  	s0 =	sadd.s32 $0xFFFFFFFF, s1;
	[sflag:s6] =	ssyncset.done $0x0  }
.LBB2_1:
0x7f: {  	[sflag:s6] =	ssyncadd.s32 $0xFFFFFFB0  }
0x80: {  	[spmem:s7], [sflag:s5] =	dma.local [hbm:s4], $0x50  }
0x81: {  	_ =	swait.ge [sflag:s6], $0x50  }
0x82: {  	[sflag:s6] =	ssyncset.done $0x0  }
0x83: {  	[sflag:s6] =	ssyncadd.s32 $0xFFFFFFB0  }
0x84: {  	[tilespmem:s3], [sflag:$0x2] =	stream.linear.gather [hbm4b:s8+s3], $0x2800, $0x38;
	[tilespmem:$0x2C80] =	vst v63  }
0x85: {  	_ =	swait.ge [sflag:s6], $0x2800  }
0x86: {  	[sflag:s6] =	ssyncset.done $0x0  }
0x87: {  	s1 =	rddreg [dreg:$0x4];
	[sflag:s6] =	ssyncadd.s32 $0xFFFFD800  }
0x88: {  	[tilespmem:s9], [sflag:$0x2] =	stream.linear.gather [hbm4b:s1+s3], $0x200, $0x38;
	[tilespmem:$0x2C80] =	vst v63  }
0x89: {  	_ =	swait.ge [sflag:s6], $0x200  }
0x8a: {  	[sflag:s6] =	ssyncset.done $0x0  }
0x8b: {  	[sflag:s6] =	ssyncadd.s32 $0xFFFFFE00  }
0x8c: {  	[bflag:$0x0] =	sbarrier.arrive $0xFFFF  }
0x8d: {  	[spmem:s2] =	stream.indirect.scatter.add.f32 [tilespmem:s9], [sflag:$0x1], $0x1, s3, s10, $0xb8;
	[tilespmem:$0x2C80] =	vst v63  }
0x8e: {  	_ = 	snop  }
0x8f: {  	[spmem:s2] =	stream.indirect.scatter.add.f32 [tilespmem:s9], [sflag:$0x1], $0x1, s10, s10, $0xb8;
	[tilespmem:$0x2C80] =	vst v63  }
0x90: {  	_ = 	snop  }
0x91: {  	[spmem:s2] =	stream.indirect.scatter.add.f32 [tilespmem:s9], [sflag:$0x1], $0x1, s11, s10, $0xb8;
	[tilespmem:$0x2C80] =	vst v63  }
0x92: {  	_ = 	snop  }
0x93: {  	[spmem:s2] =	stream.indirect.scatter.add.f32 [tilespmem:s9], [sflag:$0x1], $0x1, s12, s10, $0xb8;
	[tilespmem:$0x2C80] =	vst v63  }
0x94: {  	_ = 	snop  }
0x95: {  	[spmem:s2] =	stream.indirect.scatter.add.f32 [tilespmem:s9], [sflag:$0x1], $0x1, s13, s10, $0xb8;
	[tilespmem:$0x2C80] =	vst v63  }
0x96: {  	_ = 	snop  }
0x97: {  	[spmem:s2] =	stream.indirect.scatter.add.f32 [tilespmem:s9], [sflag:$0x1], $0x1, s14, s10, $0xb8;
	[tilespmem:$0x2C80] =	vst v63  }
0x98: {  	_ = 	snop  }
0x99: {  	[spmem:s2] =	stream.indirect.scatter.add.f32 [tilespmem:s9], [sflag:$0x1], $0x1, s15, s10, $0xb8;
	[tilespmem:$0x2C80] =	vst v63  }
0x9a: {  	_ = 	snop  }
0x9b: {  	[spmem:s2] =	stream.indirect.scatter.add.f32 [tilespmem:s9], [sflag:$0x1], $0x1, s16, s10, $0xb8;
	[tilespmem:$0x2C80] =	vst v63  }
0x9c: {  	_ = 	snop  }
0x9d: {  	[spmem:s2] =	stream.indirect.scatter.add.f32 [tilespmem:s9], [sflag:$0x1], $0x1, s17, s10, $0xb8;
	[tilespmem:$0x2C80] =	vst v63  }
0x9e: {  	_ = 	snop  }
0x9f: {  	[spmem:s2] =	stream.indirect.scatter.add.f32 [tilespmem:s9], [sflag:$0x1], $0x1, s18, s10, $0xb8;
	[tilespmem:$0x2C80] =	vst v63  }
0xa0: {  	_ = 	snop  }
0xa1: {  	[spmem:s2] =	stream.indirect.scatter.add.f32 [tilespmem:s9], [sflag:$0x1], $0x1, s19, s10, $0xb8;
	[tilespmem:$0x2C80] =	vst v63  }
0xa2: {  	_ = 	snop  }
0xa3: {  	[spmem:s2] =	stream.indirect.scatter.add.f32 [tilespmem:s9], [sflag:$0x1], $0x1, s20, s10, $0xb8;
	[tilespmem:$0x2C80] =	vst v63  }
0xa4: {  	_ = 	snop  }
0xa5: {  	[spmem:s2] =	stream.indirect.scatter.add.f32 [tilespmem:s9], [sflag:$0x1], $0x1, s21, s10, $0xb8;
	[tilespmem:$0x2C80] =	vst v63  }
0xa6: {  	_ = 	snop  }
0xa7: {  	[spmem:s2] =	stream.indirect.scatter.add.f32 [tilespmem:s9], [sflag:$0x1], $0x1, s22, s10, $0xb8;
	[tilespmem:$0x2C80] =	vst v63  }
0xa8: {  	_ = 	snop  }
0xa9: {  	[spmem:s2] =	stream.indirect.scatter.add.f32 [tilespmem:s9], [sflag:$0x1], $0x1, s23, s10, $0xb8;
	[tilespmem:$0x2C80] =	vst v63  }
0xaa: {  	_ = 	snop  }
0xab: {  	[spmem:s2] =	stream.indirect.scatter.add.f32 [tilespmem:s9], [sflag:$0x1], $0x1, s24, s10, $0xb8;
	[tilespmem:$0x2C80] =	vst v63  }
0xac: {  	_ = 	snop  }
0xad: {  	[spmem:s2] =	stream.indirect.scatter.add.f32 [tilespmem:s9], [sflag:$0x1], $0x1, s25, s10, $0xb8;
	[tilespmem:$0x2C80] =	vst v63  }
0xae: {  	_ = 	snop  }
0xaf: {  	[spmem:s2] =	stream.indirect.scatter.add.f32 [tilespmem:s9], [sflag:$0x1], $0x1, s26, s10, $0xb8;
	[tilespmem:$0x2C80] =	vst v63  }
0xb0: {  	_ = 	snop  }
0xb1: {  	[spmem:s2] =	stream.indirect.scatter.add.f32 [tilespmem:s9], [sflag:$0x1], $0x1, s28, s10, $0xb8;
	[tilespmem:$0x2C80] =	vst v63  }
0xb2: {  	_ = 	snop  }
0xb3: {  	[spmem:s2] =	stream.indirect.scatter.add.f32 [tilespmem:s9], [sflag:$0x1], $0x1, s29, s10, $0xb8;
	[tilespmem:$0x2C80] =	vst v63  }
0xb4: {  	_ =	swait.ge [sflag:s30], $0x200  }
0xb5: {  	[sflag:s30] =	ssyncset.done $0x0  }
0xb6: {  	[sflag:s30] =	ssyncadd.s32 $0xFFFFFE00  }
0xb7: {  	_ =	swait.ge [sflag:s30], $0x200  }
0xb8: {  	[sflag:s30] =	ssyncset.done $0x0  }
0xb9: {  	[sflag:s30] =	ssyncadd.s32 $0xFFFFFE00  }
0xba: {  	_ =	swait.ge [sflag:s30], $0x200  }
0xbb: {  	[sflag:s30] =	ssyncset.done $0x0  }
0xbc: {  	[sflag:s30] =	ssyncadd.s32 $0xFFFFFE00  }
0xbd: {  	_ =	swait.ge [sflag:s30], $0x200  }
0xbe: {  	[sflag:s30] =	ssyncset.done $0x0  }
0xbf: {  	[sflag:s30] =	ssyncadd.s32 $0xFFFFFE00  }
0xc0: {  	_ =	swait.ge [sflag:s30], $0x200  }
0xc1: {  	[sflag:s30] =	ssyncset.done $0x0  }
0xc2: {  	[sflag:s30] =	ssyncadd.s32 $0xFFFFFE00  }
0xc3: {  	_ =	swait.ge [sflag:s30], $0x200  }
0xc4: {  	[sflag:s30] =	ssyncset.done $0x0  }
0xc5: {  	[sflag:s30] =	ssyncadd.s32 $0xFFFFFE00  }
0xc6: {  	_ =	swait.ge [sflag:s30], $0x200  }
0xc7: {  	[sflag:s30] =	ssyncset.done $0x0  }
0xc8: {  	[sflag:s30] =	ssyncadd.s32 $0xFFFFFE00  }
0xc9: {  	_ =	swait.ge [sflag:s30], $0x200  }
0xca: {  	[sflag:s30] =	ssyncset.done $0x0  }
0xcb: {  	[sflag:s30] =	ssyncadd.s32 $0xFFFFFE00  }
0xcc: {  	_ =	swait.ge [sflag:s30], $0x200  }
0xcd: {  	[sflag:s30] =	ssyncset.done $0x0  }
0xce: {  	[sflag:s30] =	ssyncadd.s32 $0xFFFFFE00  }
0xcf: {  	_ =	swait.ge [sflag:s30], $0x200  }
0xd0: {  	[sflag:s30] =	ssyncset.done $0x0  }
0xd1: {  	[sflag:s30] =	ssyncadd.s32 $0xFFFFFE00  }
0xd2: {  	_ =	swait.ge [sflag:s30], $0x200  }
0xd3: {  	[sflag:s30] =	ssyncset.done $0x0  }
0xd4: {  	[sflag:s30] =	ssyncadd.s32 $0xFFFFFE00  }
0xd5: {  	_ =	swait.ge [sflag:s30], $0x200  }
0xd6: {  	[sflag:s30] =	ssyncset.done $0x0  }
0xd7: {  	[sflag:s30] =	ssyncadd.s32 $0xFFFFFE00  }
0xd8: {  	_ =	swait.ge [sflag:s30], $0x200  }
0xd9: {  	[sflag:s30] =	ssyncset.done $0x0  }
0xda: {  	[sflag:s30] =	ssyncadd.s32 $0xFFFFFE00  }
0xdb: {  	_ =	swait.ge [sflag:s30], $0x200  }
0xdc: {  	[sflag:s30] =	ssyncset.done $0x0  }
0xdd: {  	[sflag:s30] =	ssyncadd.s32 $0xFFFFFE00  }
0xde: {  	_ =	swait.ge [sflag:s30], $0x200  }
0xdf: {  	[sflag:s30] =	ssyncset.done $0x0  }
0xe0: {  	[sflag:s30] =	ssyncadd.s32 $0xFFFFFE00  }
0xe1: {  	_ =	swait.ge [sflag:s30], $0x200  }
0xe2: {  	[sflag:s30] =	ssyncset.done $0x0  }
0xe3: {  	[sflag:s30] =	ssyncadd.s32 $0xFFFFFE00  }
0xe4: {  	_ =	swait.ge [sflag:s30], $0x200  }
0xe5: {  	[sflag:s30] =	ssyncset.done $0x0  }
0xe6: {  	[sflag:s30] =	ssyncadd.s32 $0xFFFFFE00  }
0xe7: {  	_ =	swait.ge [sflag:s30], $0x200  }
0xe8: {  	[sflag:s30] =	ssyncset.done $0x0  }
0xe9: {  	[sflag:s30] =	ssyncadd.s32 $0xFFFFFE00  }
0xea: {  	_ =	swait.ge [sflag:s30], $0x200  }
0xeb: {  	[sflag:s30] =	ssyncset.done $0x0  }
0xec: {  	[sflag:s30] =	ssyncadd.s32 $0xFFFFFE00  }
0xed: {  	_ =	swait.ge [sflag:s30], $0x200  }
0xee: {  	p0 =	sne.s32 s0, $0x1;
	[sflag:s30] =	ssyncset.done $0x0  }
.Ltmp1:
0xef: {  	[sflag:s30] =	ssyncadd.s32 $0xFFFFFE00;
	(pc) =	sbr.rel @p0 .LBB2_1-.Ltmp1, $4  }
0xf0: {  	[bflag:$0x0] =	sbarrier.arrive $0xFFFF  }
0xf1: {  	[hbm:s31], [sflag:s5] =	dma.local [spmem:s7], $0x50  }
0xf2: {  	_ =	swait.ge [sflag:s6], $0x50  }
0xf3: {  	s0 =	sadd.s32 $0xFFFFFFFF, s0;
	[sflag:s6] =	ssyncset.done $0x0  }
.LBB2_2:
0xf4: {  	[sflag:s6] =	ssyncadd.s32 $0xFFFFFFB0  }
0xf5: {  	_ =	sfence.sel $0x180000  }
0xf6: {  	[bflag:$0x0] =	sbarrier.arrive $0xFFFF  }
0xf7: {  	_ =	strace $0x90000047  }
0xf8: {  	s0 =	stileid.u32;
	[bflag:$0x2] =	sbarrier.arrive $0xFFFF  }
0xf9: {  	p0 =	sne.s32 s0, $0x0;
	s0 =	rddreg [dreg:$0x3]  }
0xfa: {  	s0 =	sadd.s32 @!p0 $0x100000, s0  }
0xfb: {  	[sflag:s0] =	ssyncadd.tile.s32 @!p0 $0x1;
	_ =	shalt  }
.Lfunc_end2:
_tile_overlayer_lowered:
.L_overlay_start_2:
0xfc: {  	(tag) =	ssettag $0x2  }
0xfd: {  	s0 =	rddreg [dreg:$0x0];
	s2 =	stileid.u32  }
0xfe: {  	s1 =	rddreg [dreg:$0x1];
	p0 =	sne.s32 s2, $0x0  }
0xff: {  	s3 =	rddreg [dreg:$0x2];
	[bflag:$0x3] =	sbarrier.arrive $0xFFFF;
	s2 =	simm.s32 @!p0 $0x1C02  }
0x100: {  	[timem:s3], [sflag:s2] =	dma.local @!p0 [hbm:s0], s1  }
0x101: {  	s0 =	simm.s32 @!p0 $0x2  }
0x102: {  	_ =	swait.ge @!p0 [sflag:s0], s1  }
0x103: {  	s1 =	ssub.s32 @!p0 $0x0, s1;
	[sflag:s0] =	ssyncset.done @!p0 $0x0  }
0x104: {  	[sflag:s0] =	ssyncadd.s32 @!p0 s1  }
0x105: {  	[bflag:$0x3] =	sbarrier.arrive $0xFFFF  }
0x106: {  	_ =	shalt  }

// kernel: kernel.16.cloned.1.call-start
scs
__scs_entry_jumppad:
0x0: {  	(pc) =	sbr.rel $0x88, $3  }
0x1: {  	(tag) =	ssettag $0x0;
	lr =	simm.s32 $0x1  }
0x2: {  	[smem:$0x3F95] =	sst lr;
	_ =	strace $0xD0000000  }
0x3: {  	_ = 	snop  }
0x4: {  	_ = 	snop  }
0x5: {  	_ = 	snop  }
0x6: {  	_ = 	snop  }
0x7: {  	_ = 	snop  }
__scs_overlays_trampoline_lowered:
0x8: {  	[smem:$0x3FA4] =	sst s0  }
0x9: {  	[smem:$0x3FA5] =	sst s1  }
0xa: {  	[smem:$0x3FA6] =	sst s2  }
0xb: {  	[smem:$0x3FA7] =	sst s3  }
0xc: {  	[smem:$0x3FA8] =	sst s4  }
0xd: {  	[smem:$0x3FA9] =	sst s5  }
0xe: {  	[smem:$0x3FAA] =	sst s6  }
0xf: {  	[smem:$0x3FAB] =	sst s7  }
0x10: {  	[smem:$0x3FAC] =	sst s8  }
0x11: {  	[smem:$0x3FAD] =	sst s9;
	s0 =	simm.s32 @!p0 $0x0  }
0x12: {  	s1 =	sld [smem:$0x3F93];
	s0 =	simm.s32 @p0 $0x1  }
0x13: {  	[smem:$0x3FAE] =	sst s0;
	s0 =	simm.s32 @!p1 $0x0  }
0x14: {  	s2 =	sld [smem:$0x3F92];
	s0 =	simm.s32 @p1 $0x1  }
0x15: {  	[smem:$0x3FAF] =	sst s0;
	s0 =	simm.s32 @!p2 $0x0  }
0x16: {  	s3 =	sld [smem:$0x3FDB];
	s0 =	simm.s32 @p2 $0x1  }
0x17: {  	s4 =	simm.s32 $0x1BF5;
	[smem:$0x3FB1] =	sst s0  }
0x18: {  	s0 =	sld [smem:$0x3F94];
	_ =	swait.ge [sflag:s4], $0x0  }
0x19: {  	s7 =	sld [smem:$0x3F95]  }
0x1a: {  	s8 =	sadd.s32 $0xFFFFE003, lr  }
0x1b: {  	s9 =	sadd.s32 $0xFFFFFEF7, lr;
	s5 =	simm.s32 $0xFFFFFFFF;
	p2 =	slt.u32 s8, $0xFFFFF086  }
0x1c: {  	p1 =	slt.u32 s9, $0xF7A;
	s5 =	simm.s32 @!p2 $0x0  }
0x1d: {  	s5 =	simm.s32 @p1 $0x1;
	p0 =	seq.s32 s7, s2  }
0x1e: {  	s7 =	smul.u32 @!p0 $0xF7A, s2;
	p2 =	seq.s32 @!p0 s5, $0x0  }
0x1f: {  	s9 =	smul.u32 $0xF7A, s1;
	s8 =	simm.s32 @!p0 $0x1BF5;
	p2 =	por !p2, p0  }
0x20: {  	[sflag:s8] =	ssyncset.s32 @!p0 $0xFFFFF086;
	s6 =	sadd.s32 @!p0 s3, s7;
	s7 =	simm.s32 @!p0 $0x108  }
0x21: {  	s3 =	sadd.s32 s3, s9;
	s6 =	sadd.s32 @!p0 $0x88, s6;
	s7 =	simm.s32 @p2 $0x1082  }
0x22: {  	[simem:s7], [sflag:s8] =	dma.local @!p0 [hbm:s6], $0xF7A  }
0x23: {  	s9 =	sor.u32 $0xD0000000, s2;
	s6 =	simm.s32 $0x108;
	_ =	swait.ge @!p0 [sflag:s8], $0x0  }
0x24: {  	s3 =	sadd.s32 $0x88, s3;
	s6 =	simm.s32 @!p1 $0x1082;
	[sflag:s4] =	ssyncset.s32 $0xFFFFF086  }
0x25: {  	[simem:s6], [sflag:s4] =	dma.local [hbm:s3], $0xF7A  }
0x26: {  	[smem:$0x3F95] =	sst s1;
	(tag) =	ssettag s2;
	_ =	strace s9  }
0x27: {  	s1 =	sld [smem:$0x3FA5]  }
0x28: {  	s2 =	sld [smem:$0x3FA6]  }
0x29: {  	s4 =	sld [smem:$0x3FA8]  }
0x2a: {  	p0 =	seq.s32 s5, $0x0;
	s5 =	sld [smem:$0x3FA9]  }
0x2b: {  	s6 =	sld [smem:$0x3FAA]  }
0x2c: {  	s7 =	sld [smem:$0x3FAB]  }
0x2d: {  	s3 =	simm.s32 $0x108;
	s8 =	sld [smem:$0x3FAC]  }
0x2e: {  	s3 =	simm.s32 @!p0 $0x1082;
	s9 =	sld [smem:$0x3FAD]  }
0x2f: {  	lr =	sadd.s32 s0, s3;
	s0 =	sld [smem:$0x3FA4]  }
0x30: {  	s3 =	sld [smem:$0x3FA7]  }
0x31: {  	[smem:$0x3FB0] =	sst s10  }
0x32: {  	s10 =	sld [smem:$0x3FAE];
	_ =	sdelay $0x3  }
0x33: {  	p0 =	seq.s32 s10, $0x1;
	s10 =	sld [smem:$0x3FB0];
	_ =	sdelay $0x3  }
0x34: {  	[smem:$0x3FB0] =	sst s10  }
0x35: {  	s10 =	sld [smem:$0x3FAF];
	_ =	sdelay $0x3  }
0x36: {  	p1 =	seq.s32 s10, $0x1;
	s10 =	sld [smem:$0x3FB0];
	_ =	sdelay $0x3  }
0x37: {  	[smem:$0x3FB0] =	sst s10  }
0x38: {  	s10 =	sld [smem:$0x3FB1]  }
0x39: {  	_ = 	snop;
	(pc) =	sbr.ind lr, $3  }
0x3a: {  	_ = 	snop  }
0x3b: {  	_ = 	snop  }
0x3c: {  	p2 =	seq.s32 s10, $0x1;
	s10 =	sld [smem:$0x3FB0]  }
0x3d: {  	_ =	shalt  }
0x3e: {  	_ =	shalt  }
0x3f: {  	_ =	shalt  }
0x40: {  	_ =	shalt  }
0x41: {  	_ =	shalt  }
0x42: {  	_ =	shalt  }
0x43: {  	_ =	shalt  }
0x44: {  	_ =	shalt  }
0x45: {  	_ =	shalt  }
0x46: {  	_ =	shalt  }
0x47: {  	_ =	shalt  }
0x48: {  	_ =	shalt  }
0x49: {  	_ =	shalt  }
0x4a: {  	_ =	shalt  }
0x4b: {  	_ =	shalt  }
0x4c: {  	_ =	shalt  }
0x4d: {  	_ =	shalt  }
0x4e: {  	_ =	shalt  }
0x4f: {  	_ =	shalt  }
0x50: {  	_ =	shalt  }
0x51: {  	_ =	shalt  }
0x52: {  	_ =	shalt  }
0x53: {  	_ =	shalt  }
0x54: {  	_ =	shalt  }
0x55: {  	_ =	shalt  }
0x56: {  	_ =	shalt  }
0x57: {  	_ =	shalt  }
0x58: {  	_ =	shalt  }
0x59: {  	_ =	shalt  }
0x5a: {  	_ =	shalt  }
0x5b: {  	_ =	shalt  }
0x5c: {  	_ =	shalt  }
0x5d: {  	_ =	shalt  }
0x5e: {  	_ =	shalt  }
0x5f: {  	_ =	shalt  }
0x60: {  	_ =	shalt  }
0x61: {  	_ =	shalt  }
0x62: {  	_ =	shalt  }
0x63: {  	_ =	shalt  }
0x64: {  	_ =	shalt  }
0x65: {  	_ =	shalt  }
0x66: {  	_ =	shalt  }
0x67: {  	_ =	shalt  }
0x68: {  	_ =	shalt  }
0x69: {  	_ =	shalt  }
0x6a: {  	_ =	shalt  }
0x6b: {  	_ =	shalt  }
0x6c: {  	_ =	shalt  }
0x6d: {  	_ =	shalt  }
0x6e: {  	_ =	shalt  }
0x6f: {  	_ =	shalt  }
0x70: {  	_ =	shalt  }
0x71: {  	_ =	shalt  }
0x72: {  	_ =	shalt  }
0x73: {  	_ =	shalt  }
0x74: {  	_ =	shalt  }
0x75: {  	_ =	shalt  }
0x76: {  	_ =	shalt  }
0x77: {  	_ =	shalt  }
0x78: {  	_ =	shalt  }
0x79: {  	_ =	shalt  }
0x7a: {  	_ =	shalt  }
0x7b: {  	_ =	shalt  }
0x7c: {  	_ =	shalt  }
0x7d: {  	_ =	shalt  }
0x7e: {  	_ =	shalt  }
0x7f: {  	_ =	shalt  }
0x80: {  	_ =	shalt  }
0x81: {  	_ =	shalt  }
0x82: {  	_ =	shalt  }
0x83: {  	_ =	shalt  }
0x84: {  	_ =	shalt  }
0x85: {  	_ =	shalt  }
0x86: {  	_ =	shalt  }
0x87: {  	_ =	shalt  }
.Lfunc_end0:
.L_simem_size_0:
called_computation.1_lowered:
.L_overlay_start_0:
0x88: {  	s2 =	sld [smem:$0x3FD9]  }
0x89: {  	s3 =	sld [smem:$0x3FFE];
	_ =	sdelay $0x1  }
0x8a: {  	s1 =	srdreg.scid  }
0x8b: {  	s0 =	sand.u32 $0x1, s1  }
0x8c: {  	s16 =	sshll.u32 s0, $0xA;
	s2 =	sadd.s32 s3, s2  }
0x8d: {  	s2 =	sadd.s32 s2, s16  }
0x8e: {  	[smem:$0x3FBC] =	sst s2  }
0x8f: {  	_ = 	snop  }
0x90: {  	(tm) =	ssettm $0x1  }
0x91: {  	s17 =	sld [smem:$0x3FFB];
	_ =	sdelay $0x3  }
0x92: {  	_ =	strace s17  }
0x93: {  	s2 =	sld [smem:$0x3FFC];
	_ =	sdelay $0x3  }
0x94: {  	_ =	strace s2  }
0x95: {  	s2 =	sld [smem:$0x3FFD];
	_ =	sdelay $0x3  }
0x96: {  	_ =	strace s2  }
0x97: {  	_ =	strace $0x8FFFFFFF  }
0x98: {  	s18 =	sld [smem:$0x3FDB];
	_ =	sdelay $0x1  }
0x99: {  	s19 =	simm.s32 $_scs_section_size  }
0x9a: {  	s4 =	simm.s32 $_size__tile_overlayer_lowered;
	s5 =	simm.s32 $_tile_overlayer_lowered  }
0x9b: {  	s22 =	simm.s32 $0x1BFF;
	s21 =	sshll.u32 s5, $0x1;
	s2 =	sadd.s32 s19, s18  }
0x9c: {  	s6 =	simm.s32 $0x0;
	s20 =	sshll.u32 s4, $0x1;
	s4 =	sadd.s32 s21, s2  }
0x9d: {  	[timem:s6], [sflag:s22] =	dma.local [hbm:s4], s20  }
0x9e: {  	_ =	swait.ge [sflag:s22], s20  }
0x9f: {  	s3 =	ssub.s32 $0x0, s20;
	[sflag:s22] =	ssyncset.done $0x0  }
0xa0: {  	[sflag:s22] =	ssyncadd.s32 s3;
	_ =	sdelay $0x1  }
0xa1: {  	s23 =	simm.s32 $0x1B8B  }
0xa2: {  	_ =	swait.ge [sflag:s23], $0x1  }
0xa3: {  	[sflag:s23] =	ssyncset.done $0x0  }
0xa4: {  	s25 =	simm.s32 $0x1B8E;
	s24 =	sld [smem:$0x3FFE];
	[sflag:s23] =	ssyncadd.s32 $0xFFFFFFFF  }
0xa5: {  	s26 =	simm.s32 $execute0_lowered;
	[smem:$0x3FD2] =	sst s25  }
0xa6: {  	s4 =	sshll.u32 s26, $0x1;
	_ =	strace $0x80000049;
	[dreg:$0x1] =	wrdreg $0xFFFFFFFF  }
0xa7: {  	s28 =	simm.s32 $_size_execute0_lowered;
	s2 =	sadd.s32 s2, s4;
	[dreg:$0x0] =	wrdreg $0x0  }
0xa8: {  	s4 =	sshll.u32 s28, $0x1;
	[dreg:$0x2] =	wrdreg s2  }
0xa9: {  	[dreg:$0x3] =	wrdreg s4  }
0xaa: {  	[dreg:$0x4] =	wrdreg $0xC0  }
0xab: {  	_ =	task [dreg:s6], $0x5FFFF  }
0xac: {  	[dreg:$0x1] =	wrdreg $0xFFFFFFFF  }
0xad: {  	[dreg:$0x0] =	wrdreg $0x60  }
0xae: {  	[dreg:$0x2] =	wrdreg s24  }
0xaf: {  	[dreg:$0x3] =	wrdreg $0x150000  }
0xb0: {  	[dreg:$0x4] =	wrdreg $0x9  }
0xb1: {  	_ =	task.clear_ibuf [dreg:s6], $0x5FFFF;
	_ =	strace $0x90000049  }
0xb2: {  	s29 =	simm.s32 $0x9;
	_ =	strace $0x8000004B  }
0xb3: {  	_ =	swait.ge [sflag:s29], $0x1  }
0xb4: {  	[sflag:s29] =	ssyncadd.s32 $0xFFFFFFFF  }
0xb5: {  	_ =	strace $0x9000004B  }
0xb6: {  	_ =	sfence  }
0xb7: {  	s30 =	sld [smem:$0x0];
	_ =	sdelay $0x2  }
0xb8: {  	s31 =	sshll.u32 s1, $0xD;
	s1 =	sshrl.u32 s1, $0x2  }
0xb9: {  	s3 =	sand.u32 $0x4000, s31;
	s1 =	sadd.s32 s1, s30  }
0xba: {  	s0 =	sor.u32 s3, s0;
	s1 =	sshll.u32 s1, $0x11  }
0xbb: {  	s0 =	sor.u32 s1, s0  }
0xbc: {  	s0 =	sadd.s32 $0x8F2B, s0  }
0xbd: {  	[sflag:s0] =	ssyncadd.remote.s32 $0x1  }
0xbe: {  	_ =	sfence.sel $0xFFFF  }
0xbf: {  	[dreg:$0x0] =	wrdreg $0xFFFFFFFF;
	(pc) =	sbr.abs _section_cstart, $3  }
0xc0: {  	[dreg:$0x1] =	wrdreg $0xFFFFFFFF  }
0xc1: {  	_ =	task.clear_ibuf [dreg:s6], $0x2FFFF;
	_ =	strace $0x9FFFFFFF  }
0xc2: {  	(tm) =	ssettm $0x7FFFFFFF  }
0xc3: {  	_ =	shalt  }
tec
execute0_lowered:
.L_overlay_start_1:
0x0: {  	(tag) =	ssettag $0x1  }
0x1: {  	s5 =	rddreg [dreg:$0x0]  }
0x2: {  	s0 =	srdreg.scid;
	s2 =	rddreg [dreg:$0x1]  }
0x3: {  	s1 =	stileid.u32;
	s3 =	simm.s32 $0x0;
	s15 =	simm.s32 $0x5  }
0x4: {  	s16 =	simm.s32 $0x6;
	s17 =	simm.s32 $0x7;
	s18 =	simm.s32 $0x8  }
0x5: {  	s19 =	simm.s32 $0x0;
	s6 =	sand.u32 $0x1, s0;
	s0 =	rddreg [dreg:$0x2]  }
0x6: {  	[smem:$0x7FF] =	sst s3;
	s9 =	sadd.s32 $0x22C00, s5;
	s11 =	smul.u32 $0x5000, s1  }
0x7: {  	s12 =	sadd.s32 $0x2CC00, s5;
	s13 =	sadd.s32 $0x36C00, s5;
	s31 =	sshll.u32 s1, $0x6  }
0x8: {  	s4 =	sshll.u32 s6, $0x4;
	_ =	strace $0x8000004A;
	s8 =	ssub.s32 $0x2, s6  }
0x9: {  	p0 =	seq.s32 s6, $0x0;
	s4 =	sor.u32 s1, s4;
	s10 =	sshrl.u32 s8, $0x1  }
0xa: {  	s14 =	sadd.s32 s11, s2;
	s30 =	sshrl.u32 s11, $0x3;
	s13 =	smov.u32 @p0 s12  }
0xb: {  	s12 =	simm.s32 $0x9;
	s4 =	smul.u32 $0x500, s4;
	s8 =	ssub.s32 s8, s10  }
0xc: {  	s10 =	sadd.s32 s13, s30;
	s11 =	sshrl.u32 s14, $0x3;
	s13 =	simm.s32 $0x2800  }
0xd: {  	s14 =	simm.s32 $0x200;
	s7 =	sadd.s32 s4, s5;
	s4 =	sadd.s32 $0x18C00, s5  }
0xe: {  	s5 =	sadd.s32 $0xEC00, s7;
	s6 =	sadd.s32 $0x4C00, s7;
	s9 =	smov.u32 @p0 s4  }
0xf: {  	s7 =	smax.u32 s8, $0x1;
	s8 =	sadd.s32 s9, s30;
	s9 =	sor.u32 $0x1C09, s31  }
.LBB2_1:
0x10: {  	[spmem:s11], [sflag:s9] =	dma.local [hbm:s8], $0xA00  }
0x11: {  	_ =	swait.ge [sflag:s12], $0xA00  }
0x12: {  	[sflag:s12] =	ssyncset.done $0x0  }
0x13: {  	[sflag:s12] =	ssyncadd.s32 $0xFFFFF600  }
0x14: {  	[tilespmem:s3], [sflag:$0x9] =	stream.linear.gather [hbm4b:s5+s3], $0x2800, $0x38;
	[tilespmem:$0x1A000] =	vst v63  }
0x15: {  	_ =	swait.ge [sflag:s12], $0x2800  }
0x16: {  	[sflag:s12] =	ssyncset.done $0x0  }
0x17: {  	[sflag:s12] =	ssyncadd.s32 $0xFFFFD800  }
0x18: {  	[tilespmem:s13], [sflag:$0x9] =	stream.linear.gather [hbm4b:s6+s3], $0x2800, $0x38;
	[tilespmem:$0x1A000] =	vst v63  }
0x19: {  	_ =	swait.ge [sflag:s12], $0x2800  }
0x1a: {  	[sflag:s12] =	ssyncset.done $0x0  }
0x1b: {  	s20 =	simm.s32 $0x2400;
	[sflag:s12] =	ssyncadd.s32 $0xFFFFD800  }
0x1c: {  	s21 =	simm.s32 $0x0;
	s22 =	simm.s32 $0x0;
	[bflag:$0x0] =	sbarrier.arrive $0xFFFF  }
.LBB2_2:
0x1d: {  	p0 =	sgt.u32 s22, $0x13  }
0x1e: {  	p1 =	slt.u32 @!p0 s22, $0x4  }
0x1f: {  	s23 =	sand.u32 $0x3, s22;
	p1 =	por p1, p0  }
0x20: {  	s24 =	sadd.s32 @!p1 $0x5, s23  }
0x21: {  	_ =	swait.ge @!p1 [sflag:s24], $0x4000  }
0x22: {  	[sflag:s24] =	ssyncset.done @!p1 $0x0  }
0x23: {  	[sflag:s24] =	ssyncadd.s32 @!p1 $0xFFFFC000;
	s24 =	sshll.u32 @!p0 s23, $0xE  }
0x24: {  	s25 =	sadd.s32 @!p0 $0x1, s23;
	s26 =	simm.s32 @!p0 $0x200;
	s24 =	sadd.s32 @!p0 $0x5000, s24  }
0x25: {  	[tilespmem:s24], [sflag:s25] =	stream.indirect.gather @!p0 [hbm4b:s4+s26], $0x20, s21, s26, $0xb8;
	[tilespmem:$0x1A000] =	vst v63  }
0x26: {  	s24 =	sadd.s32 @!p0 $0xFFFFFFFE, s22  }
0x27: {  	p1 =	sgt.u32 @!p0 s24, $0x13  }
0x28: {  	p0 =	por p0, !p1  }
0x29: {  	s23 =	sxor.u32 @p0 $0x2, s23  }
0x2a: {  	s24 =	sadd.s32 @p0 $0x1, s23  }
0x2b: {  	_ =	swait.ge @p0 [sflag:s24], $0x4000  }
0x2c: {  	s22 =	sadd.s32 $0x1, s22;
	s25 =	sshll.u32 @p0 s23, $0xE;
	[sflag:s24] =	ssyncset.done @p0 $0x0  }
0x2d: {  	s23 =	sadd.s32 @p0 $0x5, s23;
	s25 =	sadd.s32 @p0 $0x5000, s25;
	[sflag:s24] =	ssyncadd.s32 @p0 $0xFFFFC000  }
0x2e: {  	[spmem:s2] =	stream.indirect.scatter.add.f32 @p0 [tilespmem:s25], [sflag:s23], $0x20, s20, s14, $0xb8;
	[tilespmem:$0x1A000] =	vst v63  }
0x2f: {  	p0 =	sne.s32 s22, $0x16  }
.Ltmp0:
0x30: {  	_ = 	snop;
	(pc) =	sbr.rel @p0 .LBB2_2-.Ltmp0, $2  }
0x31: {  	_ =	sdelay $0x2  }
0x32: {  	s21 =	sadd.s32 $0x200, s21;
	s20 =	sadd.s32 $0x200, s20  }
0x33: {  	_ =	swait.ge [sflag:s15], $0x4000  }
0x34: {  	[sflag:s15] =	ssyncset.done $0x0  }
0x35: {  	[sflag:s15] =	ssyncadd.s32 $0xFFFFC000  }
0x36: {  	_ =	swait.ge [sflag:s16], $0x4000  }
0x37: {  	[sflag:s16] =	ssyncset.done $0x0  }
0x38: {  	[sflag:s16] =	ssyncadd.s32 $0xFFFFC000  }
0x39: {  	_ =	swait.ge [sflag:s17], $0x4000  }
0x3a: {  	[sflag:s17] =	ssyncset.done $0x0  }
0x3b: {  	[sflag:s17] =	ssyncadd.s32 $0xFFFFC000  }
0x3c: {  	_ =	swait.ge [sflag:s18], $0x4000  }
0x3d: {  	s19 =	sadd.s32 $0x1, s19;
	[sflag:s18] =	ssyncset.done $0x0  }
0x3e: {  	p0 =	sne.s32 s19, s7;
	[sflag:s18] =	ssyncadd.s32 $0xFFFFC000  }
.Ltmp1:
0x3f: {  	[bflag:$0x0] =	sbarrier.arrive $0xFFFF;
	(pc) =	sbr.rel @p0 .LBB2_1-.Ltmp1, $4  }
0x40: {  	[hbm:s10], [sflag:s9] =	dma.local [spmem:s11], $0xA00  }
0x41: {  	_ =	swait.ge [sflag:s12], $0xA00  }
0x42: {  	[sflag:s12] =	ssyncset.done $0x0  }
0x43: {  	[sflag:s12] =	ssyncadd.s32 $0xFFFFF600  }
0x44: {  	_ =	sfence.sel $0x180000  }
0x45: {  	[bflag:$0x0] =	sbarrier.arrive $0xFFFF  }
0x46: {  	p0 =	sne.s32 s1, $0x0;
	_ =	strace $0x9000004A  }
0x47: {  	s0 =	sadd.s32 @!p0 $0x100000, s0;
	[bflag:$0x2] =	sbarrier.arrive $0xFFFF  }
0x48: {  	[sflag:s0] =	ssyncadd.tile.s32 @!p0 $0x1;
	_ =	shalt  }
.Lfunc_end2:
_tile_overlayer_lowered:
.L_overlay_start_2:
0x49: {  	(tag) =	ssettag $0x2  }
0x4a: {  	s0 =	rddreg [dreg:$0x0];
	s2 =	stileid.u32  }
0x4b: {  	s1 =	rddreg [dreg:$0x1];
	p0 =	sne.s32 s2, $0x0  }
0x4c: {  	s3 =	rddreg [dreg:$0x2];
	[bflag:$0x3] =	sbarrier.arrive $0xFFFF;
	s2 =	simm.s32 @!p0 $0x1C09  }
0x4d: {  	[timem:s3], [sflag:s2] =	dma.local @!p0 [hbm:s0], s1  }
0x4e: {  	s0 =	simm.s32 @!p0 $0x9  }
0x4f: {  	_ =	swait.ge @!p0 [sflag:s0], s1  }
0x50: {  	s1 =	ssub.s32 @!p0 $0x0, s1;
	[sflag:s0] =	ssyncset.done @!p0 $0x0  }
0x51: {  	[sflag:s0] =	ssyncadd.s32 @!p0 s1  }
0x52: {  	[bflag:$0x3] =	sbarrier.arrive $0xFFFF  }
0x53: {  	_ =	shalt  }

// kernel: kernel.19.cloned.1.call-start
scs
__scs_entry_jumppad:
0x0: {  	(pc) =	sbr.rel $0x88, $3  }
0x1: {  	(tag) =	ssettag $0x0;
	lr =	simm.s32 $0x1  }
0x2: {  	[smem:$0x3F95] =	sst lr;
	_ =	strace $0xD0000000  }
0x3: {  	_ = 	snop  }
0x4: {  	_ = 	snop  }
0x5: {  	_ = 	snop  }
0x6: {  	_ = 	snop  }
0x7: {  	_ = 	snop  }
__scs_overlays_trampoline_lowered:
0x8: {  	[smem:$0x3FA4] =	sst s0  }
0x9: {  	[smem:$0x3FA5] =	sst s1  }
0xa: {  	[smem:$0x3FA6] =	sst s2  }
0xb: {  	[smem:$0x3FA7] =	sst s3  }
0xc: {  	[smem:$0x3FA8] =	sst s4  }
0xd: {  	[smem:$0x3FA9] =	sst s5  }
0xe: {  	[smem:$0x3FAA] =	sst s6  }
0xf: {  	[smem:$0x3FAB] =	sst s7  }
0x10: {  	[smem:$0x3FAC] =	sst s8  }
0x11: {  	[smem:$0x3FAD] =	sst s9;
	s0 =	simm.s32 @!p0 $0x0  }
0x12: {  	s1 =	sld [smem:$0x3F93];
	s0 =	simm.s32 @p0 $0x1  }
0x13: {  	[smem:$0x3FAE] =	sst s0;
	s0 =	simm.s32 @!p1 $0x0  }
0x14: {  	s2 =	sld [smem:$0x3F92];
	s0 =	simm.s32 @p1 $0x1  }
0x15: {  	[smem:$0x3FAF] =	sst s0;
	s0 =	simm.s32 @!p2 $0x0  }
0x16: {  	s3 =	sld [smem:$0x3FDB];
	s0 =	simm.s32 @p2 $0x1  }
0x17: {  	s4 =	simm.s32 $0x1BF5;
	[smem:$0x3FB1] =	sst s0  }
0x18: {  	s0 =	sld [smem:$0x3F94];
	_ =	swait.ge [sflag:s4], $0x0  }
0x19: {  	s7 =	sld [smem:$0x3F95]  }
0x1a: {  	s8 =	sadd.s32 $0xFFFFE003, lr  }
0x1b: {  	s9 =	sadd.s32 $0xFFFFFEF7, lr;
	s5 =	simm.s32 $0xFFFFFFFF;
	p2 =	slt.u32 s8, $0xFFFFF086  }
0x1c: {  	p1 =	slt.u32 s9, $0xF7A;
	s5 =	simm.s32 @!p2 $0x0  }
0x1d: {  	s5 =	simm.s32 @p1 $0x1;
	p0 =	seq.s32 s7, s2  }
0x1e: {  	s7 =	smul.u32 @!p0 $0xF7A, s2;
	p2 =	seq.s32 @!p0 s5, $0x0  }
0x1f: {  	s9 =	smul.u32 $0xF7A, s1;
	s8 =	simm.s32 @!p0 $0x1BF5;
	p2 =	por !p2, p0  }
0x20: {  	[sflag:s8] =	ssyncset.s32 @!p0 $0xFFFFF086;
	s6 =	sadd.s32 @!p0 s3, s7;
	s7 =	simm.s32 @!p0 $0x108  }
0x21: {  	s3 =	sadd.s32 s3, s9;
	s6 =	sadd.s32 @!p0 $0x88, s6;
	s7 =	simm.s32 @p2 $0x1082  }
0x22: {  	[simem:s7], [sflag:s8] =	dma.local @!p0 [hbm:s6], $0xF7A  }
0x23: {  	s9 =	sor.u32 $0xD0000000, s2;
	s6 =	simm.s32 $0x108;
	_ =	swait.ge @!p0 [sflag:s8], $0x0  }
0x24: {  	s3 =	sadd.s32 $0x88, s3;
	s6 =	simm.s32 @!p1 $0x1082;
	[sflag:s4] =	ssyncset.s32 $0xFFFFF086  }
0x25: {  	[simem:s6], [sflag:s4] =	dma.local [hbm:s3], $0xF7A  }
0x26: {  	[smem:$0x3F95] =	sst s1;
	(tag) =	ssettag s2;
	_ =	strace s9  }
0x27: {  	s1 =	sld [smem:$0x3FA5]  }
0x28: {  	s2 =	sld [smem:$0x3FA6]  }
0x29: {  	s4 =	sld [smem:$0x3FA8]  }
0x2a: {  	p0 =	seq.s32 s5, $0x0;
	s5 =	sld [smem:$0x3FA9]  }
0x2b: {  	s6 =	sld [smem:$0x3FAA]  }
0x2c: {  	s7 =	sld [smem:$0x3FAB]  }
0x2d: {  	s3 =	simm.s32 $0x108;
	s8 =	sld [smem:$0x3FAC]  }
0x2e: {  	s3 =	simm.s32 @!p0 $0x1082;
	s9 =	sld [smem:$0x3FAD]  }
0x2f: {  	lr =	sadd.s32 s0, s3;
	s0 =	sld [smem:$0x3FA4]  }
0x30: {  	s3 =	sld [smem:$0x3FA7]  }
0x31: {  	[smem:$0x3FB0] =	sst s10  }
0x32: {  	s10 =	sld [smem:$0x3FAE];
	_ =	sdelay $0x3  }
0x33: {  	p0 =	seq.s32 s10, $0x1;
	s10 =	sld [smem:$0x3FB0];
	_ =	sdelay $0x3  }
0x34: {  	[smem:$0x3FB0] =	sst s10  }
0x35: {  	s10 =	sld [smem:$0x3FAF];
	_ =	sdelay $0x3  }
0x36: {  	p1 =	seq.s32 s10, $0x1;
	s10 =	sld [smem:$0x3FB0];
	_ =	sdelay $0x3  }
0x37: {  	[smem:$0x3FB0] =	sst s10  }
0x38: {  	s10 =	sld [smem:$0x3FB1]  }
0x39: {  	_ = 	snop;
	(pc) =	sbr.ind lr, $3  }
0x3a: {  	_ = 	snop  }
0x3b: {  	_ = 	snop  }
0x3c: {  	p2 =	seq.s32 s10, $0x1;
	s10 =	sld [smem:$0x3FB0]  }
0x3d: {  	_ =	shalt  }
0x3e: {  	_ =	shalt  }
0x3f: {  	_ =	shalt  }
0x40: {  	_ =	shalt  }
0x41: {  	_ =	shalt  }
0x42: {  	_ =	shalt  }
0x43: {  	_ =	shalt  }
0x44: {  	_ =	shalt  }
0x45: {  	_ =	shalt  }
0x46: {  	_ =	shalt  }
0x47: {  	_ =	shalt  }
0x48: {  	_ =	shalt  }
0x49: {  	_ =	shalt  }
0x4a: {  	_ =	shalt  }
0x4b: {  	_ =	shalt  }
0x4c: {  	_ =	shalt  }
0x4d: {  	_ =	shalt  }
0x4e: {  	_ =	shalt  }
0x4f: {  	_ =	shalt  }
0x50: {  	_ =	shalt  }
0x51: {  	_ =	shalt  }
0x52: {  	_ =	shalt  }
0x53: {  	_ =	shalt  }
0x54: {  	_ =	shalt  }
0x55: {  	_ =	shalt  }
0x56: {  	_ =	shalt  }
0x57: {  	_ =	shalt  }
0x58: {  	_ =	shalt  }
0x59: {  	_ =	shalt  }
0x5a: {  	_ =	shalt  }
0x5b: {  	_ =	shalt  }
0x5c: {  	_ =	shalt  }
0x5d: {  	_ =	shalt  }
0x5e: {  	_ =	shalt  }
0x5f: {  	_ =	shalt  }
0x60: {  	_ =	shalt  }
0x61: {  	_ =	shalt  }
0x62: {  	_ =	shalt  }
0x63: {  	_ =	shalt  }
0x64: {  	_ =	shalt  }
0x65: {  	_ =	shalt  }
0x66: {  	_ =	shalt  }
0x67: {  	_ =	shalt  }
0x68: {  	_ =	shalt  }
0x69: {  	_ =	shalt  }
0x6a: {  	_ =	shalt  }
0x6b: {  	_ =	shalt  }
0x6c: {  	_ =	shalt  }
0x6d: {  	_ =	shalt  }
0x6e: {  	_ =	shalt  }
0x6f: {  	_ =	shalt  }
0x70: {  	_ =	shalt  }
0x71: {  	_ =	shalt  }
0x72: {  	_ =	shalt  }
0x73: {  	_ =	shalt  }
0x74: {  	_ =	shalt  }
0x75: {  	_ =	shalt  }
0x76: {  	_ =	shalt  }
0x77: {  	_ =	shalt  }
0x78: {  	_ =	shalt  }
0x79: {  	_ =	shalt  }
0x7a: {  	_ =	shalt  }
0x7b: {  	_ =	shalt  }
0x7c: {  	_ =	shalt  }
0x7d: {  	_ =	shalt  }
0x7e: {  	_ =	shalt  }
0x7f: {  	_ =	shalt  }
0x80: {  	_ =	shalt  }
0x81: {  	_ =	shalt  }
0x82: {  	_ =	shalt  }
0x83: {  	_ =	shalt  }
0x84: {  	_ =	shalt  }
0x85: {  	_ =	shalt  }
0x86: {  	_ =	shalt  }
0x87: {  	_ =	shalt  }
.Lfunc_end0:
.L_simem_size_0:
called_computation.2_lowered:
.L_overlay_start_0:
0x88: {  	s2 =	sld [smem:$0x3FD9]  }
0x89: {  	s3 =	sld [smem:$0x3FFE];
	_ =	sdelay $0x1  }
0x8a: {  	s1 =	srdreg.scid  }
0x8b: {  	s0 =	sand.u32 $0x1, s1  }
0x8c: {  	s16 =	sshll.u32 s0, $0xA;
	s2 =	sadd.s32 s3, s2  }
0x8d: {  	s2 =	sadd.s32 s2, s16  }
0x8e: {  	[smem:$0x3FBC] =	sst s2  }
0x8f: {  	_ = 	snop  }
0x90: {  	(tm) =	ssettm $0x1  }
0x91: {  	s17 =	sld [smem:$0x3FFB];
	_ =	sdelay $0x3  }
0x92: {  	_ =	strace s17  }
0x93: {  	s2 =	sld [smem:$0x3FFC];
	_ =	sdelay $0x3  }
0x94: {  	_ =	strace s2  }
0x95: {  	s2 =	sld [smem:$0x3FFD];
	_ =	sdelay $0x3  }
0x96: {  	_ =	strace s2  }
0x97: {  	_ =	strace $0x8FFFFFFF  }
0x98: {  	s18 =	sld [smem:$0x3FDB];
	_ =	sdelay $0x1  }
0x99: {  	s19 =	simm.s32 $_scs_section_size  }
0x9a: {  	s4 =	simm.s32 $_size__tile_overlayer_lowered;
	s5 =	simm.s32 $_tile_overlayer_lowered  }
0x9b: {  	s22 =	simm.s32 $0x1BFF;
	s21 =	sshll.u32 s5, $0x1;
	s2 =	sadd.s32 s19, s18  }
0x9c: {  	s6 =	simm.s32 $0x0;
	s20 =	sshll.u32 s4, $0x1;
	s4 =	sadd.s32 s21, s2  }
0x9d: {  	[timem:s6], [sflag:s22] =	dma.local [hbm:s4], s20  }
0x9e: {  	_ =	swait.ge [sflag:s22], s20  }
0x9f: {  	s3 =	ssub.s32 $0x0, s20;
	[sflag:s22] =	ssyncset.done $0x0  }
0xa0: {  	[sflag:s22] =	ssyncadd.s32 s3;
	_ =	sdelay $0x1  }
0xa1: {  	s23 =	simm.s32 $0x1B8B  }
0xa2: {  	_ =	swait.ge [sflag:s23], $0x1  }
0xa3: {  	[sflag:s23] =	ssyncset.done $0x0  }
0xa4: {  	s25 =	simm.s32 $0x1B8E;
	s24 =	sld [smem:$0x3FFE];
	[sflag:s23] =	ssyncadd.s32 $0xFFFFFFFF  }
0xa5: {  	s26 =	simm.s32 $execute0_lowered;
	[smem:$0x3FD2] =	sst s25  }
0xa6: {  	s4 =	sshll.u32 s26, $0x1;
	_ =	strace $0x8000004C;
	[dreg:$0x1] =	wrdreg $0xFFFFFFFF  }
0xa7: {  	s28 =	simm.s32 $_size_execute0_lowered;
	s2 =	sadd.s32 s2, s4;
	[dreg:$0x0] =	wrdreg $0x0  }
0xa8: {  	s4 =	sshll.u32 s28, $0x1;
	[dreg:$0x2] =	wrdreg s2  }
0xa9: {  	[dreg:$0x3] =	wrdreg s4  }
0xaa: {  	[dreg:$0x4] =	wrdreg $0xC0  }
0xab: {  	_ =	task [dreg:s6], $0x5FFFF  }
0xac: {  	[dreg:$0x1] =	wrdreg $0xFFFFFFFF  }
0xad: {  	[dreg:$0x0] =	wrdreg $0x60  }
0xae: {  	[dreg:$0x2] =	wrdreg s24  }
0xaf: {  	[dreg:$0x3] =	wrdreg $0x150000  }
0xb0: {  	[dreg:$0x4] =	wrdreg $0x9  }
0xb1: {  	_ =	task.clear_ibuf [dreg:s6], $0x5FFFF;
	_ =	strace $0x9000004C  }
0xb2: {  	s29 =	simm.s32 $0x9;
	_ =	strace $0x8000004E  }
0xb3: {  	_ =	swait.ge [sflag:s29], $0x1  }
0xb4: {  	[sflag:s29] =	ssyncadd.s32 $0xFFFFFFFF  }
0xb5: {  	_ =	strace $0x9000004E  }
0xb6: {  	_ =	sfence  }
0xb7: {  	s30 =	sld [smem:$0x0];
	_ =	sdelay $0x2  }
0xb8: {  	s31 =	sshll.u32 s1, $0xD;
	s1 =	sshrl.u32 s1, $0x2  }
0xb9: {  	s3 =	sand.u32 $0x4000, s31;
	s1 =	sadd.s32 s1, s30  }
0xba: {  	s0 =	sor.u32 s3, s0;
	s1 =	sshll.u32 s1, $0x11  }
0xbb: {  	s0 =	sor.u32 s1, s0  }
0xbc: {  	s0 =	sadd.s32 $0x8F2B, s0  }
0xbd: {  	[sflag:s0] =	ssyncadd.remote.s32 $0x1  }
0xbe: {  	_ =	sfence.sel $0xFFFF  }
0xbf: {  	[dreg:$0x0] =	wrdreg $0xFFFFFFFF;
	(pc) =	sbr.abs _section_cstart, $3  }
0xc0: {  	[dreg:$0x1] =	wrdreg $0xFFFFFFFF  }
0xc1: {  	_ =	task.clear_ibuf [dreg:s6], $0x2FFFF;
	_ =	strace $0x9FFFFFFF  }
0xc2: {  	(tm) =	ssettm $0x7FFFFFFF  }
0xc3: {  	_ =	shalt  }
tec
execute0_lowered:
.L_overlay_start_1:
0x0: {  	(tag) =	ssettag $0x1  }
0x1: {  	s5 =	rddreg [dreg:$0x0]  }
0x2: {  	s0 =	srdreg.scid;
	s2 =	rddreg [dreg:$0x1]  }
0x3: {  	s1 =	stileid.u32;
	s3 =	simm.s32 $0x0;
	s15 =	simm.s32 $0x5  }
0x4: {  	s16 =	simm.s32 $0x6;
	s17 =	simm.s32 $0x7;
	s18 =	simm.s32 $0x8  }
0x5: {  	s19 =	simm.s32 $0x0;
	s6 =	sand.u32 $0x1, s0;
	s0 =	rddreg [dreg:$0x2]  }
0x6: {  	[smem:$0x7FF] =	sst s3;
	s9 =	sadd.s32 $0x22C00, s5;
	s11 =	smul.u32 $0x5000, s1  }
0x7: {  	s12 =	sadd.s32 $0x2CC00, s5;
	s13 =	sadd.s32 $0x36C00, s5;
	s31 =	sshll.u32 s1, $0x6  }
0x8: {  	s4 =	sshll.u32 s6, $0x4;
	_ =	strace $0x8000004D;
	s8 =	ssub.s32 $0x2, s6  }
0x9: {  	p0 =	seq.s32 s6, $0x0;
	s4 =	sor.u32 s1, s4;
	s10 =	sshrl.u32 s8, $0x1  }
0xa: {  	s14 =	sadd.s32 s11, s2;
	s30 =	sshrl.u32 s11, $0x3;
	s13 =	smov.u32 @p0 s12  }
0xb: {  	s12 =	simm.s32 $0x9;
	s4 =	smul.u32 $0x500, s4;
	s8 =	ssub.s32 s8, s10  }
0xc: {  	s10 =	sadd.s32 s13, s30;
	s11 =	sshrl.u32 s14, $0x3;
	s13 =	simm.s32 $0x2800  }
0xd: {  	s14 =	simm.s32 $0x200;
	s7 =	sadd.s32 s4, s5;
	s4 =	sadd.s32 $0x18C00, s5  }
0xe: {  	s5 =	sadd.s32 $0xEC00, s7;
	s6 =	sadd.s32 $0x4C00, s7;
	s9 =	smov.u32 @p0 s4  }
0xf: {  	s7 =	smax.u32 s8, $0x1;
	s8 =	sadd.s32 s9, s30;
	s9 =	sor.u32 $0x1C09, s31  }
.LBB2_1:
0x10: {  	[spmem:s11], [sflag:s9] =	dma.local [hbm:s8], $0xA00  }
0x11: {  	_ =	swait.ge [sflag:s12], $0xA00  }
0x12: {  	[sflag:s12] =	ssyncset.done $0x0  }
0x13: {  	[sflag:s12] =	ssyncadd.s32 $0xFFFFF600  }
0x14: {  	[tilespmem:s3], [sflag:$0x9] =	stream.linear.gather [hbm4b:s5+s3], $0x2800, $0x38;
	[tilespmem:$0x1A000] =	vst v63  }
0x15: {  	_ =	swait.ge [sflag:s12], $0x2800  }
0x16: {  	[sflag:s12] =	ssyncset.done $0x0  }
0x17: {  	[sflag:s12] =	ssyncadd.s32 $0xFFFFD800  }
0x18: {  	[tilespmem:s13], [sflag:$0x9] =	stream.linear.gather [hbm4b:s6+s3], $0x2800, $0x38;
	[tilespmem:$0x1A000] =	vst v63  }
0x19: {  	_ =	swait.ge [sflag:s12], $0x2800  }
0x1a: {  	[sflag:s12] =	ssyncset.done $0x0  }
0x1b: {  	s20 =	simm.s32 $0x2400;
	[sflag:s12] =	ssyncadd.s32 $0xFFFFD800  }
0x1c: {  	s21 =	simm.s32 $0x0;
	s22 =	simm.s32 $0x0;
	[bflag:$0x0] =	sbarrier.arrive $0xFFFF  }
.LBB2_2:
0x1d: {  	p0 =	sgt.u32 s22, $0x13  }
0x1e: {  	p1 =	slt.u32 @!p0 s22, $0x4  }
0x1f: {  	s23 =	sand.u32 $0x3, s22;
	p1 =	por p1, p0  }
0x20: {  	s24 =	sadd.s32 @!p1 $0x5, s23  }
0x21: {  	_ =	swait.ge @!p1 [sflag:s24], $0x4000  }
0x22: {  	[sflag:s24] =	ssyncset.done @!p1 $0x0  }
0x23: {  	[sflag:s24] =	ssyncadd.s32 @!p1 $0xFFFFC000;
	s24 =	sshll.u32 @!p0 s23, $0xE  }
0x24: {  	s25 =	sadd.s32 @!p0 $0x1, s23;
	s26 =	simm.s32 @!p0 $0x200;
	s24 =	sadd.s32 @!p0 $0x5000, s24  }
0x25: {  	[tilespmem:s24], [sflag:s25] =	stream.indirect.gather @!p0 [hbm4b:s4+s26], $0x20, s21, s26, $0xb8;
	[tilespmem:$0x1A000] =	vst v63  }
0x26: {  	s24 =	sadd.s32 @!p0 $0xFFFFFFFE, s22  }
0x27: {  	p1 =	sgt.u32 @!p0 s24, $0x13  }
0x28: {  	p0 =	por p0, !p1  }
0x29: {  	s23 =	sxor.u32 @p0 $0x2, s23  }
0x2a: {  	s24 =	sadd.s32 @p0 $0x1, s23  }
0x2b: {  	_ =	swait.ge @p0 [sflag:s24], $0x4000  }
0x2c: {  	s22 =	sadd.s32 $0x1, s22;
	s25 =	sshll.u32 @p0 s23, $0xE;
	[sflag:s24] =	ssyncset.done @p0 $0x0  }
0x2d: {  	s23 =	sadd.s32 @p0 $0x5, s23;
	s25 =	sadd.s32 @p0 $0x5000, s25;
	[sflag:s24] =	ssyncadd.s32 @p0 $0xFFFFC000  }
0x2e: {  	[spmem:s2] =	stream.indirect.scatter.add.f32 @p0 [tilespmem:s25], [sflag:s23], $0x20, s20, s14, $0xb8;
	[tilespmem:$0x1A000] =	vst v63  }
0x2f: {  	p0 =	sne.s32 s22, $0x16  }
.Ltmp0:
0x30: {  	_ = 	snop;
	(pc) =	sbr.rel @p0 .LBB2_2-.Ltmp0, $2  }
0x31: {  	_ =	sdelay $0x2  }
0x32: {  	s21 =	sadd.s32 $0x200, s21;
	s20 =	sadd.s32 $0x200, s20  }
0x33: {  	_ =	swait.ge [sflag:s15], $0x4000  }
0x34: {  	[sflag:s15] =	ssyncset.done $0x0  }
0x35: {  	[sflag:s15] =	ssyncadd.s32 $0xFFFFC000  }
0x36: {  	_ =	swait.ge [sflag:s16], $0x4000  }
0x37: {  	[sflag:s16] =	ssyncset.done $0x0  }
0x38: {  	[sflag:s16] =	ssyncadd.s32 $0xFFFFC000  }
0x39: {  	_ =	swait.ge [sflag:s17], $0x4000  }
0x3a: {  	[sflag:s17] =	ssyncset.done $0x0  }
0x3b: {  	[sflag:s17] =	ssyncadd.s32 $0xFFFFC000  }
0x3c: {  	_ =	swait.ge [sflag:s18], $0x4000  }
0x3d: {  	s19 =	sadd.s32 $0x1, s19;
	[sflag:s18] =	ssyncset.done $0x0  }
0x3e: {  	p0 =	sne.s32 s19, s7;
	[sflag:s18] =	ssyncadd.s32 $0xFFFFC000  }
.Ltmp1:
0x3f: {  	[bflag:$0x0] =	sbarrier.arrive $0xFFFF;
	(pc) =	sbr.rel @p0 .LBB2_1-.Ltmp1, $4  }
0x40: {  	[hbm:s10], [sflag:s9] =	dma.local [spmem:s11], $0xA00  }
0x41: {  	_ =	swait.ge [sflag:s12], $0xA00  }
0x42: {  	[sflag:s12] =	ssyncset.done $0x0  }
0x43: {  	[sflag:s12] =	ssyncadd.s32 $0xFFFFF600  }
0x44: {  	_ =	sfence.sel $0x180000  }
0x45: {  	[bflag:$0x0] =	sbarrier.arrive $0xFFFF  }
0x46: {  	p0 =	sne.s32 s1, $0x0;
	_ =	strace $0x9000004D  }
0x47: {  	s0 =	sadd.s32 @!p0 $0x100000, s0;
	[bflag:$0x2] =	sbarrier.arrive $0xFFFF  }
0x48: {  	[sflag:s0] =	ssyncadd.tile.s32 @!p0 $0x1;
	_ =	shalt  }
.Lfunc_end2:
_tile_overlayer_lowered:
.L_overlay_start_2:
0x49: {  	(tag) =	ssettag $0x2  }
0x4a: {  	s0 =	rddreg [dreg:$0x0];
	s2 =	stileid.u32  }
0x4b: {  	s1 =	rddreg [dreg:$0x1];
	p0 =	sne.s32 s2, $0x0  }
0x4c: {  	s3 =	rddreg [dreg:$0x2];
	[bflag:$0x3] =	sbarrier.arrive $0xFFFF;
	s2 =	simm.s32 @!p0 $0x1C09  }
0x4d: {  	[timem:s3], [sflag:s2] =	dma.local @!p0 [hbm:s0], s1  }
0x4e: {  	s0 =	simm.s32 @!p0 $0x9  }
0x4f: {  	_ =	swait.ge @!p0 [sflag:s0], s1  }
0x50: {  	s1 =	ssub.s32 @!p0 $0x0, s1;
	[sflag:s0] =	ssyncset.done @!p0 $0x0  }
0x51: {  	[sflag:s0] =	ssyncadd.s32 @!p0 s1  }
0x52: {  	[bflag:$0x3] =	sbarrier.arrive $0xFFFF  }
0x53: {  	_ =	shalt  }

// kernel: kernel.22.cloned.1.call-start
scs
__scs_entry_jumppad:
0x0: {  	(pc) =	sbr.rel $0x88, $3  }
0x1: {  	(tag) =	ssettag $0x0;
	lr =	simm.s32 $0x1  }
0x2: {  	[smem:$0x3F95] =	sst lr;
	_ =	strace $0xD0000000  }
0x3: {  	_ = 	snop  }
0x4: {  	_ = 	snop  }
0x5: {  	_ = 	snop  }
0x6: {  	_ = 	snop  }
0x7: {  	_ = 	snop  }
__scs_overlays_trampoline_lowered:
0x8: {  	[smem:$0x3FA4] =	sst s0  }
0x9: {  	[smem:$0x3FA5] =	sst s1  }
0xa: {  	[smem:$0x3FA6] =	sst s2  }
0xb: {  	[smem:$0x3FA7] =	sst s3  }
0xc: {  	[smem:$0x3FA8] =	sst s4  }
0xd: {  	[smem:$0x3FA9] =	sst s5  }
0xe: {  	[smem:$0x3FAA] =	sst s6  }
0xf: {  	[smem:$0x3FAB] =	sst s7  }
0x10: {  	[smem:$0x3FAC] =	sst s8  }
0x11: {  	[smem:$0x3FAD] =	sst s9;
	s0 =	simm.s32 @!p0 $0x0  }
0x12: {  	s1 =	sld [smem:$0x3F93];
	s0 =	simm.s32 @p0 $0x1  }
0x13: {  	[smem:$0x3FAE] =	sst s0;
	s0 =	simm.s32 @!p1 $0x0  }
0x14: {  	s2 =	sld [smem:$0x3F92];
	s0 =	simm.s32 @p1 $0x1  }
0x15: {  	[smem:$0x3FAF] =	sst s0;
	s0 =	simm.s32 @!p2 $0x0  }
0x16: {  	s3 =	sld [smem:$0x3FDB];
	s0 =	simm.s32 @p2 $0x1  }
0x17: {  	s4 =	simm.s32 $0x1BF5;
	[smem:$0x3FB1] =	sst s0  }
0x18: {  	s0 =	sld [smem:$0x3F94];
	_ =	swait.ge [sflag:s4], $0x0  }
0x19: {  	s7 =	sld [smem:$0x3F95]  }
0x1a: {  	s8 =	sadd.s32 $0xFFFFE003, lr  }
0x1b: {  	s9 =	sadd.s32 $0xFFFFFEF7, lr;
	s5 =	simm.s32 $0xFFFFFFFF;
	p2 =	slt.u32 s8, $0xFFFFF086  }
0x1c: {  	p1 =	slt.u32 s9, $0xF7A;
	s5 =	simm.s32 @!p2 $0x0  }
0x1d: {  	s5 =	simm.s32 @p1 $0x1;
	p0 =	seq.s32 s7, s2  }
0x1e: {  	s7 =	smul.u32 @!p0 $0xF7A, s2;
	p2 =	seq.s32 @!p0 s5, $0x0  }
0x1f: {  	s9 =	smul.u32 $0xF7A, s1;
	s8 =	simm.s32 @!p0 $0x1BF5;
	p2 =	por !p2, p0  }
0x20: {  	[sflag:s8] =	ssyncset.s32 @!p0 $0xFFFFF086;
	s6 =	sadd.s32 @!p0 s3, s7;
	s7 =	simm.s32 @!p0 $0x108  }
0x21: {  	s3 =	sadd.s32 s3, s9;
	s6 =	sadd.s32 @!p0 $0x88, s6;
	s7 =	simm.s32 @p2 $0x1082  }
0x22: {  	[simem:s7], [sflag:s8] =	dma.local @!p0 [hbm:s6], $0xF7A  }
0x23: {  	s9 =	sor.u32 $0xD0000000, s2;
	s6 =	simm.s32 $0x108;
	_ =	swait.ge @!p0 [sflag:s8], $0x0  }
0x24: {  	s3 =	sadd.s32 $0x88, s3;
	s6 =	simm.s32 @!p1 $0x1082;
	[sflag:s4] =	ssyncset.s32 $0xFFFFF086  }
0x25: {  	[simem:s6], [sflag:s4] =	dma.local [hbm:s3], $0xF7A  }
0x26: {  	[smem:$0x3F95] =	sst s1;
	(tag) =	ssettag s2;
	_ =	strace s9  }
0x27: {  	s1 =	sld [smem:$0x3FA5]  }
0x28: {  	s2 =	sld [smem:$0x3FA6]  }
0x29: {  	s4 =	sld [smem:$0x3FA8]  }
0x2a: {  	p0 =	seq.s32 s5, $0x0;
	s5 =	sld [smem:$0x3FA9]  }
0x2b: {  	s6 =	sld [smem:$0x3FAA]  }
0x2c: {  	s7 =	sld [smem:$0x3FAB]  }
0x2d: {  	s3 =	simm.s32 $0x108;
	s8 =	sld [smem:$0x3FAC]  }
0x2e: {  	s3 =	simm.s32 @!p0 $0x1082;
	s9 =	sld [smem:$0x3FAD]  }
0x2f: {  	lr =	sadd.s32 s0, s3;
	s0 =	sld [smem:$0x3FA4]  }
0x30: {  	s3 =	sld [smem:$0x3FA7]  }
0x31: {  	[smem:$0x3FB0] =	sst s10  }
0x32: {  	s10 =	sld [smem:$0x3FAE];
	_ =	sdelay $0x3  }
0x33: {  	p0 =	seq.s32 s10, $0x1;
	s10 =	sld [smem:$0x3FB0];
	_ =	sdelay $0x3  }
0x34: {  	[smem:$0x3FB0] =	sst s10  }
0x35: {  	s10 =	sld [smem:$0x3FAF];
	_ =	sdelay $0x3  }
0x36: {  	p1 =	seq.s32 s10, $0x1;
	s10 =	sld [smem:$0x3FB0];
	_ =	sdelay $0x3  }
0x37: {  	[smem:$0x3FB0] =	sst s10  }
0x38: {  	s10 =	sld [smem:$0x3FB1]  }
0x39: {  	_ = 	snop;
	(pc) =	sbr.ind lr, $3  }
0x3a: {  	_ = 	snop  }
0x3b: {  	_ = 	snop  }
0x3c: {  	p2 =	seq.s32 s10, $0x1;
	s10 =	sld [smem:$0x3FB0]  }
0x3d: {  	_ =	shalt  }
0x3e: {  	_ =	shalt  }
0x3f: {  	_ =	shalt  }
0x40: {  	_ =	shalt  }
0x41: {  	_ =	shalt  }
0x42: {  	_ =	shalt  }
0x43: {  	_ =	shalt  }
0x44: {  	_ =	shalt  }
0x45: {  	_ =	shalt  }
0x46: {  	_ =	shalt  }
0x47: {  	_ =	shalt  }
0x48: {  	_ =	shalt  }
0x49: {  	_ =	shalt  }
0x4a: {  	_ =	shalt  }
0x4b: {  	_ =	shalt  }
0x4c: {  	_ =	shalt  }
0x4d: {  	_ =	shalt  }
0x4e: {  	_ =	shalt  }
0x4f: {  	_ =	shalt  }
0x50: {  	_ =	shalt  }
0x51: {  	_ =	shalt  }
0x52: {  	_ =	shalt  }
0x53: {  	_ =	shalt  }
0x54: {  	_ =	shalt  }
0x55: {  	_ =	shalt  }
0x56: {  	_ =	shalt  }
0x57: {  	_ =	shalt  }
0x58: {  	_ =	shalt  }
0x59: {  	_ =	shalt  }
0x5a: {  	_ =	shalt  }
0x5b: {  	_ =	shalt  }
0x5c: {  	_ =	shalt  }
0x5d: {  	_ =	shalt  }
0x5e: {  	_ =	shalt  }
0x5f: {  	_ =	shalt  }
0x60: {  	_ =	shalt  }
0x61: {  	_ =	shalt  }
0x62: {  	_ =	shalt  }
0x63: {  	_ =	shalt  }
0x64: {  	_ =	shalt  }
0x65: {  	_ =	shalt  }
0x66: {  	_ =	shalt  }
0x67: {  	_ =	shalt  }
0x68: {  	_ =	shalt  }
0x69: {  	_ =	shalt  }
0x6a: {  	_ =	shalt  }
0x6b: {  	_ =	shalt  }
0x6c: {  	_ =	shalt  }
0x6d: {  	_ =	shalt  }
0x6e: {  	_ =	shalt  }
0x6f: {  	_ =	shalt  }
0x70: {  	_ =	shalt  }
0x71: {  	_ =	shalt  }
0x72: {  	_ =	shalt  }
0x73: {  	_ =	shalt  }
0x74: {  	_ =	shalt  }
0x75: {  	_ =	shalt  }
0x76: {  	_ =	shalt  }
0x77: {  	_ =	shalt  }
0x78: {  	_ =	shalt  }
0x79: {  	_ =	shalt  }
0x7a: {  	_ =	shalt  }
0x7b: {  	_ =	shalt  }
0x7c: {  	_ =	shalt  }
0x7d: {  	_ =	shalt  }
0x7e: {  	_ =	shalt  }
0x7f: {  	_ =	shalt  }
0x80: {  	_ =	shalt  }
0x81: {  	_ =	shalt  }
0x82: {  	_ =	shalt  }
0x83: {  	_ =	shalt  }
0x84: {  	_ =	shalt  }
0x85: {  	_ =	shalt  }
0x86: {  	_ =	shalt  }
0x87: {  	_ =	shalt  }
.Lfunc_end0:
.L_simem_size_0:
called_computation.3_lowered:
.L_overlay_start_0:
0x88: {  	s2 =	sld [smem:$0x3FD9]  }
0x89: {  	s3 =	sld [smem:$0x3FFE];
	_ =	sdelay $0x1  }
0x8a: {  	s1 =	srdreg.scid  }
0x8b: {  	s0 =	sand.u32 $0x1, s1  }
0x8c: {  	s16 =	sshll.u32 s0, $0xA;
	s2 =	sadd.s32 s3, s2  }
0x8d: {  	s2 =	sadd.s32 s2, s16  }
0x8e: {  	[smem:$0x3FBC] =	sst s2  }
0x8f: {  	_ = 	snop  }
0x90: {  	(tm) =	ssettm $0x1  }
0x91: {  	s17 =	sld [smem:$0x3FFB];
	_ =	sdelay $0x3  }
0x92: {  	_ =	strace s17  }
0x93: {  	s2 =	sld [smem:$0x3FFC];
	_ =	sdelay $0x3  }
0x94: {  	_ =	strace s2  }
0x95: {  	s2 =	sld [smem:$0x3FFD];
	_ =	sdelay $0x3  }
0x96: {  	_ =	strace s2  }
0x97: {  	_ =	strace $0x8FFFFFFF  }
0x98: {  	s18 =	sld [smem:$0x3FDB];
	_ =	sdelay $0x1  }
0x99: {  	s19 =	simm.s32 $_scs_section_size  }
0x9a: {  	s4 =	simm.s32 $_size__tile_overlayer_lowered;
	s5 =	simm.s32 $_tile_overlayer_lowered  }
0x9b: {  	s22 =	simm.s32 $0x1BFF;
	s21 =	sshll.u32 s5, $0x1;
	s2 =	sadd.s32 s19, s18  }
0x9c: {  	s6 =	simm.s32 $0x0;
	s20 =	sshll.u32 s4, $0x1;
	s4 =	sadd.s32 s21, s2  }
0x9d: {  	[timem:s6], [sflag:s22] =	dma.local [hbm:s4], s20  }
0x9e: {  	_ =	swait.ge [sflag:s22], s20  }
0x9f: {  	s3 =	ssub.s32 $0x0, s20;
	[sflag:s22] =	ssyncset.done $0x0  }
0xa0: {  	[sflag:s22] =	ssyncadd.s32 s3;
	_ =	sdelay $0x1  }
0xa1: {  	s23 =	simm.s32 $0x1B8B  }
0xa2: {  	_ =	swait.ge [sflag:s23], $0x1  }
0xa3: {  	[sflag:s23] =	ssyncset.done $0x0  }
0xa4: {  	s25 =	simm.s32 $0x1B8E;
	s24 =	sld [smem:$0x3FFE];
	[sflag:s23] =	ssyncadd.s32 $0xFFFFFFFF  }
0xa5: {  	s26 =	simm.s32 $execute0_lowered;
	[smem:$0x3FD2] =	sst s25  }
0xa6: {  	s4 =	sshll.u32 s26, $0x1;
	_ =	strace $0x8000004F;
	[dreg:$0x1] =	wrdreg $0xFFFFFFFF  }
0xa7: {  	s28 =	simm.s32 $_size_execute0_lowered;
	s2 =	sadd.s32 s2, s4;
	[dreg:$0x0] =	wrdreg $0x0  }
0xa8: {  	s4 =	sshll.u32 s28, $0x1;
	[dreg:$0x2] =	wrdreg s2  }
0xa9: {  	[dreg:$0x3] =	wrdreg s4  }
0xaa: {  	[dreg:$0x4] =	wrdreg $0xC0  }
0xab: {  	_ =	task [dreg:s6], $0x5FFFF  }
0xac: {  	[dreg:$0x1] =	wrdreg $0xFFFFFFFF  }
0xad: {  	[dreg:$0x0] =	wrdreg $0x60  }
0xae: {  	[dreg:$0x2] =	wrdreg s24  }
0xaf: {  	[dreg:$0x3] =	wrdreg $0x150000  }
0xb0: {  	[dreg:$0x4] =	wrdreg $0x9  }
0xb1: {  	_ =	task.clear_ibuf [dreg:s6], $0x5FFFF;
	_ =	strace $0x9000004F  }
0xb2: {  	s29 =	simm.s32 $0x9;
	_ =	strace $0x80000051  }
0xb3: {  	_ =	swait.ge [sflag:s29], $0x1  }
0xb4: {  	[sflag:s29] =	ssyncadd.s32 $0xFFFFFFFF  }
0xb5: {  	_ =	strace $0x90000051  }
0xb6: {  	_ =	sfence  }
0xb7: {  	s30 =	sld [smem:$0x0];
	_ =	sdelay $0x2  }
0xb8: {  	s31 =	sshll.u32 s1, $0xD;
	s1 =	sshrl.u32 s1, $0x2  }
0xb9: {  	s3 =	sand.u32 $0x4000, s31;
	s1 =	sadd.s32 s1, s30  }
0xba: {  	s0 =	sor.u32 s3, s0;
	s1 =	sshll.u32 s1, $0x11  }
0xbb: {  	s0 =	sor.u32 s1, s0  }
0xbc: {  	s0 =	sadd.s32 $0x8F2B, s0  }
0xbd: {  	[sflag:s0] =	ssyncadd.remote.s32 $0x1  }
0xbe: {  	_ =	sfence.sel $0xFFFF  }
0xbf: {  	[dreg:$0x0] =	wrdreg $0xFFFFFFFF;
	(pc) =	sbr.abs _section_cstart, $3  }
0xc0: {  	[dreg:$0x1] =	wrdreg $0xFFFFFFFF  }
0xc1: {  	_ =	task.clear_ibuf [dreg:s6], $0x2FFFF;
	_ =	strace $0x9FFFFFFF  }
0xc2: {  	(tm) =	ssettm $0x7FFFFFFF  }
0xc3: {  	_ =	shalt  }
tec
execute0_lowered:
.L_overlay_start_1:
0x0: {  	(tag) =	ssettag $0x1  }
0x1: {  	s5 =	rddreg [dreg:$0x0]  }
0x2: {  	s0 =	srdreg.scid;
	s2 =	rddreg [dreg:$0x1]  }
0x3: {  	s1 =	stileid.u32;
	s3 =	simm.s32 $0x0;
	s15 =	simm.s32 $0x5  }
0x4: {  	s16 =	simm.s32 $0x6;
	s17 =	simm.s32 $0x7;
	s18 =	simm.s32 $0x8  }
0x5: {  	s19 =	simm.s32 $0x0;
	s6 =	sand.u32 $0x1, s0;
	s0 =	rddreg [dreg:$0x2]  }
0x6: {  	[smem:$0x7FF] =	sst s3;
	s9 =	sadd.s32 $0x22C00, s5;
	s11 =	smul.u32 $0x5000, s1  }
0x7: {  	s12 =	sadd.s32 $0x2CC00, s5;
	s13 =	sadd.s32 $0x36C00, s5;
	s31 =	sshll.u32 s1, $0x6  }
0x8: {  	s4 =	sshll.u32 s6, $0x4;
	_ =	strace $0x80000050;
	s8 =	ssub.s32 $0x2, s6  }
0x9: {  	p0 =	seq.s32 s6, $0x0;
	s4 =	sor.u32 s1, s4;
	s10 =	sshrl.u32 s8, $0x1  }
0xa: {  	s14 =	sadd.s32 s11, s2;
	s30 =	sshrl.u32 s11, $0x3;
	s13 =	smov.u32 @p0 s12  }
0xb: {  	s12 =	simm.s32 $0x9;
	s4 =	smul.u32 $0x500, s4;
	s8 =	ssub.s32 s8, s10  }
0xc: {  	s10 =	sadd.s32 s13, s30;
	s11 =	sshrl.u32 s14, $0x3;
	s13 =	simm.s32 $0x2800  }
0xd: {  	s14 =	simm.s32 $0x200;
	s7 =	sadd.s32 s4, s5;
	s4 =	sadd.s32 $0x18C00, s5  }
0xe: {  	s5 =	sadd.s32 $0xEC00, s7;
	s6 =	sadd.s32 $0x4C00, s7;
	s9 =	smov.u32 @p0 s4  }
0xf: {  	s7 =	smax.u32 s8, $0x1;
	s8 =	sadd.s32 s9, s30;
	s9 =	sor.u32 $0x1C09, s31  }
.LBB2_1:
0x10: {  	[spmem:s11], [sflag:s9] =	dma.local [hbm:s8], $0xA00  }
0x11: {  	_ =	swait.ge [sflag:s12], $0xA00  }
0x12: {  	[sflag:s12] =	ssyncset.done $0x0  }
0x13: {  	[sflag:s12] =	ssyncadd.s32 $0xFFFFF600  }
0x14: {  	[tilespmem:s3], [sflag:$0x9] =	stream.linear.gather [hbm4b:s5+s3], $0x2800, $0x38;
	[tilespmem:$0x1A000] =	vst v63  }
0x15: {  	_ =	swait.ge [sflag:s12], $0x2800  }
0x16: {  	[sflag:s12] =	ssyncset.done $0x0  }
0x17: {  	[sflag:s12] =	ssyncadd.s32 $0xFFFFD800  }
0x18: {  	[tilespmem:s13], [sflag:$0x9] =	stream.linear.gather [hbm4b:s6+s3], $0x2800, $0x38;
	[tilespmem:$0x1A000] =	vst v63  }
0x19: {  	_ =	swait.ge [sflag:s12], $0x2800  }
0x1a: {  	[sflag:s12] =	ssyncset.done $0x0  }
0x1b: {  	s20 =	simm.s32 $0x2400;
	[sflag:s12] =	ssyncadd.s32 $0xFFFFD800  }
0x1c: {  	s21 =	simm.s32 $0x0;
	s22 =	simm.s32 $0x0;
	[bflag:$0x0] =	sbarrier.arrive $0xFFFF  }
.LBB2_2:
0x1d: {  	p0 =	sgt.u32 s22, $0x13  }
0x1e: {  	p1 =	slt.u32 @!p0 s22, $0x4  }
0x1f: {  	s23 =	sand.u32 $0x3, s22;
	p1 =	por p1, p0  }
0x20: {  	s24 =	sadd.s32 @!p1 $0x5, s23  }
0x21: {  	_ =	swait.ge @!p1 [sflag:s24], $0x4000  }
0x22: {  	[sflag:s24] =	ssyncset.done @!p1 $0x0  }
0x23: {  	[sflag:s24] =	ssyncadd.s32 @!p1 $0xFFFFC000;
	s24 =	sshll.u32 @!p0 s23, $0xE  }
0x24: {  	s25 =	sadd.s32 @!p0 $0x1, s23;
	s26 =	simm.s32 @!p0 $0x200;
	s24 =	sadd.s32 @!p0 $0x5000, s24  }
0x25: {  	[tilespmem:s24], [sflag:s25] =	stream.indirect.gather @!p0 [hbm4b:s4+s26], $0x20, s21, s26, $0xb8;
	[tilespmem:$0x1A000] =	vst v63  }
0x26: {  	s24 =	sadd.s32 @!p0 $0xFFFFFFFE, s22  }
0x27: {  	p1 =	sgt.u32 @!p0 s24, $0x13  }
0x28: {  	p0 =	por p0, !p1  }
0x29: {  	s23 =	sxor.u32 @p0 $0x2, s23  }
0x2a: {  	s24 =	sadd.s32 @p0 $0x1, s23  }
0x2b: {  	_ =	swait.ge @p0 [sflag:s24], $0x4000  }
0x2c: {  	s22 =	sadd.s32 $0x1, s22;
	s25 =	sshll.u32 @p0 s23, $0xE;
	[sflag:s24] =	ssyncset.done @p0 $0x0  }
0x2d: {  	s23 =	sadd.s32 @p0 $0x5, s23;
	s25 =	sadd.s32 @p0 $0x5000, s25;
	[sflag:s24] =	ssyncadd.s32 @p0 $0xFFFFC000  }
0x2e: {  	[spmem:s2] =	stream.indirect.scatter.add.f32 @p0 [tilespmem:s25], [sflag:s23], $0x20, s20, s14, $0xb8;
	[tilespmem:$0x1A000] =	vst v63  }
0x2f: {  	p0 =	sne.s32 s22, $0x16  }
.Ltmp0:
0x30: {  	_ = 	snop;
	(pc) =	sbr.rel @p0 .LBB2_2-.Ltmp0, $2  }
0x31: {  	_ =	sdelay $0x2  }
0x32: {  	s21 =	sadd.s32 $0x200, s21;
	s20 =	sadd.s32 $0x200, s20  }
0x33: {  	_ =	swait.ge [sflag:s15], $0x4000  }
0x34: {  	[sflag:s15] =	ssyncset.done $0x0  }
0x35: {  	[sflag:s15] =	ssyncadd.s32 $0xFFFFC000  }
0x36: {  	_ =	swait.ge [sflag:s16], $0x4000  }
0x37: {  	[sflag:s16] =	ssyncset.done $0x0  }
0x38: {  	[sflag:s16] =	ssyncadd.s32 $0xFFFFC000  }
0x39: {  	_ =	swait.ge [sflag:s17], $0x4000  }
0x3a: {  	[sflag:s17] =	ssyncset.done $0x0  }
0x3b: {  	[sflag:s17] =	ssyncadd.s32 $0xFFFFC000  }
0x3c: {  	_ =	swait.ge [sflag:s18], $0x4000  }
0x3d: {  	s19 =	sadd.s32 $0x1, s19;
	[sflag:s18] =	ssyncset.done $0x0  }
0x3e: {  	p0 =	sne.s32 s19, s7;
	[sflag:s18] =	ssyncadd.s32 $0xFFFFC000  }
.Ltmp1:
0x3f: {  	[bflag:$0x0] =	sbarrier.arrive $0xFFFF;
	(pc) =	sbr.rel @p0 .LBB2_1-.Ltmp1, $4  }
0x40: {  	[hbm:s10], [sflag:s9] =	dma.local [spmem:s11], $0xA00  }
0x41: {  	_ =	swait.ge [sflag:s12], $0xA00  }
0x42: {  	[sflag:s12] =	ssyncset.done $0x0  }
0x43: {  	[sflag:s12] =	ssyncadd.s32 $0xFFFFF600  }
0x44: {  	_ =	sfence.sel $0x180000  }
0x45: {  	[bflag:$0x0] =	sbarrier.arrive $0xFFFF  }
0x46: {  	p0 =	sne.s32 s1, $0x0;
	_ =	strace $0x90000050  }
0x47: {  	s0 =	sadd.s32 @!p0 $0x100000, s0;
	[bflag:$0x2] =	sbarrier.arrive $0xFFFF  }
0x48: {  	[sflag:s0] =	ssyncadd.tile.s32 @!p0 $0x1;
	_ =	shalt  }
.Lfunc_end2:
_tile_overlayer_lowered:
.L_overlay_start_2:
0x49: {  	(tag) =	ssettag $0x2  }
0x4a: {  	s0 =	rddreg [dreg:$0x0];
	s2 =	stileid.u32  }
0x4b: {  	s1 =	rddreg [dreg:$0x1];
	p0 =	sne.s32 s2, $0x0  }
0x4c: {  	s3 =	rddreg [dreg:$0x2];
	[bflag:$0x3] =	sbarrier.arrive $0xFFFF;
	s2 =	simm.s32 @!p0 $0x1C09  }
0x4d: {  	[timem:s3], [sflag:s2] =	dma.local @!p0 [hbm:s0], s1  }
0x4e: {  	s0 =	simm.s32 @!p0 $0x9  }
0x4f: {  	_ =	swait.ge @!p0 [sflag:s0], s1  }
0x50: {  	s1 =	ssub.s32 @!p0 $0x0, s1;
	[sflag:s0] =	ssyncset.done @!p0 $0x0  }
0x51: {  	[sflag:s0] =	ssyncadd.s32 @!p0 s1  }
0x52: {  	[bflag:$0x3] =	sbarrier.arrive $0xFFFF  }
0x53: {  	_ =	shalt  }

// kernel: kernel.25.cloned.1.call-start
scs
__scs_entry_jumppad:
0x0: {  	(pc) =	sbr.rel $0x88, $3  }
0x1: {  	(tag) =	ssettag $0x0;
	lr =	simm.s32 $0x1  }
0x2: {  	[smem:$0x3F95] =	sst lr;
	_ =	strace $0xD0000000  }
0x3: {  	_ = 	snop  }
0x4: {  	_ = 	snop  }
0x5: {  	_ = 	snop  }
0x6: {  	_ = 	snop  }
0x7: {  	_ = 	snop  }
__scs_overlays_trampoline_lowered:
0x8: {  	[smem:$0x3FA4] =	sst s0  }
0x9: {  	[smem:$0x3FA5] =	sst s1  }
0xa: {  	[smem:$0x3FA6] =	sst s2  }
0xb: {  	[smem:$0x3FA7] =	sst s3  }
0xc: {  	[smem:$0x3FA8] =	sst s4  }
0xd: {  	[smem:$0x3FA9] =	sst s5  }
0xe: {  	[smem:$0x3FAA] =	sst s6  }
0xf: {  	[smem:$0x3FAB] =	sst s7  }
0x10: {  	[smem:$0x3FAC] =	sst s8  }
0x11: {  	[smem:$0x3FAD] =	sst s9;
	s0 =	simm.s32 @!p0 $0x0  }
0x12: {  	s1 =	sld [smem:$0x3F93];
	s0 =	simm.s32 @p0 $0x1  }
0x13: {  	[smem:$0x3FAE] =	sst s0;
	s0 =	simm.s32 @!p1 $0x0  }
0x14: {  	s2 =	sld [smem:$0x3F92];
	s0 =	simm.s32 @p1 $0x1  }
0x15: {  	[smem:$0x3FAF] =	sst s0;
	s0 =	simm.s32 @!p2 $0x0  }
0x16: {  	s3 =	sld [smem:$0x3FDB];
	s0 =	simm.s32 @p2 $0x1  }
0x17: {  	s4 =	simm.s32 $0x1BF5;
	[smem:$0x3FB1] =	sst s0  }
0x18: {  	s0 =	sld [smem:$0x3F94];
	_ =	swait.ge [sflag:s4], $0x0  }
0x19: {  	s7 =	sld [smem:$0x3F95]  }
0x1a: {  	s8 =	sadd.s32 $0xFFFFE003, lr  }
0x1b: {  	s9 =	sadd.s32 $0xFFFFFEF7, lr;
	s5 =	simm.s32 $0xFFFFFFFF;
	p2 =	slt.u32 s8, $0xFFFFF086  }
0x1c: {  	p1 =	slt.u32 s9, $0xF7A;
	s5 =	simm.s32 @!p2 $0x0  }
0x1d: {  	s5 =	simm.s32 @p1 $0x1;
	p0 =	seq.s32 s7, s2  }
0x1e: {  	s7 =	smul.u32 @!p0 $0xF7A, s2;
	p2 =	seq.s32 @!p0 s5, $0x0  }
0x1f: {  	s9 =	smul.u32 $0xF7A, s1;
	s8 =	simm.s32 @!p0 $0x1BF5;
	p2 =	por !p2, p0  }
0x20: {  	[sflag:s8] =	ssyncset.s32 @!p0 $0xFFFFF086;
	s6 =	sadd.s32 @!p0 s3, s7;
	s7 =	simm.s32 @!p0 $0x108  }
0x21: {  	s3 =	sadd.s32 s3, s9;
	s6 =	sadd.s32 @!p0 $0x88, s6;
	s7 =	simm.s32 @p2 $0x1082  }
0x22: {  	[simem:s7], [sflag:s8] =	dma.local @!p0 [hbm:s6], $0xF7A  }
0x23: {  	s9 =	sor.u32 $0xD0000000, s2;
	s6 =	simm.s32 $0x108;
	_ =	swait.ge @!p0 [sflag:s8], $0x0  }
0x24: {  	s3 =	sadd.s32 $0x88, s3;
	s6 =	simm.s32 @!p1 $0x1082;
	[sflag:s4] =	ssyncset.s32 $0xFFFFF086  }
0x25: {  	[simem:s6], [sflag:s4] =	dma.local [hbm:s3], $0xF7A  }
0x26: {  	[smem:$0x3F95] =	sst s1;
	(tag) =	ssettag s2;
	_ =	strace s9  }
0x27: {  	s1 =	sld [smem:$0x3FA5]  }
0x28: {  	s2 =	sld [smem:$0x3FA6]  }
0x29: {  	s4 =	sld [smem:$0x3FA8]  }
0x2a: {  	p0 =	seq.s32 s5, $0x0;
	s5 =	sld [smem:$0x3FA9]  }
0x2b: {  	s6 =	sld [smem:$0x3FAA]  }
0x2c: {  	s7 =	sld [smem:$0x3FAB]  }
0x2d: {  	s3 =	simm.s32 $0x108;
	s8 =	sld [smem:$0x3FAC]  }
0x2e: {  	s3 =	simm.s32 @!p0 $0x1082;
	s9 =	sld [smem:$0x3FAD]  }
0x2f: {  	lr =	sadd.s32 s0, s3;
	s0 =	sld [smem:$0x3FA4]  }
0x30: {  	s3 =	sld [smem:$0x3FA7]  }
0x31: {  	[smem:$0x3FB0] =	sst s10  }
0x32: {  	s10 =	sld [smem:$0x3FAE];
	_ =	sdelay $0x3  }
0x33: {  	p0 =	seq.s32 s10, $0x1;
	s10 =	sld [smem:$0x3FB0];
	_ =	sdelay $0x3  }
0x34: {  	[smem:$0x3FB0] =	sst s10  }
0x35: {  	s10 =	sld [smem:$0x3FAF];
	_ =	sdelay $0x3  }
0x36: {  	p1 =	seq.s32 s10, $0x1;
	s10 =	sld [smem:$0x3FB0];
	_ =	sdelay $0x3  }
0x37: {  	[smem:$0x3FB0] =	sst s10  }
0x38: {  	s10 =	sld [smem:$0x3FB1]  }
0x39: {  	_ = 	snop;
	(pc) =	sbr.ind lr, $3  }
0x3a: {  	_ = 	snop  }
0x3b: {  	_ = 	snop  }
0x3c: {  	p2 =	seq.s32 s10, $0x1;
	s10 =	sld [smem:$0x3FB0]  }
0x3d: {  	_ =	shalt  }
0x3e: {  	_ =	shalt  }
0x3f: {  	_ =	shalt  }
0x40: {  	_ =	shalt  }
0x41: {  	_ =	shalt  }
0x42: {  	_ =	shalt  }
0x43: {  	_ =	shalt  }
0x44: {  	_ =	shalt  }
0x45: {  	_ =	shalt  }
0x46: {  	_ =	shalt  }
0x47: {  	_ =	shalt  }
0x48: {  	_ =	shalt  }
0x49: {  	_ =	shalt  }
0x4a: {  	_ =	shalt  }
0x4b: {  	_ =	shalt  }
0x4c: {  	_ =	shalt  }
0x4d: {  	_ =	shalt  }
0x4e: {  	_ =	shalt  }
0x4f: {  	_ =	shalt  }
0x50: {  	_ =	shalt  }
0x51: {  	_ =	shalt  }
0x52: {  	_ =	shalt  }
0x53: {  	_ =	shalt  }
0x54: {  	_ =	shalt  }
0x55: {  	_ =	shalt  }
0x56: {  	_ =	shalt  }
0x57: {  	_ =	shalt  }
0x58: {  	_ =	shalt  }
0x59: {  	_ =	shalt  }
0x5a: {  	_ =	shalt  }
0x5b: {  	_ =	shalt  }
0x5c: {  	_ =	shalt  }
0x5d: {  	_ =	shalt  }
0x5e: {  	_ =	shalt  }
0x5f: {  	_ =	shalt  }
0x60: {  	_ =	shalt  }
0x61: {  	_ =	shalt  }
0x62: {  	_ =	shalt  }
0x63: {  	_ =	shalt  }
0x64: {  	_ =	shalt  }
0x65: {  	_ =	shalt  }
0x66: {  	_ =	shalt  }
0x67: {  	_ =	shalt  }
0x68: {  	_ =	shalt  }
0x69: {  	_ =	shalt  }
0x6a: {  	_ =	shalt  }
0x6b: {  	_ =	shalt  }
0x6c: {  	_ =	shalt  }
0x6d: {  	_ =	shalt  }
0x6e: {  	_ =	shalt  }
0x6f: {  	_ =	shalt  }
0x70: {  	_ =	shalt  }
0x71: {  	_ =	shalt  }
0x72: {  	_ =	shalt  }
0x73: {  	_ =	shalt  }
0x74: {  	_ =	shalt  }
0x75: {  	_ =	shalt  }
0x76: {  	_ =	shalt  }
0x77: {  	_ =	shalt  }
0x78: {  	_ =	shalt  }
0x79: {  	_ =	shalt  }
0x7a: {  	_ =	shalt  }
0x7b: {  	_ =	shalt  }
0x7c: {  	_ =	shalt  }
0x7d: {  	_ =	shalt  }
0x7e: {  	_ =	shalt  }
0x7f: {  	_ =	shalt  }
0x80: {  	_ =	shalt  }
0x81: {  	_ =	shalt  }
0x82: {  	_ =	shalt  }
0x83: {  	_ =	shalt  }
0x84: {  	_ =	shalt  }
0x85: {  	_ =	shalt  }
0x86: {  	_ =	shalt  }
0x87: {  	_ =	shalt  }
.Lfunc_end0:
.L_simem_size_0:
called_computation.4_lowered:
.L_overlay_start_0:
0x88: {  	s2 =	sld [smem:$0x3FD9]  }
0x89: {  	s3 =	sld [smem:$0x3FFE];
	_ =	sdelay $0x1  }
0x8a: {  	s1 =	srdreg.scid  }
0x8b: {  	s0 =	sand.u32 $0x1, s1  }
0x8c: {  	s16 =	sshll.u32 s0, $0xA;
	s2 =	sadd.s32 s3, s2  }
0x8d: {  	s2 =	sadd.s32 s2, s16  }
0x8e: {  	[smem:$0x3FBC] =	sst s2  }
0x8f: {  	_ = 	snop  }
0x90: {  	(tm) =	ssettm $0x1  }
0x91: {  	s17 =	sld [smem:$0x3FFB];
	_ =	sdelay $0x3  }
0x92: {  	_ =	strace s17  }
0x93: {  	s2 =	sld [smem:$0x3FFC];
	_ =	sdelay $0x3  }
0x94: {  	_ =	strace s2  }
0x95: {  	s2 =	sld [smem:$0x3FFD];
	_ =	sdelay $0x3  }
0x96: {  	_ =	strace s2  }
0x97: {  	_ =	strace $0x8FFFFFFF  }
0x98: {  	s18 =	sld [smem:$0x3FDB];
	_ =	sdelay $0x1  }
0x99: {  	s19 =	simm.s32 $_scs_section_size  }
0x9a: {  	s4 =	simm.s32 $_size__tile_overlayer_lowered;
	s5 =	simm.s32 $_tile_overlayer_lowered  }
0x9b: {  	s22 =	simm.s32 $0x1BFF;
	s21 =	sshll.u32 s5, $0x1;
	s2 =	sadd.s32 s19, s18  }
0x9c: {  	s6 =	simm.s32 $0x0;
	s20 =	sshll.u32 s4, $0x1;
	s4 =	sadd.s32 s21, s2  }
0x9d: {  	[timem:s6], [sflag:s22] =	dma.local [hbm:s4], s20  }
0x9e: {  	_ =	swait.ge [sflag:s22], s20  }
0x9f: {  	s3 =	ssub.s32 $0x0, s20;
	[sflag:s22] =	ssyncset.done $0x0  }
0xa0: {  	[sflag:s22] =	ssyncadd.s32 s3;
	_ =	sdelay $0x1  }
0xa1: {  	s23 =	simm.s32 $0x1B8B  }
0xa2: {  	_ =	swait.ge [sflag:s23], $0x1  }
0xa3: {  	[sflag:s23] =	ssyncset.done $0x0  }
0xa4: {  	s25 =	simm.s32 $0x1B8E;
	s24 =	sld [smem:$0x3FFE];
	[sflag:s23] =	ssyncadd.s32 $0xFFFFFFFF  }
0xa5: {  	s26 =	simm.s32 $execute0_lowered;
	[smem:$0x3FD2] =	sst s25  }
0xa6: {  	s4 =	sshll.u32 s26, $0x1;
	_ =	strace $0x80000052;
	[dreg:$0x1] =	wrdreg $0xFFFFFFFF  }
0xa7: {  	s28 =	simm.s32 $_size_execute0_lowered;
	s2 =	sadd.s32 s2, s4;
	[dreg:$0x0] =	wrdreg $0x0  }
0xa8: {  	s4 =	sshll.u32 s28, $0x1;
	[dreg:$0x2] =	wrdreg s2  }
0xa9: {  	[dreg:$0x3] =	wrdreg s4  }
0xaa: {  	[dreg:$0x4] =	wrdreg $0xC0  }
0xab: {  	_ =	task [dreg:s6], $0x5FFFF  }
0xac: {  	[dreg:$0x1] =	wrdreg $0xFFFFFFFF  }
0xad: {  	[dreg:$0x0] =	wrdreg $0x60  }
0xae: {  	[dreg:$0x2] =	wrdreg s24  }
0xaf: {  	[dreg:$0x3] =	wrdreg $0x150000  }
0xb0: {  	[dreg:$0x4] =	wrdreg $0x9  }
0xb1: {  	_ =	task.clear_ibuf [dreg:s6], $0x5FFFF;
	_ =	strace $0x90000052  }
0xb2: {  	s29 =	simm.s32 $0x9;
	_ =	strace $0x80000054  }
0xb3: {  	_ =	swait.ge [sflag:s29], $0x1  }
0xb4: {  	[sflag:s29] =	ssyncadd.s32 $0xFFFFFFFF  }
0xb5: {  	_ =	strace $0x90000054  }
0xb6: {  	_ =	sfence  }
0xb7: {  	s30 =	sld [smem:$0x0];
	_ =	sdelay $0x2  }
0xb8: {  	s31 =	sshll.u32 s1, $0xD;
	s1 =	sshrl.u32 s1, $0x2  }
0xb9: {  	s3 =	sand.u32 $0x4000, s31;
	s1 =	sadd.s32 s1, s30  }
0xba: {  	s0 =	sor.u32 s3, s0;
	s1 =	sshll.u32 s1, $0x11  }
0xbb: {  	s0 =	sor.u32 s1, s0  }
0xbc: {  	s0 =	sadd.s32 $0x8F2B, s0  }
0xbd: {  	[sflag:s0] =	ssyncadd.remote.s32 $0x1  }
0xbe: {  	_ =	sfence.sel $0xFFFF  }
0xbf: {  	[dreg:$0x0] =	wrdreg $0xFFFFFFFF;
	(pc) =	sbr.abs _section_cstart, $3  }
0xc0: {  	[dreg:$0x1] =	wrdreg $0xFFFFFFFF  }
0xc1: {  	_ =	task.clear_ibuf [dreg:s6], $0x2FFFF;
	_ =	strace $0x9FFFFFFF  }
0xc2: {  	(tm) =	ssettm $0x7FFFFFFF  }
0xc3: {  	_ =	shalt  }
tec
execute0_lowered:
.L_overlay_start_1:
0x0: {  	(tag) =	ssettag $0x1  }
0x1: {  	s5 =	rddreg [dreg:$0x0]  }
0x2: {  	s0 =	srdreg.scid;
	s2 =	rddreg [dreg:$0x1]  }
0x3: {  	s1 =	stileid.u32;
	s3 =	simm.s32 $0x0;
	s15 =	simm.s32 $0x5  }
0x4: {  	s16 =	simm.s32 $0x6;
	s17 =	simm.s32 $0x7;
	s18 =	simm.s32 $0x8  }
0x5: {  	s19 =	simm.s32 $0x0;
	s6 =	sand.u32 $0x1, s0;
	s0 =	rddreg [dreg:$0x2]  }
0x6: {  	[smem:$0x7FF] =	sst s3;
	s9 =	sadd.s32 $0x22C00, s5;
	s11 =	smul.u32 $0x5000, s1  }
0x7: {  	s12 =	sadd.s32 $0x2CC00, s5;
	s13 =	sadd.s32 $0x36C00, s5;
	s31 =	sshll.u32 s1, $0x6  }
0x8: {  	s4 =	sshll.u32 s6, $0x4;
	_ =	strace $0x80000053;
	s8 =	ssub.s32 $0x2, s6  }
0x9: {  	p0 =	seq.s32 s6, $0x0;
	s4 =	sor.u32 s1, s4;
	s10 =	sshrl.u32 s8, $0x1  }
0xa: {  	s14 =	sadd.s32 s11, s2;
	s30 =	sshrl.u32 s11, $0x3;
	s13 =	smov.u32 @p0 s12  }
0xb: {  	s12 =	simm.s32 $0x9;
	s4 =	smul.u32 $0x500, s4;
	s8 =	ssub.s32 s8, s10  }
0xc: {  	s10 =	sadd.s32 s13, s30;
	s11 =	sshrl.u32 s14, $0x3;
	s13 =	simm.s32 $0x2800  }
0xd: {  	s14 =	simm.s32 $0x200;
	s7 =	sadd.s32 s4, s5;
	s4 =	sadd.s32 $0x18C00, s5  }
0xe: {  	s5 =	sadd.s32 $0xEC00, s7;
	s6 =	sadd.s32 $0x4C00, s7;
	s9 =	smov.u32 @p0 s4  }
0xf: {  	s7 =	smax.u32 s8, $0x1;
	s8 =	sadd.s32 s9, s30;
	s9 =	sor.u32 $0x1C09, s31  }
.LBB2_1:
0x10: {  	[spmem:s11], [sflag:s9] =	dma.local [hbm:s8], $0xA00  }
0x11: {  	_ =	swait.ge [sflag:s12], $0xA00  }
0x12: {  	[sflag:s12] =	ssyncset.done $0x0  }
0x13: {  	[sflag:s12] =	ssyncadd.s32 $0xFFFFF600  }
0x14: {  	[tilespmem:s3], [sflag:$0x9] =	stream.linear.gather [hbm4b:s5+s3], $0x2800, $0x38;
	[tilespmem:$0x1A000] =	vst v63  }
0x15: {  	_ =	swait.ge [sflag:s12], $0x2800  }
0x16: {  	[sflag:s12] =	ssyncset.done $0x0  }
0x17: {  	[sflag:s12] =	ssyncadd.s32 $0xFFFFD800  }
0x18: {  	[tilespmem:s13], [sflag:$0x9] =	stream.linear.gather [hbm4b:s6+s3], $0x2800, $0x38;
	[tilespmem:$0x1A000] =	vst v63  }
0x19: {  	_ =	swait.ge [sflag:s12], $0x2800  }
0x1a: {  	[sflag:s12] =	ssyncset.done $0x0  }
0x1b: {  	s20 =	simm.s32 $0x2400;
	[sflag:s12] =	ssyncadd.s32 $0xFFFFD800  }
0x1c: {  	s21 =	simm.s32 $0x0;
	s22 =	simm.s32 $0x0;
	[bflag:$0x0] =	sbarrier.arrive $0xFFFF  }
.LBB2_2:
0x1d: {  	p0 =	sgt.u32 s22, $0x13  }
0x1e: {  	p1 =	slt.u32 @!p0 s22, $0x4  }
0x1f: {  	s23 =	sand.u32 $0x3, s22;
	p1 =	por p1, p0  }
0x20: {  	s24 =	sadd.s32 @!p1 $0x5, s23  }
0x21: {  	_ =	swait.ge @!p1 [sflag:s24], $0x4000  }
0x22: {  	[sflag:s24] =	ssyncset.done @!p1 $0x0  }
0x23: {  	[sflag:s24] =	ssyncadd.s32 @!p1 $0xFFFFC000;
	s24 =	sshll.u32 @!p0 s23, $0xE  }
0x24: {  	s25 =	sadd.s32 @!p0 $0x1, s23;
	s26 =	simm.s32 @!p0 $0x200;
	s24 =	sadd.s32 @!p0 $0x5000, s24  }
0x25: {  	[tilespmem:s24], [sflag:s25] =	stream.indirect.gather @!p0 [hbm4b:s4+s26], $0x20, s21, s26, $0xb8;
	[tilespmem:$0x1A000] =	vst v63  }
0x26: {  	s24 =	sadd.s32 @!p0 $0xFFFFFFFE, s22  }
0x27: {  	p1 =	sgt.u32 @!p0 s24, $0x13  }
0x28: {  	p0 =	por p0, !p1  }
0x29: {  	s23 =	sxor.u32 @p0 $0x2, s23  }
0x2a: {  	s24 =	sadd.s32 @p0 $0x1, s23  }
0x2b: {  	_ =	swait.ge @p0 [sflag:s24], $0x4000  }
0x2c: {  	s22 =	sadd.s32 $0x1, s22;
	s25 =	sshll.u32 @p0 s23, $0xE;
	[sflag:s24] =	ssyncset.done @p0 $0x0  }
0x2d: {  	s23 =	sadd.s32 @p0 $0x5, s23;
	s25 =	sadd.s32 @p0 $0x5000, s25;
	[sflag:s24] =	ssyncadd.s32 @p0 $0xFFFFC000  }
0x2e: {  	[spmem:s2] =	stream.indirect.scatter.add.f32 @p0 [tilespmem:s25], [sflag:s23], $0x20, s20, s14, $0xb8;
	[tilespmem:$0x1A000] =	vst v63  }
0x2f: {  	p0 =	sne.s32 s22, $0x16  }
.Ltmp0:
0x30: {  	_ = 	snop;
	(pc) =	sbr.rel @p0 .LBB2_2-.Ltmp0, $2  }
0x31: {  	_ =	sdelay $0x2  }
0x32: {  	s21 =	sadd.s32 $0x200, s21;
	s20 =	sadd.s32 $0x200, s20  }
0x33: {  	_ =	swait.ge [sflag:s15], $0x4000  }
0x34: {  	[sflag:s15] =	ssyncset.done $0x0  }
0x35: {  	[sflag:s15] =	ssyncadd.s32 $0xFFFFC000  }
0x36: {  	_ =	swait.ge [sflag:s16], $0x4000  }
0x37: {  	[sflag:s16] =	ssyncset.done $0x0  }
0x38: {  	[sflag:s16] =	ssyncadd.s32 $0xFFFFC000  }
0x39: {  	_ =	swait.ge [sflag:s17], $0x4000  }
0x3a: {  	[sflag:s17] =	ssyncset.done $0x0  }
0x3b: {  	[sflag:s17] =	ssyncadd.s32 $0xFFFFC000  }
0x3c: {  	_ =	swait.ge [sflag:s18], $0x4000  }
0x3d: {  	s19 =	sadd.s32 $0x1, s19;
	[sflag:s18] =	ssyncset.done $0x0  }
0x3e: {  	p0 =	sne.s32 s19, s7;
	[sflag:s18] =	ssyncadd.s32 $0xFFFFC000  }
.Ltmp1:
0x3f: {  	[bflag:$0x0] =	sbarrier.arrive $0xFFFF;
	(pc) =	sbr.rel @p0 .LBB2_1-.Ltmp1, $4  }
0x40: {  	[hbm:s10], [sflag:s9] =	dma.local [spmem:s11], $0xA00  }
0x41: {  	_ =	swait.ge [sflag:s12], $0xA00  }
0x42: {  	[sflag:s12] =	ssyncset.done $0x0  }
0x43: {  	[sflag:s12] =	ssyncadd.s32 $0xFFFFF600  }
0x44: {  	_ =	sfence.sel $0x180000  }
0x45: {  	[bflag:$0x0] =	sbarrier.arrive $0xFFFF  }
0x46: {  	p0 =	sne.s32 s1, $0x0;
	_ =	strace $0x90000053  }
0x47: {  	s0 =	sadd.s32 @!p0 $0x100000, s0;
	[bflag:$0x2] =	sbarrier.arrive $0xFFFF  }
0x48: {  	[sflag:s0] =	ssyncadd.tile.s32 @!p0 $0x1;
	_ =	shalt  }
.Lfunc_end2:
_tile_overlayer_lowered:
.L_overlay_start_2:
0x49: {  	(tag) =	ssettag $0x2  }
0x4a: {  	s0 =	rddreg [dreg:$0x0];
	s2 =	stileid.u32  }
0x4b: {  	s1 =	rddreg [dreg:$0x1];
	p0 =	sne.s32 s2, $0x0  }
0x4c: {  	s3 =	rddreg [dreg:$0x2];
	[bflag:$0x3] =	sbarrier.arrive $0xFFFF;
	s2 =	simm.s32 @!p0 $0x1C09  }
0x4d: {  	[timem:s3], [sflag:s2] =	dma.local @!p0 [hbm:s0], s1  }
0x4e: {  	s0 =	simm.s32 @!p0 $0x9  }
0x4f: {  	_ =	swait.ge @!p0 [sflag:s0], s1  }
0x50: {  	s1 =	ssub.s32 @!p0 $0x0, s1;
	[sflag:s0] =	ssyncset.done @!p0 $0x0  }
0x51: {  	[sflag:s0] =	ssyncadd.s32 @!p0 s1  }
0x52: {  	[bflag:$0x3] =	sbarrier.arrive $0xFFFF  }
0x53: {  	_ =	shalt  }

</sc_bundles>
